<compile_context>
chip_gen: v7x
topology: tpu7x:2x2x1
jax: 0.10.2.dev20260603
libtpu: 0.0.44.dev20260713+nightly
codegen_flags: <defaults>
</compile_context>

<pallas_src>
import functools

import jax
import jax.numpy as jnp
from jax import lax
from jax.experimental import pallas as pl
from jax.experimental.pallas import tpu as pltpu
from jax.experimental.pallas import tpu_sc as plsc

_N = 10000
_NP = 10240
_E = 320000
_D = 128
_P = 16384

_NC = 2
_NS = 16
_NW = _NC * _NS
_L = 16

_HD = _D // 2
_EC = 80
_EPW = _E // _NW
_NCH = _EPW // _EC
_DC = 2000
_NDC = _EPW // _DC
_RPT = _NP // _NS
_PPW = _P // _NW


def _zero16():
    return jnp.zeros((_L,), jnp.float32)


def _sc_agg_body(with_deg, h_hbm, src_hbm, dst_hbm, *rest):
    if with_deg:
        (agg_out, dega_out, degb_out, acc, deg_s,
         idx_sa, idx_sb, idx_sc, idx_da, idx_db, idx_dc,
         idx_g0, idx_g1, idx_g2, idx_g3, idx_g4,
         rows_a, rows_b, rows_c, ones_v, sem_a, sem_b, sem_c) = rest
        idx_gs = (idx_g0, idx_g1, idx_g2, idx_g3, idx_g4)
    else:
        (agg_out, acc, deg_s,
         idx_sa, idx_sb, idx_sc, idx_da, idx_db, idx_dc,
         idx_g0, idx_g1, idx_g2, idx_g3, idx_g4,
         rows_a, rows_b, rows_c, ones_v, sem_a, sem_b, sem_c) = rest
        idx_gs = ()
    c = lax.axis_index("c")
    s = lax.axis_index("s")
    wid = s * _NC + c
    r0 = s * _RPT

    def zrow(i, _):
        for k in range(_D // _L):
            rows_a[i, pl.ds(k * _L, _L)] = _zero16()
        return 0
    lax.fori_loop(0, _EC, zrow, 0)

    def zacc(i, _):
        pltpu.sync_copy(rows_a, acc.at[pl.ds(r0 + i * _EC, _EC)])
        return 0
    lax.fori_loop(0, _RPT // _EC, zacc, 0)

    def ofill(i, val):
        ones_v[pl.ds(i * _L, _L)] = jnp.full((_L,), val, jnp.float32)
        return val
    if with_deg:
        lax.fori_loop(0, _DC // _L, ofill, 0.0)
        pltpu.sync_copy(ones_v.at[pl.ds(0, _RPT)], deg_s.at[pl.ds(r0, _RPT)])
        lax.fori_loop(0, _DC // _L, ofill, 1.0)

    plsc.subcore_barrier()

    if with_deg:
        for j, g in enumerate(idx_gs):
            pltpu.sync_copy(dst_hbm.at[pl.ds(wid * _EPW + j * _DC, _DC)], g)
        for g in idx_gs:
            pltpu.sync_copy(ones_v, deg_s.at[g], add=True)

    def gstart(chunk, sidx, didx, rbuf, sem):
        base = wid * _EPW + chunk * _EC
        pltpu.sync_copy(src_hbm.at[pl.ds(base, _EC)], sidx)
        pltpu.sync_copy(dst_hbm.at[pl.ds(base, _EC)], didx)
        pltpu.async_copy(h_hbm.at[sidx], rbuf, sem)

    def gwait(sidx, rbuf, sem):
        pltpu.make_async_copy(h_hbm.at[sidx], rbuf, sem).wait()

    def scat(didx, rbuf):
        pltpu.sync_copy(rbuf, acc.at[didx], add=True)

    gstart(0, idx_sa, idx_da, rows_a, sem_a)
    gstart(1, idx_sb, idx_db, rows_b, sem_b)

    def body(i, _):
        a = 3 * i
        gstart(a + 2, idx_sc, idx_dc, rows_c, sem_c)
        gwait(idx_sa, rows_a, sem_a)
        scat(idx_da, rows_a)
        gstart(a + 3, idx_sa, idx_da, rows_a, sem_a)
        gwait(idx_sb, rows_b, sem_b)
        scat(idx_db, rows_b)
        gstart(a + 4, idx_sb, idx_db, rows_b, sem_b)
        gwait(idx_sc, rows_c, sem_c)
        scat(idx_dc, rows_c)
        return 0
    lax.fori_loop(0, (_NCH - 2) // 3, body, 0)
    gwait(idx_sa, rows_a, sem_a)
    scat(idx_da, rows_a)
    gwait(idx_sb, rows_b, sem_b)
    scat(idx_db, rows_b)

    plsc.subcore_barrier()

    pltpu.sync_copy(acc.at[pl.ds(r0, _RPT)], agg_out.at[c, pl.ds(r0, _RPT)])

    if with_deg:
        @pl.when(c == 0)
        def _():
            pltpu.sync_copy(deg_s.at[pl.ds(r0, _RPT)],
                            dega_out.at[pl.ds(r0, _RPT)])

        @pl.when(c == 1)
        def _():
            pltpu.sync_copy(deg_s.at[pl.ds(r0, _RPT)],
                            degb_out.at[pl.ds(r0, _RPT)])


def _agg_scratch():
    return [
        pltpu.VMEM_SHARED((_NP, _D), jnp.float32),
        pltpu.VMEM_SHARED((_NP,), jnp.float32),
        pltpu.VMEM((_EC,), jnp.int32),
        pltpu.VMEM((_EC,), jnp.int32),
        pltpu.VMEM((_EC,), jnp.int32),
        pltpu.VMEM((_EC,), jnp.int32),
        pltpu.VMEM((_EC,), jnp.int32),
        pltpu.VMEM((_EC,), jnp.int32),
        pltpu.VMEM((_DC,), jnp.int32),
        pltpu.VMEM((_DC,), jnp.int32),
        pltpu.VMEM((_DC,), jnp.int32),
        pltpu.VMEM((_DC,), jnp.int32),
        pltpu.VMEM((_DC,), jnp.int32),
        pltpu.VMEM((_EC, _D), jnp.float32),
        pltpu.VMEM((_EC, _D), jnp.float32),
        pltpu.VMEM((_EC, _D), jnp.float32),
        pltpu.VMEM((_DC,), jnp.float32),
        pltpu.SemaphoreType.DMA,
        pltpu.SemaphoreType.DMA,
        pltpu.SemaphoreType.DMA,
    ]


_half_shape = jax.ShapeDtypeStruct((_NP, _HD), jnp.float32)

_sc_agg_deg = functools.partial(
    pl.kernel,
    out_type=[
        jax.ShapeDtypeStruct((_NC, _NP, _D), jnp.float32),
        jax.ShapeDtypeStruct((_NP,), jnp.float32),
        jax.ShapeDtypeStruct((_NP,), jnp.float32),
    ],
    mesh=plsc.VectorSubcoreMesh(core_axis_name="c", subcore_axis_name="s"),
    scratch_types=_agg_scratch(),
)(functools.partial(_sc_agg_body, True))

_sc_agg_nodeg = functools.partial(
    pl.kernel,
    out_type=jax.ShapeDtypeStruct((_NC, _NP, _D), jnp.float32),
    mesh=plsc.VectorSubcoreMesh(core_axis_name="c", subcore_axis_name="s"),
    scratch_types=_agg_scratch(),
)(functools.partial(_sc_agg_body, False))


def _sc_gather_body(h_hbm, ps_hbm, pd_hbm, ns_hbm, nd_hbm, bias_hbm,
                    sp_out, dp_out, sn_out, dn_out, bdiff_out,
                    rows, psv, pdv, nsv, ndv,
                    pbs_v, pbd_v, nbs_v, nbd_v, bd_v):
    c = lax.axis_index("c")
    s = lax.axis_index("s")
    wid = s * _NC + c
    base = wid * _PPW

    pltpu.sync_copy(ps_hbm.at[pl.ds(base, _PPW)], psv)
    pltpu.sync_copy(pd_hbm.at[pl.ds(base, _PPW)], pdv)
    pltpu.sync_copy(ns_hbm.at[pl.ds(base, _PPW)], nsv)
    pltpu.sync_copy(nd_hbm.at[pl.ds(base, _PPW)], ndv)

    pltpu.sync_copy(bias_hbm.at[psv], pbs_v)
    pltpu.sync_copy(bias_hbm.at[pdv], pbd_v)
    pltpu.sync_copy(bias_hbm.at[nsv], nbs_v)
    pltpu.sync_copy(bias_hbm.at[ndv], nbd_v)

    def comb(t, _):
        o = t * _L
        bd_v[pl.ds(o, _L)] = (nbs_v[pl.ds(o, _L)] + nbd_v[pl.ds(o, _L)]
                              - pbs_v[pl.ds(o, _L)] - pbd_v[pl.ds(o, _L)])
        return 0
    lax.fori_loop(0, _PPW // _L, comb, 0)
    pltpu.sync_copy(bd_v, bdiff_out.at[pl.ds(base, _PPW)])

    for idx_v, out in ((psv, sp_out), (pdv, dp_out),
                       (nsv, sn_out), (ndv, dn_out)):
        pltpu.sync_copy(h_hbm.at[idx_v], rows)
        pltpu.sync_copy(rows, out.at[pl.ds(base, _PPW)])


_sc_gather = functools.partial(
    pl.kernel,
    out_type=[
        jax.ShapeDtypeStruct((_P, _D), jnp.float32),
        jax.ShapeDtypeStruct((_P, _D), jnp.float32),
        jax.ShapeDtypeStruct((_P, _D), jnp.float32),
        jax.ShapeDtypeStruct((_P, _D), jnp.float32),
        jax.ShapeDtypeStruct((_P,), jnp.float32),
    ],
    mesh=plsc.VectorSubcoreMesh(core_axis_name="c", subcore_axis_name="s"),
    scratch_types=[
        pltpu.VMEM((_PPW, _D), jnp.float32),
        pltpu.VMEM((_PPW,), jnp.int32),
        pltpu.VMEM((_PPW,), jnp.int32),
        pltpu.VMEM((_PPW,), jnp.int32),
        pltpu.VMEM((_PPW,), jnp.int32),
        pltpu.VMEM((_PPW,), jnp.float32),
        pltpu.VMEM((_PPW,), jnp.float32),
        pltpu.VMEM((_PPW,), jnp.float32),
        pltpu.VMEM((_PPW,), jnp.float32),
        pltpu.VMEM((_PPW,), jnp.float32),
    ],
)(_sc_gather_body)


_BR = 1024


def _dot(a, b):
    return jnp.dot(a, b, preferred_element_type=jnp.float32,
                   precision=lax.Precision.HIGHEST)


def _tc_proj_body(x_ref, wp_ref, h0_ref):
    h0_ref[...] = _dot(x_ref[...], wp_ref[...])


def _tc_self_body(h_ref, ws_ref, s_ref):
    s_ref[...] = _dot(h_ref[...], ws_ref[...])


def _neigh_relu(selfp_ref, a_ref, b_ref, dega_ref, degb_ref, wn_ref,
                bias_ref):
    scale = 1.0 / jnp.maximum(dega_ref[...] + degb_ref[...], 1.0)
    agg = (a_ref[...] + b_ref[...]) * scale
    neigh = _dot(agg, wn_ref[...])
    return jnp.maximum(selfp_ref[...] + neigh + bias_ref[...], 0.0)


def _tc_layer_body(selfp_ref, a_ref, b_ref, dega_ref, degb_ref, wn_ref,
                   bias_ref, h_ref):
    h_ref[...] = _neigh_relu(selfp_ref, a_ref, b_ref, dega_ref, degb_ref,
                             wn_ref, bias_ref)


def _tc_final_body(selfp_ref, a_ref, b_ref, dega_ref, degb_ref, wn_ref,
                   bias_ref, h0_ref, out_ref):
    h = _neigh_relu(selfp_ref, a_ref, b_ref, dega_ref, degb_ref,
                    wn_ref, bias_ref)
    out_ref[...] = h0_ref[...] + h


def _tc_score_body(sp_ref, dp_ref, sn_ref, dn_ref, bd_ref, out_ref):
    posdot = jnp.sum(sp_ref[...] * dp_ref[...], axis=1, keepdims=True)
    negdot = jnp.sum(sn_ref[...] * dn_ref[...], axis=1, keepdims=True)
    out_ref[...] = jnp.maximum(negdot - posdot + bd_ref[...] + 1.0, 0.0)


def _row_spec():
    return pl.BlockSpec((_BR, _D), lambda i: (i, 0))


def _half_spec():
    return pl.BlockSpec((_BR, _HD), lambda i: (i, 0))


def _w_spec():
    return pl.BlockSpec((_D, _D), lambda i: (0, 0))


def _b_spec():
    return pl.BlockSpec((1, _D), lambda i: (0, 0))


def _deg_spec():
    return pl.BlockSpec((_BR, 1), lambda i: (i, 0))


_GRID = (_NP // _BR,)

_full_shape = jax.ShapeDtypeStruct((_NP, _D), jnp.float32)

_tc_proj = pl.pallas_call(
    _tc_proj_body,
    grid=_GRID,
    in_specs=[_row_spec(), _w_spec()],
    out_specs=_row_spec(),
    out_shape=_full_shape,
)

_tc_self = pl.pallas_call(
    _tc_self_body,
    grid=_GRID,
    in_specs=[_row_spec(), _w_spec()],
    out_specs=_row_spec(),
    out_shape=_full_shape,
)

_tc_layer = pl.pallas_call(
    _tc_layer_body,
    grid=_GRID,
    in_specs=[_row_spec(), _row_spec(), _row_spec(), _deg_spec(),
              _deg_spec(), _w_spec(), _b_spec()],
    out_specs=_row_spec(),
    out_shape=_full_shape,
)

_tc_final = pl.pallas_call(
    _tc_final_body,
    grid=_GRID,
    in_specs=[_row_spec(), _row_spec(), _row_spec(), _deg_spec(),
              _deg_spec(), _w_spec(), _b_spec(), _row_spec()],
    out_specs=_row_spec(),
    out_shape=_full_shape,
)

_tc_score = pl.pallas_call(
    _tc_score_body,
    grid=(_P // _BR,),
    in_specs=[_row_spec(), _row_spec(), _row_spec(), _row_spec(),
              _deg_spec()],
    out_specs=_deg_spec(),
    out_shape=jax.ShapeDtypeStruct((_P, 1), jnp.float32),
)


def kernel(x, edge_index, pos_edges, neg_edges, W_proj, W_self1, W_neigh1,
           b1, W_self2, W_neigh2, b2, item_bias):
    xp = jnp.pad(x, ((0, _NP - _N), (0, 0)))
    src = edge_index[0]
    dst = edge_index[1]

    h0 = _tc_proj(xp, W_proj)
    agg1, dega1, degb1 = _sc_agg_deg(h0, src, dst)
    s1 = _tc_self(h0, W_self1)
    dega = dega1[:, None]
    degb = degb1[:, None]
    h1 = _tc_layer(s1, agg1[0], agg1[1], dega, degb, W_neigh1,
                   b1.reshape(1, _D))
    agg2 = _sc_agg_nodeg(h1, src, dst)
    s2 = _tc_self(h1, W_self2)
    h_item = _tc_final(s2, agg2[0], agg2[1], dega, degb, W_neigh2,
                       b2.reshape(1, _D), h0)
    sp, dp, sn, dn, bdiff = _sc_gather(h_item, pos_edges[0], pos_edges[1],
                                       neg_edges[0], neg_edges[1], item_bias)
    return _tc_score(sp, dp, sn, dn, bdiff[:, None]).reshape(_P)

# --- scband reference (transcript-rebuilt; emitter-appended) ---
"""Pipeline reference for scband-yvan-model-60344290509425 (READ-ONLY COPY).

The authoritative reference and input builder live on the scoring server;
editing this copy changes nothing except your own understanding.
"""

import jax, jax.numpy as jnp
import numpy as np

N = 10000   # n_nodes
E = 320000  # n_edges
D = 128     # d_feat
H = 128     # hidden_dim
P = 16384   # pos/neg edges to score


def setup_inputs(seed: int = 0) -> dict:
    key = jax.random.key(seed)
    ks = jax.random.split(key, 12)
    x = jax.random.normal(ks[0], (N, D), dtype=jnp.float32)
    edge_index = jax.random.randint(ks[1], (2, E), 0, N, dtype=jnp.int32)
    pos_edges = jax.random.randint(ks[2], (2, P), 0, N, dtype=jnp.int32)
    neg_edges = jax.random.randint(ks[3], (2, P), 0, N, dtype=jnp.int32)
    s = 1.0 / np.sqrt(H)
    W_proj = jax.random.normal(ks[4], (D, H), dtype=jnp.float32) * s
    W_self1 = jax.random.normal(ks[5], (H, H), dtype=jnp.float32) * s
    W_neigh1 = jax.random.normal(ks[6], (H, H), dtype=jnp.float32) * s
    b1 = jnp.zeros((H,), dtype=jnp.float32)
    W_self2 = jax.random.normal(ks[7], (H, H), dtype=jnp.float32) * s
    W_neigh2 = jax.random.normal(ks[8], (H, H), dtype=jnp.float32) * s
    b2 = jnp.zeros((H,), dtype=jnp.float32)
    item_bias = jax.random.normal(ks[9], (N,), dtype=jnp.float32) * 0.01
    return {"x": x, "edge_index": edge_index, "pos_edges": pos_edges,
            "neg_edges": neg_edges, "W_proj": W_proj,
            "W_self1": W_self1, "W_neigh1": W_neigh1, "b1": b1,
            "W_self2": W_self2, "W_neigh2": W_neigh2, "b2": b2,
            "item_bias": item_bias}


def _sage_layer(h, src, dst, deg, W_self, W_neigh, b):
    # message passing: mean-aggregate neighbor features (gather + scatter-add)
    msg = jnp.take(h, src, axis=0)
    agg = jax.ops.segment_sum(msg, dst, num_segments=N) / deg
    return jax.nn.relu(h @ W_self + agg @ W_neigh + b)


def reference(x, edge_index, pos_edges, neg_edges, W_proj,
              W_self1, W_neigh1, b1, W_self2, W_neigh2, b2, item_bias):
    src = edge_index[0]
    dst = edge_index[1]
    deg = jax.ops.segment_sum(jnp.ones((E,), jnp.float32), dst, num_segments=N)
    deg = jnp.maximum(deg, 1.0)[:, None]
    # LinearProjector
    h0 = x @ W_proj
    # SAGENet (n_layers=2)
    h = _sage_layer(h0, src, dst, deg, W_self1, W_neigh1, b1)
    h = _sage_layer(h, src, dst, deg, W_self2, W_neigh2, b2)
    # get_repr: dst projection skip + sage output
    h_item = h0 + h
    # ItemToItemScorer: dot-product edge score + per-item bias
    def score(edges):
        s = edges[0]
        d = edges[1]
        return (jnp.sum(jnp.take(h_item, s, axis=0) * jnp.take(h_item, d, axis=0), axis=1)
                + jnp.take(item_bias, s) + jnp.take(item_bias, d))
    pos_scores = score(pos_edges)
    neg_scores = score(neg_edges)
    return jnp.maximum(neg_scores - pos_scores + 1.0, 0.0)

if __name__ == "__main__":
    import jax
    _d = setup_inputs()
    print(jax.jit(kernel)(*tuple(_d.values())))

</pallas_src>

<mosaic_0001>
#map = affine_map<(d0, d1) -> (0, 0)>
#map1 = affine_map<(d0, d1) -> (0)>
#map2 = affine_map<(d0, d1) -> (0, 0, 0)>
module attributes {stable_mosaic.version = 14 : i64} {
  func.func @_sc_agg_body(%arg0: i32, %arg1: i32, %arg2: memref<10240x128xf32, #tpu.memory_space<hbm>>, %arg3: memref<320000xi32, #tpu.memory_space<hbm>>, %arg4: memref<320000xi32, #tpu.memory_space<hbm>>, %arg5: memref<2x10240x128xf32, #tpu.memory_space<hbm>>, %arg6: memref<10240x128xf32, #tpu.memory_space<vmem_shared>>, %arg7: memref<10240xf32, #tpu.memory_space<vmem_shared>>, %arg8: memref<80xi32, #tpu.memory_space<vmem>>, %arg9: memref<80xi32, #tpu.memory_space<vmem>>, %arg10: memref<80xi32, #tpu.memory_space<vmem>>, %arg11: memref<80xi32, #tpu.memory_space<vmem>>, %arg12: memref<80xi32, #tpu.memory_space<vmem>>, %arg13: memref<80xi32, #tpu.memory_space<vmem>>, %arg14: memref<2000xi32, #tpu.memory_space<vmem>>, %arg15: memref<2000xi32, #tpu.memory_space<vmem>>, %arg16: memref<2000xi32, #tpu.memory_space<vmem>>, %arg17: memref<2000xi32, #tpu.memory_space<vmem>>, %arg18: memref<2000xi32, #tpu.memory_space<vmem>>, %arg19: memref<80x128xf32, #tpu.memory_space<vmem>>, %arg20: memref<80x128xf32, #tpu.memory_space<vmem>>, %arg21: memref<80x128xf32, #tpu.memory_space<vmem>>, %arg22: memref<2000xf32, #tpu.memory_space<vmem>>, %arg23: memref<!tpu.dma_semaphore, #tpu.memory_space<semaphore_mem>>, %arg24: memref<!tpu.dma_semaphore, #tpu.memory_space<semaphore_mem>>, %arg25: memref<!tpu.dma_semaphore, #tpu.memory_space<semaphore_mem>>) attributes {dimension_semantics = [#tpu.dimension_semantics<core_parallel>, #tpu.dimension_semantics<subcore_parallel>], iteration_bounds = array<i64: 2, 16>, scalar_prefetch = 0 : i64, scratch_operands = 20 : i64, tpu.core_type = #tpu.core_type<sc_vector_subcore>, window_params = [{transform_indices = #map}, {transform_indices = #map1}, {transform_indices = #map1}, {transform_indices = #map2}]} {
    %mul3A = arith.constant 2 : i32
    %mul3A_0 = arith.muli %arg1, %mul3A : i32
    %add3A = arith.addi %mul3A_0, %arg0 : i32
    %mul3A_1 = arith.constant 640 : i32
    %mul3A_2 = arith.muli %arg1, %mul3A_1 : i32
    %scan3A = arith.constant 0 : i32
    %scan3A_3 = arith.constant 0 : i32
    %scan3A_4 = arith.constant 80 : i32
    %scan3A_5 = arith.addi %scan3A_3, %scan3A_4 : i32
    %scan3A_6 = arith.constant 1 : i32
    %scan3A_7 = scf.for %scan3A_42 = %scan3A_3 to %scan3A_5 step %scan3A_6 iter_args(%scan3A_43 = %scan3A) -> (i32)  : i32 {
      %broadcast_in_dim3A = arith.constant 0.000000e+00 : f32
      %broadcast_in_dim3A_44 = vector.broadcast %broadcast_in_dim3A : f32 to vector<16xf32>
      %swap3A = arith.index_cast %scan3A_42 : i32 to index
      %swap3A_45 = arith.constant 0 : index
      %swap3A_46 = tpu.vector_load %arg19[%swap3A, %swap3A_45] {strides = array<i32>} : memref<80x128xf32, #tpu.memory_space<vmem>>, vector<1x16xf32>,
      %swap3A_47 = vector.shape_cast %swap3A_46 : vector<1x16xf32> to vector<16xf32>
      %swap3A_48 = vector.shape_cast %broadcast_in_dim3A_44 : vector<16xf32> to vector<1x16xf32>
      tpu.vector_store %arg19[%swap3A, %swap3A_45], %swap3A_48 {strides = array<i32>} : memref<80x128xf32, #tpu.memory_space<vmem>>, vector<1x16xf32>,
      %broadcast_in_dim3A_49 = arith.constant 0.000000e+00 : f32
      %broadcast_in_dim3A_50 = vector.broadcast %broadcast_in_dim3A_49 : f32 to vector<16xf32>
      %swap3A_51 = arith.index_cast %scan3A_42 : i32 to index
      %swap3A_52 = arith.constant 16 : index
      %swap3A_53 = tpu.vector_load %arg19[%swap3A_51, %swap3A_52] {strides = array<i32>} : memref<80x128xf32, #tpu.memory_space<vmem>>, vector<1x16xf32>,
      %swap3A_54 = vector.shape_cast %swap3A_53 : vector<1x16xf32> to vector<16xf32>
      %swap3A_55 = vector.shape_cast %broadcast_in_dim3A_50 : vector<16xf32> to vector<1x16xf32>
      tpu.vector_store %arg19[%swap3A_51, %swap3A_52], %swap3A_55 {strides = array<i32>} : memref<80x128xf32, #tpu.memory_space<vmem>>, vector<1x16xf32>,
      %broadcast_in_dim3A_56 = arith.constant 0.000000e+00 : f32
      %broadcast_in_dim3A_57 = vector.broadcast %broadcast_in_dim3A_56 : f32 to vector<16xf32>
      %swap3A_58 = arith.index_cast %scan3A_42 : i32 to index
      %swap3A_59 = arith.constant 32 : index
      %swap3A_60 = tpu.vector_load %arg19[%swap3A_58, %swap3A_59] {strides = array<i32>} : memref<80x128xf32, #tpu.memory_space<vmem>>, vector<1x16xf32>,
      %swap3A_61 = vector.shape_cast %swap3A_60 : vector<1x16xf32> to vector<16xf32>
      %swap3A_62 = vector.shape_cast %broadcast_in_dim3A_57 : vector<16xf32> to vector<1x16xf32>
      tpu.vector_store %arg19[%swap3A_58, %swap3A_59], %swap3A_62 {strides = array<i32>} : memref<80x128xf32, #tpu.memory_space<vmem>>, vector<1x16xf32>,
      %broadcast_in_dim3A_63 = arith.constant 0.000000e+00 : f32
      %broadcast_in_dim3A_64 = vector.broadcast %broadcast_in_dim3A_63 : f32 to vector<16xf32>
      %swap3A_65 = arith.index_cast %scan3A_42 : i32 to index
      %swap3A_66 = arith.constant 48 : index
      %swap3A_67 = tpu.vector_load %arg19[%swap3A_65, %swap3A_66] {strides = array<i32>} : memref<80x128xf32, #tpu.memory_space<vmem>>, vector<1x16xf32>,
      %swap3A_68 = vector.shape_cast %swap3A_67 : vector<1x16xf32> to vector<16xf32>
      %swap3A_69 = vector.shape_cast %broadcast_in_dim3A_64 : vector<16xf32> to vector<1x16xf32>
      tpu.vector_store %arg19[%swap3A_65, %swap3A_66], %swap3A_69 {strides = array<i32>} : memref<80x128xf32, #tpu.memory_space<vmem>>, vector<1x16xf32>,
      %broadcast_in_dim3A_70 = arith.constant 0.000000e+00 : f32
      %broadcast_in_dim3A_71 = vector.broadcast %broadcast_in_dim3A_70 : f32 to vector<16xf32>
      %swap3A_72 = arith.index_cast %scan3A_42 : i32 to index
      %swap3A_73 = arith.constant 64 : index
      %swap3A_74 = tpu.vector_load %arg19[%swap3A_72, %swap3A_73] {strides = array<i32>} : memref<80x128xf32, #tpu.memory_space<vmem>>, vector<1x16xf32>,
      %swap3A_75 = vector.shape_cast %swap3A_74 : vector<1x16xf32> to vector<16xf32>
      %swap3A_76 = vector.shape_cast %broadcast_in_dim3A_71 : vector<16xf32> to vector<1x16xf32>
      tpu.vector_store %arg19[%swap3A_72, %swap3A_73], %swap3A_76 {strides = array<i32>} : memref<80x128xf32, #tpu.memory_space<vmem>>, vector<1x16xf32>,
      %broadcast_in_dim3A_77 = arith.constant 0.000000e+00 : f32
      %broadcast_in_dim3A_78 = vector.broadcast %broadcast_in_dim3A_77 : f32 to vector<16xf32>
      %swap3A_79 = arith.index_cast %scan3A_42 : i32 to index
      %swap3A_80 = arith.constant 80 : index
      %swap3A_81 = tpu.vector_load %arg19[%swap3A_79, %swap3A_80] {strides = array<i32>} : memref<80x128xf32, #tpu.memory_space<vmem>>, vector<1x16xf32>,
      %swap3A_82 = vector.shape_cast %swap3A_81 : vector<1x16xf32> to vector<16xf32>
      %swap3A_83 = vector.shape_cast %broadcast_in_dim3A_78 : vector<16xf32> to vector<1x16xf32>
      tpu.vector_store %arg19[%swap3A_79, %swap3A_80], %swap3A_83 {strides = array<i32>} : memref<80x128xf32, #tpu.memory_space<vmem>>, vector<1x16xf32>,
      %broadcast_in_dim3A_84 = arith.constant 0.000000e+00 : f32
      %broadcast_in_dim3A_85 = vector.broadcast %broadcast_in_dim3A_84 : f32 to vector<16xf32>
      %swap3A_86 = arith.index_cast %scan3A_42 : i32 to index
      %swap3A_87 = arith.constant 96 : index
      %swap3A_88 = tpu.vector_load %arg19[%swap3A_86, %swap3A_87] {strides = array<i32>} : memref<80x128xf32, #tpu.memory_space<vmem>>, vector<1x16xf32>,
      %swap3A_89 = vector.shape_cast %swap3A_88 : vector<1x16xf32> to vector<16xf32>
      %swap3A_90 = vector.shape_cast %broadcast_in_dim3A_85 : vector<16xf32> to vector<1x16xf32>
      tpu.vector_store %arg19[%swap3A_86, %swap3A_87], %swap3A_90 {strides = array<i32>} : memref<80x128xf32, #tpu.memory_space<vmem>>, vector<1x16xf32>,
      %broadcast_in_dim3A_91 = arith.constant 0.000000e+00 : f32
      %broadcast_in_dim3A_92 = vector.broadcast %broadcast_in_dim3A_91 : f32 to vector<16xf32>
      %swap3A_93 = arith.index_cast %scan3A_42 : i32 to index
      %swap3A_94 = arith.constant 112 : index
      %swap3A_95 = tpu.vector_load %arg19[%swap3A_93, %swap3A_94] {strides = array<i32>} : memref<80x128xf32, #tpu.memory_space<vmem>>, vector<1x16xf32>,
      %swap3A_96 = vector.shape_cast %swap3A_95 : vector<1x16xf32> to vector<16xf32>
      %swap3A_97 = vector.shape_cast %broadcast_in_dim3A_92 : vector<16xf32> to vector<1x16xf32>
      tpu.vector_store %arg19[%swap3A_93, %swap3A_94], %swap3A_97 {strides = array<i32>} : memref<80x128xf32, #tpu.memory_space<vmem>>, vector<1x16xf32>,
      %scan3A_98 = arith.constant 0 : i32
      scf.yield %scan3A_98 : i32
    }
    %scan3A_8 = arith.constant 80 : i32
    %scan3A_9 = arith.constant 0 : i32
    %scan3A_10 = arith.constant 0 : i32
    %scan3A_11 = arith.constant 8 : i32
    %scan3A_12 = arith.addi %scan3A_10, %scan3A_11 : i32
    %scan3A_13 = arith.constant 1 : i32
    %scan3A_14 = scf.for %scan3A_42 = %scan3A_10 to %scan3A_12 step %scan3A_13 iter_args(%scan3A_43 = %scan3A_9) -> (i32)  : i32 {
      %mul3A_44 = arith.constant 80 : i32
      %mul3A_45 = arith.muli %scan3A_42, %mul3A_44 : i32
      %add3A_46 = arith.addi %mul3A_2, %mul3A_45 : i32
      "tpu.region"() ({
        %run_scoped3A = tpu.sem_alloc : memref<!tpu.dma_semaphore, #tpu.memory_space<semaphore_mem>>
        %dma_start3A_48 = arith.constant 0 : i32
        %dma_start3A_49 = tpu.memref_slice %arg6[%add3A_46, %dma_start3A_48] : memref<10240x128xf32, #tpu.memory_space<vmem_shared>> -> memref<80x128xf32, #tpu.memory_space<vmem_shared>>
        %dma_start3A_50 = arith.constant 0 : i32
        %dma_start3A_51 = tpu.memref_slice %arg6[%add3A_46, %dma_start3A_50] : memref<10240x128xf32, #tpu.memory_space<vmem_shared>> -> memref<80x128xf32, #tpu.memory_space<vmem_shared>>
        tpu.enqueue_dma source(%arg19 : memref<80x128xf32, #tpu.memory_space<vmem>>) target(%dma_start3A_51 : memref<80x128xf32, #tpu.memory_space<vmem_shared>>) target_semaphore(%run_scoped3A : memref<!tpu.dma_semaphore, #tpu.memory_space<semaphore_mem>>)
        %dma_wait3A_52 = arith.constant 0 : i32
        %dma_wait3A_53 = tpu.memref_slice %arg6[%add3A_46, %dma_wait3A_52] : memref<10240x128xf32, #tpu.memory_space<vmem_shared>> -> memref<80x128xf32, #tpu.memory_space<vmem_shared>>
        %dma_wait3A_54 = arith.constant 0 : i32
        %dma_wait3A_55 = tpu.memref_slice %arg6[%add3A_46, %dma_wait3A_54] : memref<10240x128xf32, #tpu.memory_space<vmem_shared>> -> memref<80x128xf32, #tpu.memory_space<vmem_shared>>
        tpu.wait_dma2 semaphore(%run_scoped3A : memref<!tpu.dma_semaphore, #tpu.memory_space<semaphore_mem>>) src(%arg19 : memref<80x128xf32, #tpu.memory_space<vmem>>) dst(%dma_wait3A_55 : memref<80x128xf32, #tpu.memory_space<vmem_shared>>)
        tpu.yield
      }) : () -> ()
      %scan3A_47 = arith.constant 0 : i32
      scf.yield %scan3A_47 : i32
    }
    %scan3A_15 = arith.constant 8 : i32
    %barrier3A = arith.constant 0 : index
    tpu.barrier barrier_id(%barrier3A)
    %mul3A_16 = arith.constant 10000 : i32
    %mul3A_17 = arith.muli %add3A, %mul3A_16 : i32
    %add3A_18 = arith.constant 0 : i32
    %add3A_19 = arith.addi %mul3A_17, %add3A_18 : i32
    "tpu.region"() ({
      %run_scoped3A = tpu.sem_alloc : memref<!tpu.dma_semaphore, #tpu.memory_space<semaphore_mem>>
      %dma_start3A_42 = tpu.memref_slice %arg3[%add3A_19] : memref<320000xi32, #tpu.memory_space<hbm>> -> memref<80xi32, #tpu.memory_space<hbm>>
      %dma_start3A_43 = tpu.memref_slice %arg3[%add3A_19] : memref<320000xi32, #tpu.memory_space<hbm>> -> memref<80xi32, #tpu.memory_space<hbm>>
      tpu.enqueue_dma source(%dma_start3A_43 : memref<80xi32, #tpu.memory_space<hbm>>) target(%arg8 : memref<80xi32, #tpu.memory_space<vmem>>) target_semaphore(%run_scoped3A : memref<!tpu.dma_semaphore, #tpu.memory_space<semaphore_mem>>)
      %dma_wait3A_44 = tpu.memref_slice %arg3[%add3A_19] : memref<320000xi32, #tpu.memory_space<hbm>> -> memref<80xi32, #tpu.memory_space<hbm>>
      %dma_wait3A_45 = tpu.memref_slice %arg3[%add3A_19] : memref<320000xi32, #tpu.memory_space<hbm>> -> memref<80xi32, #tpu.memory_space<hbm>>
      tpu.wait_dma2 semaphore(%run_scoped3A : memref<!tpu.dma_semaphore, #tpu.memory_space<semaphore_mem>>) src(%dma_wait3A_45 : memref<80xi32, #tpu.memory_space<hbm>>) dst(%arg8 : memref<80xi32, #tpu.memory_space<vmem>>)
      tpu.yield
    }) : () -> ()
    "tpu.region"() ({
      %run_scoped3A = tpu.sem_alloc : memref<!tpu.dma_semaphore, #tpu.memory_space<semaphore_mem>>
      %dma_start3A_42 = tpu.memref_slice %arg4[%add3A_19] : memref<320000xi32, #tpu.memory_space<hbm>> -> memref<80xi32, #tpu.memory_space<hbm>>
      %dma_start3A_43 = tpu.memref_slice %arg4[%add3A_19] : memref<320000xi32, #tpu.memory_space<hbm>> -> memref<80xi32, #tpu.memory_space<hbm>>
      tpu.enqueue_dma source(%dma_start3A_43 : memref<80xi32, #tpu.memory_space<hbm>>) target(%arg11 : memref<80xi32, #tpu.memory_space<vmem>>) target_semaphore(%run_scoped3A : memref<!tpu.dma_semaphore, #tpu.memory_space<semaphore_mem>>)
      %dma_wait3A_44 = tpu.memref_slice %arg4[%add3A_19] : memref<320000xi32, #tpu.memory_space<hbm>> -> memref<80xi32, #tpu.memory_space<hbm>>
      %dma_wait3A_45 = tpu.memref_slice %arg4[%add3A_19] : memref<320000xi32, #tpu.memory_space<hbm>> -> memref<80xi32, #tpu.memory_space<hbm>>
      tpu.wait_dma2 semaphore(%run_scoped3A : memref<!tpu.dma_semaphore, #tpu.memory_space<semaphore_mem>>) src(%dma_wait3A_45 : memref<80xi32, #tpu.memory_space<hbm>>) dst(%arg11 : memref<80xi32, #tpu.memory_space<vmem>>)
      tpu.yield
    }) : () -> ()
    %dma_start3A = arith.constant 0 : i32
    %dma_start3A_20 = arith.constant 0 : i32
    %dma_start3A_21 = tpu.memref_slice %arg2[%dma_start3A, %dma_start3A_20] : memref<10240x128xf32, #tpu.memory_space<hbm>> -> memref<10240x128xf32, #tpu.memory_space<hbm>>
    tpu.enqueue_indirect_dma source(%dma_start3A_21 : memref<10240x128xf32, #tpu.memory_space<hbm>>) target(%arg19 : memref<80x128xf32, #tpu.memory_space<vmem>>) offsets(%arg8 : memref<80xi32, #tpu.memory_space<vmem>>) semaphore(%arg23 : memref<!tpu.dma_semaphore, #tpu.memory_space<semaphore_mem>>)
    %mul3A_22 = arith.constant 10000 : i32
    %mul3A_23 = arith.muli %add3A, %mul3A_22 : i32
    %add3A_24 = arith.constant 80 : i32
    %add3A_25 = arith.addi %mul3A_23, %add3A_24 : i32
    "tpu.region"() ({
      %run_scoped3A = tpu.sem_alloc : memref<!tpu.dma_semaphore, #tpu.memory_space<semaphore_mem>>
      %dma_start3A_42 = tpu.memref_slice %arg3[%add3A_25] : memref<320000xi32, #tpu.memory_space<hbm>> -> memref<80xi32, #tpu.memory_space<hbm>>
      %dma_start3A_43 = tpu.memref_slice %arg3[%add3A_25] : memref<320000xi32, #tpu.memory_space<hbm>> -> memref<80xi32, #tpu.memory_space<hbm>>
      tpu.enqueue_dma source(%dma_start3A_43 : memref<80xi32, #tpu.memory_space<hbm>>) target(%arg9 : memref<80xi32, #tpu.memory_space<vmem>>) target_semaphore(%run_scoped3A : memref<!tpu.dma_semaphore, #tpu.memory_space<semaphore_mem>>)
      %dma_wait3A_44 = tpu.memref_slice %arg3[%add3A_25] : memref<320000xi32, #tpu.memory_space<hbm>> -> memref<80xi32, #tpu.memory_space<hbm>>
      %dma_wait3A_45 = tpu.memref_slice %arg3[%add3A_25] : memref<320000xi32, #tpu.memory_space<hbm>> -> memref<80xi32, #tpu.memory_space<hbm>>
      tpu.wait_dma2 semaphore(%run_scoped3A : memref<!tpu.dma_semaphore, #tpu.memory_space<semaphore_mem>>) src(%dma_wait3A_45 : memref<80xi32, #tpu.memory_space<hbm>>) dst(%arg9 : memref<80xi32, #tpu.memory_space<vmem>>)
      tpu.yield
    }) : () -> ()
    "tpu.region"() ({
      %run_scoped3A = tpu.sem_alloc : memref<!tpu.dma_semaphore, #tpu.memory_space<semaphore_mem>>
      %dma_start3A_42 = tpu.memref_slice %arg4[%add3A_25] : memref<320000xi32, #tpu.memory_space<hbm>> -> memref<80xi32, #tpu.memory_space<hbm>>
      %dma_start3A_43 = tpu.memref_slice %arg4[%add3A_25] : memref<320000xi32, #tpu.memory_space<hbm>> -> memref<80xi32, #tpu.memory_space<hbm>>
      tpu.enqueue_dma source(%dma_start3A_43 : memref<80xi32, #tpu.memory_space<hbm>>) target(%arg12 : memref<80xi32, #tpu.memory_space<vmem>>) target_semaphore(%run_scoped3A : memref<!tpu.dma_semaphore, #tpu.memory_space<semaphore_mem>>)
      %dma_wait3A_44 = tpu.memref_slice %arg4[%add3A_25] : memref<320000xi32, #tpu.memory_space<hbm>> -> memref<80xi32, #tpu.memory_space<hbm>>
      %dma_wait3A_45 = tpu.memref_slice %arg4[%add3A_25] : memref<320000xi32, #tpu.memory_space<hbm>> -> memref<80xi32, #tpu.memory_space<hbm>>
      tpu.wait_dma2 semaphore(%run_scoped3A : memref<!tpu.dma_semaphore, #tpu.memory_space<semaphore_mem>>) src(%dma_wait3A_45 : memref<80xi32, #tpu.memory_space<hbm>>) dst(%arg12 : memref<80xi32, #tpu.memory_space<vmem>>)
      tpu.yield
    }) : () -> ()
    %dma_start3A_26 = arith.constant 0 : i32
    %dma_start3A_27 = arith.constant 0 : i32
    %dma_start3A_28 = tpu.memref_slice %arg2[%dma_start3A_26, %dma_start3A_27] : memref<10240x128xf32, #tpu.memory_space<hbm>> -> memref<10240x128xf32, #tpu.memory_space<hbm>>
    tpu.enqueue_indirect_dma source(%dma_start3A_28 : memref<10240x128xf32, #tpu.memory_space<hbm>>) target(%arg20 : memref<80x128xf32, #tpu.memory_space<vmem>>) offsets(%arg9 : memref<80xi32, #tpu.memory_space<vmem>>) semaphore(%arg24 : memref<!tpu.dma_semaphore, #tpu.memory_space<semaphore_mem>>)
    %scan3A_29 = arith.constant 0 : i32
    %scan3A_30 = arith.constant 0 : i32
    %scan3A_31 = arith.constant 41 : i32
    %scan3A_32 = arith.addi %scan3A_30, %scan3A_31 : i32
    %scan3A_33 = arith.constant 1 : i32
    %scan3A_34 = scf.for %scan3A_42 = %scan3A_30 to %scan3A_32 step %scan3A_33 iter_args(%scan3A_43 = %scan3A_29) -> (i32)  : i32 {
      %mul3A_44 = arith.constant 3 : i32
      %mul3A_45 = arith.muli %mul3A_44, %scan3A_42 : i32
      %add3A_46 = arith.constant 2 : i32
      %add3A_47 = arith.addi %mul3A_45, %add3A_46 : i32
      %mul3A_48 = arith.constant 10000 : i32
      %mul3A_49 = arith.muli %add3A, %mul3A_48 : i32
      %mul3A_50 = arith.constant 80 : i32
      %mul3A_51 = arith.muli %add3A_47, %mul3A_50 : i32
      %add3A_52 = arith.addi %mul3A_49, %mul3A_51 : i32
      "tpu.region"() ({
        %run_scoped3A = tpu.sem_alloc : memref<!tpu.dma_semaphore, #tpu.memory_space<semaphore_mem>>
        %dma_start3A_86 = tpu.memref_slice %arg3[%add3A_52] : memref<320000xi32, #tpu.memory_space<hbm>> -> memref<80xi32, #tpu.memory_space<hbm>>
        %dma_start3A_87 = tpu.memref_slice %arg3[%add3A_52] : memref<320000xi32, #tpu.memory_space<hbm>> -> memref<80xi32, #tpu.memory_space<hbm>>
        tpu.enqueue_dma source(%dma_start3A_87 : memref<80xi32, #tpu.memory_space<hbm>>) target(%arg10 : memref<80xi32, #tpu.memory_space<vmem>>) target_semaphore(%run_scoped3A : memref<!tpu.dma_semaphore, #tpu.memory_space<semaphore_mem>>)
        %dma_wait3A_88 = tpu.memref_slice %arg3[%add3A_52] : memref<320000xi32, #tpu.memory_space<hbm>> -> memref<80xi32, #tpu.memory_space<hbm>>
        %dma_wait3A_89 = tpu.memref_slice %arg3[%add3A_52] : memref<320000xi32, #tpu.memory_space<hbm>> -> memref<80xi32, #tpu.memory_space<hbm>>
        tpu.wait_dma2 semaphore(%run_scoped3A : memref<!tpu.dma_semaphore, #tpu.memory_space<semaphore_mem>>) src(%dma_wait3A_89 : memref<80xi32, #tpu.memory_space<hbm>>) dst(%arg10 : memref<80xi32, #tpu.memory_space<vmem>>)
        tpu.yield
      }) : () -> ()
      "tpu.region"() ({
        %run_scoped3A = tpu.sem_alloc : memref<!tpu.dma_semaphore, #tpu.memory_space<semaphore_mem>>
        %dma_start3A_86 = tpu.memref_slice %arg4[%add3A_52] : memref<320000xi32, #tpu.memory_space<hbm>> -> memref<80xi32, #tpu.memory_space<hbm>>
        %dma_start3A_87 = tpu.memref_slice %arg4[%add3A_52] : memref<320000xi32, #tpu.memory_space<hbm>> -> memref<80xi32, #tpu.memory_space<hbm>>
        tpu.enqueue_dma source(%dma_start3A_87 : memref<80xi32, #tpu.memory_space<hbm>>) target(%arg13 : memref<80xi32, #tpu.memory_space<vmem>>) target_semaphore(%run_scoped3A : memref<!tpu.dma_semaphore, #tpu.memory_space<semaphore_mem>>)
        %dma_wait3A_88 = tpu.memref_slice %arg4[%add3A_52] : memref<320000xi32, #tpu.memory_space<hbm>> -> memref<80xi32, #tpu.memory_space<hbm>>
        %dma_wait3A_89 = tpu.memref_slice %arg4[%add3A_52] : memref<320000xi32, #tpu.memory_space<hbm>> -> memref<80xi32, #tpu.memory_space<hbm>>
        tpu.wait_dma2 semaphore(%run_scoped3A : memref<!tpu.dma_semaphore, #tpu.memory_space<semaphore_mem>>) src(%dma_wait3A_89 : memref<80xi32, #tpu.memory_space<hbm>>) dst(%arg13 : memref<80xi32, #tpu.memory_space<vmem>>)
        tpu.yield
      }) : () -> ()
      %dma_start3A_53 = arith.constant 0 : i32
      %dma_start3A_54 = arith.constant 0 : i32
      %dma_start3A_55 = tpu.memref_slice %arg2[%dma_start3A_53, %dma_start3A_54] : memref<10240x128xf32, #tpu.memory_space<hbm>> -> memref<10240x128xf32, #tpu.memory_space<hbm>>
      tpu.enqueue_indirect_dma source(%dma_start3A_55 : memref<10240x128xf32, #tpu.memory_space<hbm>>) target(%arg21 : memref<80x128xf32, #tpu.memory_space<vmem>>) offsets(%arg10 : memref<80xi32, #tpu.memory_space<vmem>>) semaphore(%arg25 : memref<!tpu.dma_semaphore, #tpu.memory_space<semaphore_mem>>)
      %dma_wait3A_56 = arith.constant 0 : i32
      %dma_wait3A_57 = arith.constant 0 : i32
      %dma_wait3A_58 = tpu.memref_slice %arg2[%dma_wait3A_56, %dma_wait3A_57] : memref<10240x128xf32, #tpu.memory_space<hbm>> -> memref<10240x128xf32, #tpu.memory_space<hbm>>
      tpu.wait_indirect_dma semaphore(%arg23 : memref<!tpu.dma_semaphore, #tpu.memory_space<semaphore_mem>>) src(%dma_wait3A_58 : memref<10240x128xf32, #tpu.memory_space<hbm>>) dst(%arg19 : memref<80x128xf32, #tpu.memory_space<vmem>>)
      "tpu.region"() ({
        %run_scoped3A = tpu.sem_alloc : memref<!tpu.dma_semaphore, #tpu.memory_space<semaphore_mem>>
        %dma_start3A_86 = arith.constant 0 : i32
        %dma_start3A_87 = arith.constant 0 : i32
        %dma_start3A_88 = tpu.memref_slice %arg6[%dma_start3A_86, %dma_start3A_87] : memref<10240x128xf32, #tpu.memory_space<vmem_shared>> -> memref<10240x128xf32, #tpu.memory_space<vmem_shared>>
        tpu.enqueue_indirect_dma source(%arg19 : memref<80x128xf32, #tpu.memory_space<vmem>>) target(%dma_start3A_88 : memref<10240x128xf32, #tpu.memory_space<vmem_shared>>) offsets(%arg11 : memref<80xi32, #tpu.memory_space<vmem>>) semaphore(%run_scoped3A : memref<!tpu.dma_semaphore, #tpu.memory_space<semaphore_mem>>) {add = true}
        %dma_wait3A_89 = arith.constant 0 : i32
        %dma_wait3A_90 = arith.constant 0 : i32
        %dma_wait3A_91 = tpu.memref_slice %arg6[%dma_wait3A_89, %dma_wait3A_90] : memref<10240x128xf32, #tpu.memory_space<vmem_shared>> -> memref<10240x128xf32, #tpu.memory_space<vmem_shared>>
        tpu.wait_indirect_dma semaphore(%run_scoped3A : memref<!tpu.dma_semaphore, #tpu.memory_space<semaphore_mem>>) src(%arg19 : memref<80x128xf32, #tpu.memory_space<vmem>>) dst(%dma_wait3A_91 : memref<10240x128xf32, #tpu.memory_space<vmem_shared>>)
        tpu.yield
      }) : () -> ()
      %add3A_59 = arith.constant 3 : i32
      %add3A_60 = arith.addi %mul3A_45, %add3A_59 : i32
      %mul3A_61 = arith.constant 10000 : i32
      %mul3A_62 = arith.muli %add3A, %mul3A_61 : i32
      %mul3A_63 = arith.constant 80 : i32
      %mul3A_64 = arith.muli %add3A_60, %mul3A_63 : i32
      %add3A_65 = arith.addi %mul3A_62, %mul3A_64 : i32
      "tpu.region"() ({
        %run_scoped3A = tpu.sem_alloc : memref<!tpu.dma_semaphore, #tpu.memory_space<semaphore_mem>>
        %dma_start3A_86 = tpu.memref_slice %arg3[%add3A_65] : memref<320000xi32, #tpu.memory_space<hbm>> -> memref<80xi32, #tpu.memory_space<hbm>>
        %dma_start3A_87 = tpu.memref_slice %arg3[%add3A_65] : memref<320000xi32, #tpu.memory_space<hbm>> -> memref<80xi32, #tpu.memory_space<hbm>>
        tpu.enqueue_dma source(%dma_start3A_87 : memref<80xi32, #tpu.memory_space<hbm>>) target(%arg8 : memref<80xi32, #tpu.memory_space<vmem>>) target_semaphore(%run_scoped3A : memref<!tpu.dma_semaphore, #tpu.memory_space<semaphore_mem>>)
        %dma_wait3A_88 = tpu.memref_slice %arg3[%add3A_65] : memref<320000xi32, #tpu.memory_space<hbm>> -> memref<80xi32, #tpu.memory_space<hbm>>
        %dma_wait3A_89 = tpu.memref_slice %arg3[%add3A_65] : memref<320000xi32, #tpu.memory_space<hbm>> -> memref<80xi32, #tpu.memory_space<hbm>>
        tpu.wait_dma2 semaphore(%run_scoped3A : memref<!tpu.dma_semaphore, #tpu.memory_space<semaphore_mem>>) src(%dma_wait3A_89 : memref<80xi32, #tpu.memory_space<hbm>>) dst(%arg8 : memref<80xi32, #tpu.memory_space<vmem>>)
        tpu.yield
      }) : () -> ()
      "tpu.region"() ({
        %run_scoped3A = tpu.sem_alloc : memref<!tpu.dma_semaphore, #tpu.memory_space<semaphore_mem>>
        %dma_start3A_86 = tpu.memref_slice %arg4[%add3A_65] : memref<320000xi32, #tpu.memory_space<hbm>> -> memref<80xi32, #tpu.memory_space<hbm>>
        %dma_start3A_87 = tpu.memref_slice %arg4[%add3A_65] : memref<320000xi32, #tpu.memory_space<hbm>> -> memref<80xi32, #tpu.memory_space<hbm>>
        tpu.enqueue_dma source(%dma_start3A_87 : memref<80xi32, #tpu.memory_space<hbm>>) target(%arg11 : memref<80xi32, #tpu.memory_space<vmem>>) target_semaphore(%run_scoped3A : memref<!tpu.dma_semaphore, #tpu.memory_space<semaphore_mem>>)
        %dma_wait3A_88 = tpu.memref_slice %arg4[%add3A_65] : memref<320000xi32, #tpu.memory_space<hbm>> -> memref<80xi32, #tpu.memory_space<hbm>>
        %dma_wait3A_89 = tpu.memref_slice %arg4[%add3A_65] : memref<320000xi32, #tpu.memory_space<hbm>> -> memref<80xi32, #tpu.memory_space<hbm>>
        tpu.wait_dma2 semaphore(%run_scoped3A : memref<!tpu.dma_semaphore, #tpu.memory_space<semaphore_mem>>) src(%dma_wait3A_89 : memref<80xi32, #tpu.memory_space<hbm>>) dst(%arg11 : memref<80xi32, #tpu.memory_space<vmem>>)
        tpu.yield
      }) : () -> ()
      %dma_start3A_66 = arith.constant 0 : i32
      %dma_start3A_67 = arith.constant 0 : i32
      %dma_start3A_68 = tpu.memref_slice %arg2[%dma_start3A_66, %dma_start3A_67] : memref<10240x128xf32, #tpu.memory_space<hbm>> -> memref<10240x128xf32, #tpu.memory_space<hbm>>
      tpu.enqueue_indirect_dma source(%dma_start3A_68 : memref<10240x128xf32, #tpu.memory_space<hbm>>) target(%arg19 : memref<80x128xf32, #tpu.memory_space<vmem>>) offsets(%arg8 : memref<80xi32, #tpu.memory_space<vmem>>) semaphore(%arg23 : memref<!tpu.dma_semaphore, #tpu.memory_space<semaphore_mem>>)
      %dma_wait3A_69 = arith.constant 0 : i32
      %dma_wait3A_70 = arith.constant 0 : i32
      %dma_wait3A_71 = tpu.memref_slice %arg2[%dma_wait3A_69, %dma_wait3A_70] : memref<10240x128xf32, #tpu.memory_space<hbm>> -> memref<10240x128xf32, #tpu.memory_space<hbm>>
      tpu.wait_indirect_dma semaphore(%arg24 : memref<!tpu.dma_semaphore, #tpu.memory_space<semaphore_mem>>) src(%dma_wait3A_71 : memref<10240x128xf32, #tpu.memory_space<hbm>>) dst(%arg20 : memref<80x128xf32, #tpu.memory_space<vmem>>)
      "tpu.region"() ({
        %run_scoped3A = tpu.sem_alloc : memref<!tpu.dma_semaphore, #tpu.memory_space<semaphore_mem>>
        %dma_start3A_86 = arith.constant 0 : i32
        %dma_start3A_87 = arith.constant 0 : i32
        %dma_start3A_88 = tpu.memref_slice %arg6[%dma_start3A_86, %dma_start3A_87] : memref<10240x128xf32, #tpu.memory_space<vmem_shared>> -> memref<10240x128xf32, #tpu.memory_space<vmem_shared>>
        tpu.enqueue_indirect_dma source(%arg20 : memref<80x128xf32, #tpu.memory_space<vmem>>) target(%dma_start3A_88 : memref<10240x128xf32, #tpu.memory_space<vmem_shared>>) offsets(%arg12 : memref<80xi32, #tpu.memory_space<vmem>>) semaphore(%run_scoped3A : memref<!tpu.dma_semaphore, #tpu.memory_space<semaphore_mem>>) {add = true}
        %dma_wait3A_89 = arith.constant 0 : i32
        %dma_wait3A_90 = arith.constant 0 : i32
        %dma_wait3A_91 = tpu.memref_slice %arg6[%dma_wait3A_89, %dma_wait3A_90] : memref<10240x128xf32, #tpu.memory_space<vmem_shared>> -> memref<10240x128xf32, #tpu.memory_space<vmem_shared>>
        tpu.wait_indirect_dma semaphore(%run_scoped3A : memref<!tpu.dma_semaphore, #tpu.memory_space<semaphore_mem>>) src(%arg20 : memref<80x128xf32, #tpu.memory_space<vmem>>) dst(%dma_wait3A_91 : memref<10240x128xf32, #tpu.memory_space<vmem_shared>>)
        tpu.yield
      }) : () -> ()
      %add3A_72 = arith.constant 4 : i32
      %add3A_73 = arith.addi %mul3A_45, %add3A_72 : i32
      %mul3A_74 = arith.constant 10000 : i32
      %mul3A_75 = arith.muli %add3A, %mul3A_74 : i32
      %mul3A_76 = arith.constant 80 : i32
      %mul3A_77 = arith.muli %add3A_73, %mul3A_76 : i32
      %add3A_78 = arith.addi %mul3A_75, %mul3A_77 : i32
      "tpu.region"() ({
        %run_scoped3A = tpu.sem_alloc : memref<!tpu.dma_semaphore, #tpu.memory_space<semaphore_mem>>
        %dma_start3A_86 = tpu.memref_slice %arg3[%add3A_78] : memref<320000xi32, #tpu.memory_space<hbm>> -> memref<80xi32, #tpu.memory_space<hbm>>
        %dma_start3A_87 = tpu.memref_slice %arg3[%add3A_78] : memref<320000xi32, #tpu.memory_space<hbm>> -> memref<80xi32, #tpu.memory_space<hbm>>
        tpu.enqueue_dma source(%dma_start3A_87 : memref<80xi32, #tpu.memory_space<hbm>>) target(%arg9 : memref<80xi32, #tpu.memory_space<vmem>>) target_semaphore(%run_scoped3A : memref<!tpu.dma_semaphore, #tpu.memory_space<semaphore_mem>>)
        %dma_wait3A_88 = tpu.memref_slice %arg3[%add3A_78] : memref<320000xi32, #tpu.memory_space<hbm>> -> memref<80xi32, #tpu.memory_space<hbm>>
        %dma_wait3A_89 = tpu.memref_slice %arg3[%add3A_78] : memref<320000xi32, #tpu.memory_space<hbm>> -> memref<80xi32, #tpu.memory_space<hbm>>
        tpu.wait_dma2 semaphore(%run_scoped3A : memref<!tpu.dma_semaphore, #tpu.memory_space<semaphore_mem>>) src(%dma_wait3A_89 : memref<80xi32, #tpu.memory_space<hbm>>) dst(%arg9 : memref<80xi32, #tpu.memory_space<vmem>>)
        tpu.yield
      }) : () -> ()
      "tpu.region"() ({
        %run_scoped3A = tpu.sem_alloc : memref<!tpu.dma_semaphore, #tpu.memory_space<semaphore_mem>>
        %dma_start3A_86 = tpu.memref_slice %arg4[%add3A_78] : memref<320000xi32, #tpu.memory_space<hbm>> -> memref<80xi32, #tpu.memory_space<hbm>>
        %dma_start3A_87 = tpu.memref_slice %arg4[%add3A_78] : memref<320000xi32, #tpu.memory_space<hbm>> -> memref<80xi32, #tpu.memory_space<hbm>>
        tpu.enqueue_dma source(%dma_start3A_87 : memref<80xi32, #tpu.memory_space<hbm>>) target(%arg12 : memref<80xi32, #tpu.memory_space<vmem>>) target_semaphore(%run_scoped3A : memref<!tpu.dma_semaphore, #tpu.memory_space<semaphore_mem>>)
        %dma_wait3A_88 = tpu.memref_slice %arg4[%add3A_78] : memref<320000xi32, #tpu.memory_space<hbm>> -> memref<80xi32, #tpu.memory_space<hbm>>
        %dma_wait3A_89 = tpu.memref_slice %arg4[%add3A_78] : memref<320000xi32, #tpu.memory_space<hbm>> -> memref<80xi32, #tpu.memory_space<hbm>>
        tpu.wait_dma2 semaphore(%run_scoped3A : memref<!tpu.dma_semaphore, #tpu.memory_space<semaphore_mem>>) src(%dma_wait3A_89 : memref<80xi32, #tpu.memory_space<hbm>>) dst(%arg12 : memref<80xi32, #tpu.memory_space<vmem>>)
        tpu.yield
      }) : () -> ()
      %dma_start3A_79 = arith.constant 0 : i32
      %dma_start3A_80 = arith.constant 0 : i32
      %dma_start3A_81 = tpu.memref_slice %arg2[%dma_start3A_79, %dma_start3A_80] : memref<10240x128xf32, #tpu.memory_space<hbm>> -> memref<10240x128xf32, #tpu.memory_space<hbm>>
      tpu.enqueue_indirect_dma source(%dma_start3A_81 : memref<10240x128xf32, #tpu.memory_space<hbm>>) target(%arg20 : memref<80x128xf32, #tpu.memory_space<vmem>>) offsets(%arg9 : memref<80xi32, #tpu.memory_space<vmem>>) semaphore(%arg24 : memref<!tpu.dma_semaphore, #tpu.memory_space<semaphore_mem>>)
      %dma_wait3A_82 = arith.constant 0 : i32
      %dma_wait3A_83 = arith.constant 0 : i32
      %dma_wait3A_84 = tpu.memref_slice %arg2[%dma_wait3A_82, %dma_wait3A_83] : memref<10240x128xf32, #tpu.memory_space<hbm>> -> memref<10240x128xf32, #tpu.memory_space<hbm>>
      tpu.wait_indirect_dma semaphore(%arg25 : memref<!tpu.dma_semaphore, #tpu.memory_space<semaphore_mem>>) src(%dma_wait3A_84 : memref<10240x128xf32, #tpu.memory_space<hbm>>) dst(%arg21 : memref<80x128xf32, #tpu.memory_space<vmem>>)
      "tpu.region"() ({
        %run_scoped3A = tpu.sem_alloc : memref<!tpu.dma_semaphore, #tpu.memory_space<semaphore_mem>>
        %dma_start3A_86 = arith.constant 0 : i32
        %dma_start3A_87 = arith.constant 0 : i32
        %dma_start3A_88 = tpu.memref_slice %arg6[%dma_start3A_86, %dma_start3A_87] : memref<10240x128xf32, #tpu.memory_space<vmem_shared>> -> memref<10240x128xf32, #tpu.memory_space<vmem_shared>>
        tpu.enqueue_indirect_dma source(%arg21 : memref<80x128xf32, #tpu.memory_space<vmem>>) target(%dma_start3A_88 : memref<10240x128xf32, #tpu.memory_space<vmem_shared>>) offsets(%arg13 : memref<80xi32, #tpu.memory_space<vmem>>) semaphore(%run_scoped3A : memref<!tpu.dma_semaphore, #tpu.memory_space<semaphore_mem>>) {add = true}
        %dma_wait3A_89 = arith.constant 0 : i32
        %dma_wait3A_90 = arith.constant 0 : i32
        %dma_wait3A_91 = tpu.memref_slice %arg6[%dma_wait3A_89, %dma_wait3A_90] : memref<10240x128xf32, #tpu.memory_space<vmem_shared>> -> memref<10240x128xf32, #tpu.memory_space<vmem_shared>>
        tpu.wait_indirect_dma semaphore(%run_scoped3A : memref<!tpu.dma_semaphore, #tpu.memory_space<semaphore_mem>>) src(%arg21 : memref<80x128xf32, #tpu.memory_space<vmem>>) dst(%dma_wait3A_91 : memref<10240x128xf32, #tpu.memory_space<vmem_shared>>)
        tpu.yield
      }) : () -> ()
      %scan3A_85 = arith.constant 0 : i32
      scf.yield %scan3A_85 : i32
    }
    %scan3A_35 = arith.constant 41 : i32
    %dma_wait3A = arith.constant 0 : i32
    %dma_wait3A_36 = arith.constant 0 : i32
    %dma_wait3A_37 = tpu.memref_slice %arg2[%dma_wait3A, %dma_wait3A_36] : memref<10240x128xf32, #tpu.memory_space<hbm>> -> memref<10240x128xf32, #tpu.memory_space<hbm>>
    tpu.wait_indirect_dma semaphore(%arg23 : memref<!tpu.dma_semaphore, #tpu.memory_space<semaphore_mem>>) src(%dma_wait3A_37 : memref<10240x128xf32, #tpu.memory_space<hbm>>) dst(%arg19 : memref<80x128xf32, #tpu.memory_space<vmem>>)
    "tpu.region"() ({
      %run_scoped3A = tpu.sem_alloc : memref<!tpu.dma_semaphore, #tpu.memory_space<semaphore_mem>>
      %dma_start3A_42 = arith.constant 0 : i32
      %dma_start3A_43 = arith.constant 0 : i32
      %dma_start3A_44 = tpu.memref_slice %arg6[%dma_start3A_42, %dma_start3A_43] : memref<10240x128xf32, #tpu.memory_space<vmem_shared>> -> memref<10240x128xf32, #tpu.memory_space<vmem_shared>>
      tpu.enqueue_indirect_dma source(%arg19 : memref<80x128xf32, #tpu.memory_space<vmem>>) target(%dma_start3A_44 : memref<10240x128xf32, #tpu.memory_space<vmem_shared>>) offsets(%arg11 : memref<80xi32, #tpu.memory_space<vmem>>) semaphore(%run_scoped3A : memref<!tpu.dma_semaphore, #tpu.memory_space<semaphore_mem>>) {add = true}
      %dma_wait3A_45 = arith.constant 0 : i32
      %dma_wait3A_46 = arith.constant 0 : i32
      %dma_wait3A_47 = tpu.memref_slice %arg6[%dma_wait3A_45, %dma_wait3A_46] : memref<10240x128xf32, #tpu.memory_space<vmem_shared>> -> memref<10240x128xf32, #tpu.memory_space<vmem_shared>>
      tpu.wait_indirect_dma semaphore(%run_scoped3A : memref<!tpu.dma_semaphore, #tpu.memory_space<semaphore_mem>>) src(%arg19 : memref<80x128xf32, #tpu.memory_space<vmem>>) dst(%dma_wait3A_47 : memref<10240x128xf32, #tpu.memory_space<vmem_shared>>)
      tpu.yield
    }) : () -> ()
    %dma_wait3A_38 = arith.constant 0 : i32
    %dma_wait3A_39 = arith.constant 0 : i32
    %dma_wait3A_40 = tpu.memref_slice %arg2[%dma_wait3A_38, %dma_wait3A_39] : memref<10240x128xf32, #tpu.memory_space<hbm>> -> memref<10240x128xf32, #tpu.memory_space<hbm>>
    tpu.wait_indirect_dma semaphore(%arg24 : memref<!tpu.dma_semaphore, #tpu.memory_space<semaphore_mem>>) src(%dma_wait3A_40 : memref<10240x128xf32, #tpu.memory_space<hbm>>) dst(%arg20 : memref<80x128xf32, #tpu.memory_space<vmem>>)
    "tpu.region"() ({
      %run_scoped3A = tpu.sem_alloc : memref<!tpu.dma_semaphore, #tpu.memory_space<semaphore_mem>>
      %dma_start3A_42 = arith.constant 0 : i32
      %dma_start3A_43 = arith.constant 0 : i32
      %dma_start3A_44 = tpu.memref_slice %arg6[%dma_start3A_42, %dma_start3A_43] : memref<10240x128xf32, #tpu.memory_space<vmem_shared>> -> memref<10240x128xf32, #tpu.memory_space<vmem_shared>>
      tpu.enqueue_indirect_dma source(%arg20 : memref<80x128xf32, #tpu.memory_space<vmem>>) target(%dma_start3A_44 : memref<10240x128xf32, #tpu.memory_space<vmem_shared>>) offsets(%arg12 : memref<80xi32, #tpu.memory_space<vmem>>) semaphore(%run_scoped3A : memref<!tpu.dma_semaphore, #tpu.memory_space<semaphore_mem>>) {add = true}
      %dma_wait3A_45 = arith.constant 0 : i32
      %dma_wait3A_46 = arith.constant 0 : i32
      %dma_wait3A_47 = tpu.memref_slice %arg6[%dma_wait3A_45, %dma_wait3A_46] : memref<10240x128xf32, #tpu.memory_space<vmem_shared>> -> memref<10240x128xf32, #tpu.memory_space<vmem_shared>>
      tpu.wait_indirect_dma semaphore(%run_scoped3A : memref<!tpu.dma_semaphore, #tpu.memory_space<semaphore_mem>>) src(%arg20 : memref<80x128xf32, #tpu.memory_space<vmem>>) dst(%dma_wait3A_47 : memref<10240x128xf32, #tpu.memory_space<vmem_shared>>)
      tpu.yield
    }) : () -> ()
    %barrier3A_41 = arith.constant 0 : index
    tpu.barrier barrier_id(%barrier3A_41)
    "tpu.region"() ({
      %run_scoped3A = tpu.sem_alloc : memref<!tpu.dma_semaphore, #tpu.memory_space<semaphore_mem>>
      %dma_start3A_42 = arith.constant 0 : i32
      %dma_start3A_43 = tpu.memref_slice %arg5[%arg0, %mul3A_2, %dma_start3A_42] : memref<2x10240x128xf32, #tpu.memory_space<hbm>> -> memref<1x640x128xf32, #tpu.memory_space<hbm>>
      %dma_start3A_44 = tpu.memref_squeeze %dma_start3A_43 : memref<1x640x128xf32, #tpu.memory_space<hbm>> -> memref<640x128xf32, #tpu.memory_space<hbm>>
      %dma_start3A_45 = arith.constant 0 : i32
      %dma_start3A_46 = tpu.memref_slice %arg6[%mul3A_2, %dma_start3A_45] : memref<10240x128xf32, #tpu.memory_space<vmem_shared>> -> memref<640x128xf32, #tpu.memory_space<vmem_shared>>
      tpu.enqueue_dma source(%dma_start3A_46 : memref<640x128xf32, #tpu.memory_space<vmem_shared>>) target(%dma_start3A_44 : memref<640x128xf32, #tpu.memory_space<hbm>>) target_semaphore(%run_scoped3A : memref<!tpu.dma_semaphore, #tpu.memory_space<semaphore_mem>>)
      %dma_wait3A_47 = arith.constant 0 : i32
      %dma_wait3A_48 = tpu.memref_slice %arg5[%arg0, %mul3A_2, %dma_wait3A_47] : memref<2x10240x128xf32, #tpu.memory_space<hbm>> -> memref<1x640x128xf32, #tpu.memory_space<hbm>>
      %dma_wait3A_49 = tpu.memref_squeeze %dma_wait3A_48 : memref<1x640x128xf32, #tpu.memory_space<hbm>> -> memref<640x128xf32, #tpu.memory_space<hbm>>
      %dma_wait3A_50 = arith.constant 0 : i32
      %dma_wait3A_51 = tpu.memref_slice %arg6[%mul3A_2, %dma_wait3A_50] : memref<10240x128xf32, #tpu.memory_space<vmem_shared>> -> memref<640x128xf32, #tpu.memory_space<vmem_shared>>
      tpu.wait_dma2 semaphore(%run_scoped3A : memref<!tpu.dma_semaphore, #tpu.memory_space<semaphore_mem>>) src(%dma_wait3A_51 : memref<640x128xf32, #tpu.memory_space<vmem_shared>>) dst(%dma_wait3A_49 : memref<640x128xf32, #tpu.memory_space<hbm>>)
      tpu.yield
    }) : () -> ()
    return
  }
}

#map = affine_map<(d0, d1) -> (0, 0)>
#map1 = affine_map<(d0, d1) -> (0)>
#map2 = affine_map<(d0, d1) -> (0, 0, 0)>
module attributes {stable_mosaic.version = 14 : i64} {
  func.func @_sc_agg_body(%arg0: i32, %arg1: i32, %arg2: memref<10240x128xf32, #tpu.memory_space<hbm>>, %arg3: memref<320000xi32, #tpu.memory_space<hbm>>, %arg4: memref<320000xi32, #tpu.memory_space<hbm>>, %arg5: memref<2x10240x128xf32, #tpu.memory_space<hbm>>, %arg6: memref<10240xf32, #tpu.memory_space<hbm>>, %arg7: memref<10240xf32, #tpu.memory_space<hbm>>, %arg8: memref<10240x128xf32, #tpu.memory_space<vmem_shared>>, %arg9: memref<10240xf32, #tpu.memory_space<vmem_shared>>, %arg10: memref<80xi32, #tpu.memory_space<vmem>>, %arg11: memref<80xi32, #tpu.memory_space<vmem>>, %arg12: memref<80xi32, #tpu.memory_space<vmem>>, %arg13: memref<80xi32, #tpu.memory_space<vmem>>, %arg14: memref<80xi32, #tpu.memory_space<vmem>>, %arg15: memref<80xi32, #tpu.memory_space<vmem>>, %arg16: memref<2000xi32, #tpu.memory_space<vmem>>, %arg17: memref<2000xi32, #tpu.memory_space<vmem>>, %arg18: memref<2000xi32, #tpu.memory_space<vmem>>, %arg19: memref<2000xi32, #tpu.memory_space<vmem>>, %arg20: memref<2000xi32, #tpu.memory_space<vmem>>, %arg21: memref<80x128xf32, #tpu.memory_space<vmem>>, %arg22: memref<80x128xf32, #tpu.memory_space<vmem>>, %arg23: memref<80x128xf32, #tpu.memory_space<vmem>>, %arg24: memref<2000xf32, #tpu.memory_space<vmem>>, %arg25: memref<!tpu.dma_semaphore, #tpu.memory_space<semaphore_mem>>, %arg26: memref<!tpu.dma_semaphore, #tpu.memory_space<semaphore_mem>>, %arg27: memref<!tpu.dma_semaphore, #tpu.memory_space<semaphore_mem>>) attributes {dimension_semantics = [#tpu.dimension_semantics<core_parallel>, #tpu.dimension_semantics<subcore_parallel>], iteration_bounds = array<i64: 2, 16>, scalar_prefetch = 0 : i64, scratch_operands = 20 : i64, tpu.core_type = #tpu.core_type<sc_vector_subcore>, window_params = [{transform_indices = #map}, {transform_indices = #map1}, {transform_indices = #map1}, {transform_indices = #map2}, {transform_indices = #map1}, {transform_indices = #map1}]} {
    %mul3A = arith.constant 2 : i32
    %mul3A_0 = arith.muli %arg1, %mul3A : i32
    %add3A = arith.addi %mul3A_0, %arg0 : i32
    %mul3A_1 = arith.constant 640 : i32
    %mul3A_2 = arith.muli %arg1, %mul3A_1 : i32
    %scan3A = arith.constant 0 : i32
    %scan3A_3 = arith.constant 0 : i32
    %scan3A_4 = arith.constant 80 : i32
    %scan3A_5 = arith.addi %scan3A_3, %scan3A_4 : i32
    %scan3A_6 = arith.constant 1 : i32
    %scan3A_7 = scf.for %scan3A_81 = %scan3A_3 to %scan3A_5 step %scan3A_6 iter_args(%scan3A_82 = %scan3A) -> (i32)  : i32 {
      %broadcast_in_dim3A = arith.constant 0.000000e+00 : f32
      %broadcast_in_dim3A_83 = vector.broadcast %broadcast_in_dim3A : f32 to vector<16xf32>
      %swap3A = arith.index_cast %scan3A_81 : i32 to index
      %swap3A_84 = arith.constant 0 : index
      %swap3A_85 = tpu.vector_load %arg21[%swap3A, %swap3A_84] {strides = array<i32>} : memref<80x128xf32, #tpu.memory_space<vmem>>, vector<1x16xf32>,
      %swap3A_86 = vector.shape_cast %swap3A_85 : vector<1x16xf32> to vector<16xf32>
      %swap3A_87 = vector.shape_cast %broadcast_in_dim3A_83 : vector<16xf32> to vector<1x16xf32>
      tpu.vector_store %arg21[%swap3A, %swap3A_84], %swap3A_87 {strides = array<i32>} : memref<80x128xf32, #tpu.memory_space<vmem>>, vector<1x16xf32>,
      %broadcast_in_dim3A_88 = arith.constant 0.000000e+00 : f32
      %broadcast_in_dim3A_89 = vector.broadcast %broadcast_in_dim3A_88 : f32 to vector<16xf32>
      %swap3A_90 = arith.index_cast %scan3A_81 : i32 to index
      %swap3A_91 = arith.constant 16 : index
      %swap3A_92 = tpu.vector_load %arg21[%swap3A_90, %swap3A_91] {strides = array<i32>} : memref<80x128xf32, #tpu.memory_space<vmem>>, vector<1x16xf32>,
      %swap3A_93 = vector.shape_cast %swap3A_92 : vector<1x16xf32> to vector<16xf32>
      %swap3A_94 = vector.shape_cast %broadcast_in_dim3A_89 : vector<16xf32> to vector<1x16xf32>
      tpu.vector_store %arg21[%swap3A_90, %swap3A_91], %swap3A_94 {strides = array<i32>} : memref<80x128xf32, #tpu.memory_space<vmem>>, vector<1x16xf32>,
      %broadcast_in_dim3A_95 = arith.constant 0.000000e+00 : f32
      %broadcast_in_dim3A_96 = vector.broadcast %broadcast_in_dim3A_95 : f32 to vector<16xf32>
      %swap3A_97 = arith.index_cast %scan3A_81 : i32 to index
      %swap3A_98 = arith.constant 32 : index
      %swap3A_99 = tpu.vector_load %arg21[%swap3A_97, %swap3A_98] {strides = array<i32>} : memref<80x128xf32, #tpu.memory_space<vmem>>, vector<1x16xf32>,
      %swap3A_100 = vector.shape_cast %swap3A_99 : vector<1x16xf32> to vector<16xf32>
      %swap3A_101 = vector.shape_cast %broadcast_in_dim3A_96 : vector<16xf32> to vector<1x16xf32>
      tpu.vector_store %arg21[%swap3A_97, %swap3A_98], %swap3A_101 {strides = array<i32>} : memref<80x128xf32, #tpu.memory_space<vmem>>, vector<1x16xf32>,
      %broadcast_in_dim3A_102 = arith.constant 0.000000e+00 : f32
      %broadcast_in_dim3A_103 = vector.broadcast %broadcast_in_dim3A_102 : f32 to vector<16xf32>
      %swap3A_104 = arith.index_cast %scan3A_81 : i32 to index
      %swap3A_105 = arith.constant 48 : index
      %swap3A_106 = tpu.vector_load %arg21[%swap3A_104, %swap3A_105] {strides = array<i32>} : memref<80x128xf32, #tpu.memory_space<vmem>>, vector<1x16xf32>,
      %swap3A_107 = vector.shape_cast %swap3A_106 : vector<1x16xf32> to vector<16xf32>
      %swap3A_108 = vector.shape_cast %broadcast_in_dim3A_103 : vector<16xf32> to vector<1x16xf32>
      tpu.vector_store %arg21[%swap3A_104, %swap3A_105], %swap3A_108 {strides = array<i32>} : memref<80x128xf32, #tpu.memory_space<vmem>>, vector<1x16xf32>,
      %broadcast_in_dim3A_109 = arith.constant 0.000000e+00 : f32
      %broadcast_in_dim3A_110 = vector.broadcast %broadcast_in_dim3A_109 : f32 to vector<16xf32>
      %swap3A_111 = arith.index_cast %scan3A_81 : i32 to index
      %swap3A_112 = arith.constant 64 : index
      %swap3A_113 = tpu.vector_load %arg21[%swap3A_111, %swap3A_112] {strides = array<i32>} : memref<80x128xf32, #tpu.memory_space<vmem>>, vector<1x16xf32>,
      %swap3A_114 = vector.shape_cast %swap3A_113 : vector<1x16xf32> to vector<16xf32>
      %swap3A_115 = vector.shape_cast %broadcast_in_dim3A_110 : vector<16xf32> to vector<1x16xf32>
      tpu.vector_store %arg21[%swap3A_111, %swap3A_112], %swap3A_115 {strides = array<i32>} : memref<80x128xf32, #tpu.memory_space<vmem>>, vector<1x16xf32>,
      %broadcast_in_dim3A_116 = arith.constant 0.000000e+00 : f32
      %broadcast_in_dim3A_117 = vector.broadcast %broadcast_in_dim3A_116 : f32 to vector<16xf32>
      %swap3A_118 = arith.index_cast %scan3A_81 : i32 to index
      %swap3A_119 = arith.constant 80 : index
      %swap3A_120 = tpu.vector_load %arg21[%swap3A_118, %swap3A_119] {strides = array<i32>} : memref<80x128xf32, #tpu.memory_space<vmem>>, vector<1x16xf32>,
      %swap3A_121 = vector.shape_cast %swap3A_120 : vector<1x16xf32> to vector<16xf32>
      %swap3A_122 = vector.shape_cast %broadcast_in_dim3A_117 : vector<16xf32> to vector<1x16xf32>
      tpu.vector_store %arg21[%swap3A_118, %swap3A_119], %swap3A_122 {strides = array<i32>} : memref<80x128xf32, #tpu.memory_space<vmem>>, vector<1x16xf32>,
      %broadcast_in_dim3A_123 = arith.constant 0.000000e+00 : f32
      %broadcast_in_dim3A_124 = vector.broadcast %broadcast_in_dim3A_123 : f32 to vector<16xf32>
      %swap3A_125 = arith.index_cast %scan3A_81 : i32 to index
      %swap3A_126 = arith.constant 96 : index
      %swap3A_127 = tpu.vector_load %arg21[%swap3A_125, %swap3A_126] {strides = array<i32>} : memref<80x128xf32, #tpu.memory_space<vmem>>, vector<1x16xf32>,
      %swap3A_128 = vector.shape_cast %swap3A_127 : vector<1x16xf32> to vector<16xf32>
      %swap3A_129 = vector.shape_cast %broadcast_in_dim3A_124 : vector<16xf32> to vector<1x16xf32>
      tpu.vector_store %arg21[%swap3A_125, %swap3A_126], %swap3A_129 {strides = array<i32>} : memref<80x128xf32, #tpu.memory_space<vmem>>, vector<1x16xf32>,
      %broadcast_in_dim3A_130 = arith.constant 0.000000e+00 : f32
      %broadcast_in_dim3A_131 = vector.broadcast %broadcast_in_dim3A_130 : f32 to vector<16xf32>
      %swap3A_132 = arith.index_cast %scan3A_81 : i32 to index
      %swap3A_133 = arith.constant 112 : index
      %swap3A_134 = tpu.vector_load %arg21[%swap3A_132, %swap3A_133] {strides = array<i32>} : memref<80x128xf32, #tpu.memory_space<vmem>>, vector<1x16xf32>,
      %swap3A_135 = vector.shape_cast %swap3A_134 : vector<1x16xf32> to vector<16xf32>
      %swap3A_136 = vector.shape_cast %broadcast_in_dim3A_131 : vector<16xf32> to vector<1x16xf32>
      tpu.vector_store %arg21[%swap3A_132, %swap3A_133], %swap3A_136 {strides = array<i32>} : memref<80x128xf32, #tpu.memory_space<vmem>>, vector<1x16xf32>,
      %scan3A_137 = arith.constant 0 : i32
      scf.yield %scan3A_137 : i32
    }
    %scan3A_8 = arith.constant 80 : i32
    %scan3A_9 = arith.constant 0 : i32
    %scan3A_10 = arith.constant 0 : i32
    %scan3A_11 = arith.constant 8 : i32
    %scan3A_12 = arith.addi %scan3A_10, %scan3A_11 : i32
    %scan3A_13 = arith.constant 1 : i32
    %scan3A_14 = scf.for %scan3A_81 = %scan3A_10 to %scan3A_12 step %scan3A_13 iter_args(%scan3A_82 = %scan3A_9) -> (i32)  : i32 {
      %mul3A_83 = arith.constant 80 : i32
      %mul3A_84 = arith.muli %scan3A_81, %mul3A_83 : i32
      %add3A_85 = arith.addi %mul3A_2, %mul3A_84 : i32
      "tpu.region"() ({
        %run_scoped3A = tpu.sem_alloc : memref<!tpu.dma_semaphore, #tpu.memory_space<semaphore_mem>>
        %dma_start3A_87 = arith.constant 0 : i32
        %dma_start3A_88 = tpu.memref_slice %arg8[%add3A_85, %dma_start3A_87] : memref<10240x128xf32, #tpu.memory_space<vmem_shared>> -> memref<80x128xf32, #tpu.memory_space<vmem_shared>>
        %dma_start3A_89 = arith.constant 0 : i32
        %dma_start3A_90 = tpu.memref_slice %arg8[%add3A_85, %dma_start3A_89] : memref<10240x128xf32, #tpu.memory_space<vmem_shared>> -> memref<80x128xf32, #tpu.memory_space<vmem_shared>>
        tpu.enqueue_dma source(%arg21 : memref<80x128xf32, #tpu.memory_space<vmem>>) target(%dma_start3A_90 : memref<80x128xf32, #tpu.memory_space<vmem_shared>>) target_semaphore(%run_scoped3A : memref<!tpu.dma_semaphore, #tpu.memory_space<semaphore_mem>>)
        %dma_wait3A_91 = arith.constant 0 : i32
        %dma_wait3A_92 = tpu.memref_slice %arg8[%add3A_85, %dma_wait3A_91] : memref<10240x128xf32, #tpu.memory_space<vmem_shared>> -> memref<80x128xf32, #tpu.memory_space<vmem_shared>>
        %dma_wait3A_93 = arith.constant 0 : i32
        %dma_wait3A_94 = tpu.memref_slice %arg8[%add3A_85, %dma_wait3A_93] : memref<10240x128xf32, #tpu.memory_space<vmem_shared>> -> memref<80x128xf32, #tpu.memory_space<vmem_shared>>
        tpu.wait_dma2 semaphore(%run_scoped3A : memref<!tpu.dma_semaphore, #tpu.memory_space<semaphore_mem>>) src(%arg21 : memref<80x128xf32, #tpu.memory_space<vmem>>) dst(%dma_wait3A_94 : memref<80x128xf32, #tpu.memory_space<vmem_shared>>)
        tpu.yield
      }) : () -> ()
      %scan3A_86 = arith.constant 0 : i32
      scf.yield %scan3A_86 : i32
    }
    %scan3A_15 = arith.constant 8 : i32
    %scan3A_16 = arith.constant 0.000000e+00 : f32
    %scan3A_17 = arith.constant 0 : i32
    %scan3A_18 = arith.constant 125 : i32
    %scan3A_19 = arith.addi %scan3A_17, %scan3A_18 : i32
    %scan3A_20 = arith.constant 1 : i32
    scf.for %scan3A_81 = %scan3A_17 to %scan3A_19 step %scan3A_20  : i32 {
      %broadcast_in_dim3A = vector.broadcast %scan3A_16 : f32 to vector<16xf32>
      %mul3A_82 = arith.constant 16 : i32
      %mul3A_83 = arith.muli %scan3A_81, %mul3A_82 : i32
      %swap3A = arith.index_cast %mul3A_83 : i32 to index
      %swap3A_84 = tpu.vector_load %arg24[%swap3A] {strides = array<i32>} : memref<2000xf32, #tpu.memory_space<vmem>>, vector<16xf32>,
      %swap3A_85 = vector.shape_cast %swap3A_84 : vector<16xf32> to vector<16xf32>
      %swap3A_86 = vector.shape_cast %broadcast_in_dim3A : vector<16xf32> to vector<16xf32>
      tpu.vector_store %arg24[%swap3A], %swap3A_86 {strides = array<i32>} : memref<2000xf32, #tpu.memory_space<vmem>>, vector<16xf32>,
    }
    %scan3A_21 = arith.constant 125 : i32
    "tpu.region"() ({
      %run_scoped3A = tpu.sem_alloc : memref<!tpu.dma_semaphore, #tpu.memory_space<semaphore_mem>>
      %dma_start3A_81 = arith.constant 0 : i32
      %dma_start3A_82 = tpu.memref_slice %arg24[%dma_start3A_81] : memref<2000xf32, #tpu.memory_space<vmem>> -> memref<640xf32, #tpu.memory_space<vmem>>
      %dma_start3A_83 = tpu.memref_slice %arg9[%mul3A_2] : memref<10240xf32, #tpu.memory_space<vmem_shared>> -> memref<640xf32, #tpu.memory_space<vmem_shared>>
      %dma_start3A_84 = tpu.memref_slice %arg9[%mul3A_2] : memref<10240xf32, #tpu.memory_space<vmem_shared>> -> memref<640xf32, #tpu.memory_space<vmem_shared>>
      %dma_start3A_85 = arith.constant 0 : i32
      %dma_start3A_86 = tpu.memref_slice %arg24[%dma_start3A_85] : memref<2000xf32, #tpu.memory_space<vmem>> -> memref<640xf32, #tpu.memory_space<vmem>>
      tpu.enqueue_dma source(%dma_start3A_86 : memref<640xf32, #tpu.memory_space<vmem>>) target(%dma_start3A_84 : memref<640xf32, #tpu.memory_space<vmem_shared>>) target_semaphore(%run_scoped3A : memref<!tpu.dma_semaphore, #tpu.memory_space<semaphore_mem>>)
      %dma_wait3A_87 = arith.constant 0 : i32
      %dma_wait3A_88 = tpu.memref_slice %arg24[%dma_wait3A_87] : memref<2000xf32, #tpu.memory_space<vmem>> -> memref<640xf32, #tpu.memory_space<vmem>>
      %dma_wait3A_89 = tpu.memref_slice %arg9[%mul3A_2] : memref<10240xf32, #tpu.memory_space<vmem_shared>> -> memref<640xf32, #tpu.memory_space<vmem_shared>>
      %dma_wait3A_90 = tpu.memref_slice %arg9[%mul3A_2] : memref<10240xf32, #tpu.memory_space<vmem_shared>> -> memref<640xf32, #tpu.memory_space<vmem_shared>>
      %dma_wait3A_91 = arith.constant 0 : i32
      %dma_wait3A_92 = tpu.memref_slice %arg24[%dma_wait3A_91] : memref<2000xf32, #tpu.memory_space<vmem>> -> memref<640xf32, #tpu.memory_space<vmem>>
      tpu.wait_dma2 semaphore(%run_scoped3A : memref<!tpu.dma_semaphore, #tpu.memory_space<semaphore_mem>>) src(%dma_wait3A_92 : memref<640xf32, #tpu.memory_space<vmem>>) dst(%dma_wait3A_90 : memref<640xf32, #tpu.memory_space<vmem_shared>>)
      tpu.yield
    }) : () -> ()
    %scan3A_22 = arith.constant 1.000000e+00 : f32
    %scan3A_23 = arith.constant 0 : i32
    %scan3A_24 = arith.constant 125 : i32
    %scan3A_25 = arith.addi %scan3A_23, %scan3A_24 : i32
    %scan3A_26 = arith.constant 1 : i32
    scf.for %scan3A_81 = %scan3A_23 to %scan3A_25 step %scan3A_26  : i32 {
      %broadcast_in_dim3A = vector.broadcast %scan3A_22 : f32 to vector<16xf32>
      %mul3A_82 = arith.constant 16 : i32
      %mul3A_83 = arith.muli %scan3A_81, %mul3A_82 : i32
      %swap3A = arith.index_cast %mul3A_83 : i32 to index
      %swap3A_84 = tpu.vector_load %arg24[%swap3A] {strides = array<i32>} : memref<2000xf32, #tpu.memory_space<vmem>>, vector<16xf32>,
      %swap3A_85 = vector.shape_cast %swap3A_84 : vector<16xf32> to vector<16xf32>
      %swap3A_86 = vector.shape_cast %broadcast_in_dim3A : vector<16xf32> to vector<16xf32>
      tpu.vector_store %arg24[%swap3A], %swap3A_86 {strides = array<i32>} : memref<2000xf32, #tpu.memory_space<vmem>>, vector<16xf32>,
    }
    %scan3A_27 = arith.constant 125 : i32
    %barrier3A = arith.constant 0 : index
    tpu.barrier barrier_id(%barrier3A)
    %mul3A_28 = arith.constant 10000 : i32
    %mul3A_29 = arith.muli %add3A, %mul3A_28 : i32
    %add3A_30 = arith.constant 0 : i32
    %add3A_31 = arith.addi %mul3A_29, %add3A_30 : i32
    "tpu.region"() ({
      %run_scoped3A = tpu.sem_alloc : memref<!tpu.dma_semaphore, #tpu.memory_space<semaphore_mem>>
      %dma_start3A_81 = tpu.memref_slice %arg4[%add3A_31] : memref<320000xi32, #tpu.memory_space<hbm>> -> memref<2000xi32, #tpu.memory_space<hbm>>
      %dma_start3A_82 = tpu.memref_slice %arg4[%add3A_31] : memref<320000xi32, #tpu.memory_space<hbm>> -> memref<2000xi32, #tpu.memory_space<hbm>>
      tpu.enqueue_dma source(%dma_start3A_82 : memref<2000xi32, #tpu.memory_space<hbm>>) target(%arg16 : memref<2000xi32, #tpu.memory_space<vmem>>) target_semaphore(%run_scoped3A : memref<!tpu.dma_semaphore, #tpu.memory_space<semaphore_mem>>)
      %dma_wait3A_83 = tpu.memref_slice %arg4[%add3A_31] : memref<320000xi32, #tpu.memory_space<hbm>> -> memref<2000xi32, #tpu.memory_space<hbm>>
      %dma_wait3A_84 = tpu.memref_slice %arg4[%add3A_31] : memref<320000xi32, #tpu.memory_space<hbm>> -> memref<2000xi32, #tpu.memory_space<hbm>>
      tpu.wait_dma2 semaphore(%run_scoped3A : memref<!tpu.dma_semaphore, #tpu.memory_space<semaphore_mem>>) src(%dma_wait3A_84 : memref<2000xi32, #tpu.memory_space<hbm>>) dst(%arg16 : memref<2000xi32, #tpu.memory_space<vmem>>)
      tpu.yield
    }) : () -> ()
    %mul3A_32 = arith.constant 10000 : i32
    %mul3A_33 = arith.muli %add3A, %mul3A_32 : i32
    %add3A_34 = arith.constant 2000 : i32
    %add3A_35 = arith.addi %mul3A_33, %add3A_34 : i32
    "tpu.region"() ({
      %run_scoped3A = tpu.sem_alloc : memref<!tpu.dma_semaphore, #tpu.memory_space<semaphore_mem>>
      %dma_start3A_81 = tpu.memref_slice %arg4[%add3A_35] : memref<320000xi32, #tpu.memory_space<hbm>> -> memref<2000xi32, #tpu.memory_space<hbm>>
      %dma_start3A_82 = tpu.memref_slice %arg4[%add3A_35] : memref<320000xi32, #tpu.memory_space<hbm>> -> memref<2000xi32, #tpu.memory_space<hbm>>
      tpu.enqueue_dma source(%dma_start3A_82 : memref<2000xi32, #tpu.memory_space<hbm>>) target(%arg17 : memref<2000xi32, #tpu.memory_space<vmem>>) target_semaphore(%run_scoped3A : memref<!tpu.dma_semaphore, #tpu.memory_space<semaphore_mem>>)
      %dma_wait3A_83 = tpu.memref_slice %arg4[%add3A_35] : memref<320000xi32, #tpu.memory_space<hbm>> -> memref<2000xi32, #tpu.memory_space<hbm>>
      %dma_wait3A_84 = tpu.memref_slice %arg4[%add3A_35] : memref<320000xi32, #tpu.memory_space<hbm>> -> memref<2000xi32, #tpu.memory_space<hbm>>
      tpu.wait_dma2 semaphore(%run_scoped3A : memref<!tpu.dma_semaphore, #tpu.memory_space<semaphore_mem>>) src(%dma_wait3A_84 : memref<2000xi32, #tpu.memory_space<hbm>>) dst(%arg17 : memref<2000xi32, #tpu.memory_space<vmem>>)
      tpu.yield
    }) : () -> ()
    %mul3A_36 = arith.constant 10000 : i32
    %mul3A_37 = arith.muli %add3A, %mul3A_36 : i32
    %add3A_38 = arith.constant 4000 : i32
    %add3A_39 = arith.addi %mul3A_37, %add3A_38 : i32
    "tpu.region"() ({
      %run_scoped3A = tpu.sem_alloc : memref<!tpu.dma_semaphore, #tpu.memory_space<semaphore_mem>>
      %dma_start3A_81 = tpu.memref_slice %arg4[%add3A_39] : memref<320000xi32, #tpu.memory_space<hbm>> -> memref<2000xi32, #tpu.memory_space<hbm>>
      %dma_start3A_82 = tpu.memref_slice %arg4[%add3A_39] : memref<320000xi32, #tpu.memory_space<hbm>> -> memref<2000xi32, #tpu.memory_space<hbm>>
      tpu.enqueue_dma source(%dma_start3A_82 : memref<2000xi32, #tpu.memory_space<hbm>>) target(%arg18 : memref<2000xi32, #tpu.memory_space<vmem>>) target_semaphore(%run_scoped3A : memref<!tpu.dma_semaphore, #tpu.memory_space<semaphore_mem>>)
      %dma_wait3A_83 = tpu.memref_slice %arg4[%add3A_39] : memref<320000xi32, #tpu.memory_space<hbm>> -> memref<2000xi32, #tpu.memory_space<hbm>>
      %dma_wait3A_84 = tpu.memref_slice %arg4[%add3A_39] : memref<320000xi32, #tpu.memory_space<hbm>> -> memref<2000xi32, #tpu.memory_space<hbm>>
      tpu.wait_dma2 semaphore(%run_scoped3A : memref<!tpu.dma_semaphore, #tpu.memory_space<semaphore_mem>>) src(%dma_wait3A_84 : memref<2000xi32, #tpu.memory_space<hbm>>) dst(%arg18 : memref<2000xi32, #tpu.memory_space<vmem>>)
      tpu.yield
    }) : () -> ()
    %mul3A_40 = arith.constant 10000 : i32
    %mul3A_41 = arith.muli %add3A, %mul3A_40 : i32
    %add3A_42 = arith.constant 6000 : i32
    %add3A_43 = arith.addi %mul3A_41, %add3A_42 : i32
    "tpu.region"() ({
      %run_scoped3A = tpu.sem_alloc : memref<!tpu.dma_semaphore, #tpu.memory_space<semaphore_mem>>
      %dma_start3A_81 = tpu.memref_slice %arg4[%add3A_43] : memref<320000xi32, #tpu.memory_space<hbm>> -> memref<2000xi32, #tpu.memory_space<hbm>>
      %dma_start3A_82 = tpu.memref_slice %arg4[%add3A_43] : memref<320000xi32, #tpu.memory_space<hbm>> -> memref<2000xi32, #tpu.memory_space<hbm>>
      tpu.enqueue_dma source(%dma_start3A_82 : memref<2000xi32, #tpu.memory_space<hbm>>) target(%arg19 : memref<2000xi32, #tpu.memory_space<vmem>>) target_semaphore(%run_scoped3A : memref<!tpu.dma_semaphore, #tpu.memory_space<semaphore_mem>>)
      %dma_wait3A_83 = tpu.memref_slice %arg4[%add3A_43] : memref<320000xi32, #tpu.memory_space<hbm>> -> memref<2000xi32, #tpu.memory_space<hbm>>
      %dma_wait3A_84 = tpu.memref_slice %arg4[%add3A_43] : memref<320000xi32, #tpu.memory_space<hbm>> -> memref<2000xi32, #tpu.memory_space<hbm>>
      tpu.wait_dma2 semaphore(%run_scoped3A : memref<!tpu.dma_semaphore, #tpu.memory_space<semaphore_mem>>) src(%dma_wait3A_84 : memref<2000xi32, #tpu.memory_space<hbm>>) dst(%arg19 : memref<2000xi32, #tpu.memory_space<vmem>>)
      tpu.yield
    }) : () -> ()
    %mul3A_44 = arith.constant 10000 : i32
    %mul3A_45 = arith.muli %add3A, %mul3A_44 : i32
    %add3A_46 = arith.constant 8000 : i32
    %add3A_47 = arith.addi %mul3A_45, %add3A_46 : i32
    "tpu.region"() ({
      %run_scoped3A = tpu.sem_alloc : memref<!tpu.dma_semaphore, #tpu.memory_space<semaphore_mem>>
      %dma_start3A_81 = tpu.memref_slice %arg4[%add3A_47] : memref<320000xi32, #tpu.memory_space<hbm>> -> memref<2000xi32, #tpu.memory_space<hbm>>
      %dma_start3A_82 = tpu.memref_slice %arg4[%add3A_47] : memref<320000xi32, #tpu.memory_space<hbm>> -> memref<2000xi32, #tpu.memory_space<hbm>>
      tpu.enqueue_dma source(%dma_start3A_82 : memref<2000xi32, #tpu.memory_space<hbm>>) target(%arg20 : memref<2000xi32, #tpu.memory_space<vmem>>) target_semaphore(%run_scoped3A : memref<!tpu.dma_semaphore, #tpu.memory_space<semaphore_mem>>)
      %dma_wait3A_83 = tpu.memref_slice %arg4[%add3A_47] : memref<320000xi32, #tpu.memory_space<hbm>> -> memref<2000xi32, #tpu.memory_space<hbm>>
      %dma_wait3A_84 = tpu.memref_slice %arg4[%add3A_47] : memref<320000xi32, #tpu.memory_space<hbm>> -> memref<2000xi32, #tpu.memory_space<hbm>>
      tpu.wait_dma2 semaphore(%run_scoped3A : memref<!tpu.dma_semaphore, #tpu.memory_space<semaphore_mem>>) src(%dma_wait3A_84 : memref<2000xi32, #tpu.memory_space<hbm>>) dst(%arg20 : memref<2000xi32, #tpu.memory_space<vmem>>)
      tpu.yield
    }) : () -> ()
    "tpu.region"() ({
      %run_scoped3A = tpu.sem_alloc : memref<!tpu.dma_semaphore, #tpu.memory_space<semaphore_mem>>
      %dma_start3A_81 = arith.constant 0 : i32
      %dma_start3A_82 = tpu.memref_slice %arg9[%dma_start3A_81] : memref<10240xf32, #tpu.memory_space<vmem_shared>> -> memref<10240xf32, #tpu.memory_space<vmem_shared>>
      tpu.enqueue_indirect_dma source(%arg24 : memref<2000xf32, #tpu.memory_space<vmem>>) target(%dma_start3A_82 : memref<10240xf32, #tpu.memory_space<vmem_shared>>) offsets(%arg16 : memref<2000xi32, #tpu.memory_space<vmem>>) semaphore(%run_scoped3A : memref<!tpu.dma_semaphore, #tpu.memory_space<semaphore_mem>>) {add = true}
      %dma_wait3A_83 = arith.constant 0 : i32
      %dma_wait3A_84 = tpu.memref_slice %arg9[%dma_wait3A_83] : memref<10240xf32, #tpu.memory_space<vmem_shared>> -> memref<10240xf32, #tpu.memory_space<vmem_shared>>
      tpu.wait_indirect_dma semaphore(%run_scoped3A : memref<!tpu.dma_semaphore, #tpu.memory_space<semaphore_mem>>) src(%arg24 : memref<2000xf32, #tpu.memory_space<vmem>>) dst(%dma_wait3A_84 : memref<10240xf32, #tpu.memory_space<vmem_shared>>)
      tpu.yield
    }) : () -> ()
    "tpu.region"() ({
      %run_scoped3A = tpu.sem_alloc : memref<!tpu.dma_semaphore, #tpu.memory_space<semaphore_mem>>
      %dma_start3A_81 = arith.constant 0 : i32
      %dma_start3A_82 = tpu.memref_slice %arg9[%dma_start3A_81] : memref<10240xf32, #tpu.memory_space<vmem_shared>> -> memref<10240xf32, #tpu.memory_space<vmem_shared>>
      tpu.enqueue_indirect_dma source(%arg24 : memref<2000xf32, #tpu.memory_space<vmem>>) target(%dma_start3A_82 : memref<10240xf32, #tpu.memory_space<vmem_shared>>) offsets(%arg17 : memref<2000xi32, #tpu.memory_space<vmem>>) semaphore(%run_scoped3A : memref<!tpu.dma_semaphore, #tpu.memory_space<semaphore_mem>>) {add = true}
      %dma_wait3A_83 = arith.constant 0 : i32
      %dma_wait3A_84 = tpu.memref_slice %arg9[%dma_wait3A_83] : memref<10240xf32, #tpu.memory_space<vmem_shared>> -> memref<10240xf32, #tpu.memory_space<vmem_shared>>
      tpu.wait_indirect_dma semaphore(%run_scoped3A : memref<!tpu.dma_semaphore, #tpu.memory_space<semaphore_mem>>) src(%arg24 : memref<2000xf32, #tpu.memory_space<vmem>>) dst(%dma_wait3A_84 : memref<10240xf32, #tpu.memory_space<vmem_shared>>)
      tpu.yield
    }) : () -> ()
    "tpu.region"() ({
      %run_scoped3A = tpu.sem_alloc : memref<!tpu.dma_semaphore, #tpu.memory_space<semaphore_mem>>
      %dma_start3A_81 = arith.constant 0 : i32
      %dma_start3A_82 = tpu.memref_slice %arg9[%dma_start3A_81] : memref<10240xf32, #tpu.memory_space<vmem_shared>> -> memref<10240xf32, #tpu.memory_space<vmem_shared>>
      tpu.enqueue_indirect_dma source(%arg24 : memref<2000xf32, #tpu.memory_space<vmem>>) target(%dma_start3A_82 : memref<10240xf32, #tpu.memory_space<vmem_shared>>) offsets(%arg18 : memref<2000xi32, #tpu.memory_space<vmem>>) semaphore(%run_scoped3A : memref<!tpu.dma_semaphore, #tpu.memory_space<semaphore_mem>>) {add = true}
      %dma_wait3A_83 = arith.constant 0 : i32
      %dma_wait3A_84 = tpu.memref_slice %arg9[%dma_wait3A_83] : memref<10240xf32, #tpu.memory_space<vmem_shared>> -> memref<10240xf32, #tpu.memory_space<vmem_shared>>
      tpu.wait_indirect_dma semaphore(%run_scoped3A : memref<!tpu.dma_semaphore, #tpu.memory_space<semaphore_mem>>) src(%arg24 : memref<2000xf32, #tpu.memory_space<vmem>>) dst(%dma_wait3A_84 : memref<10240xf32, #tpu.memory_space<vmem_shared>>)
      tpu.yield
    }) : () -> ()
    "tpu.region"() ({
      %run_scoped3A = tpu.sem_alloc : memref<!tpu.dma_semaphore, #tpu.memory_space<semaphore_mem>>
      %dma_start3A_81 = arith.constant 0 : i32
      %dma_start3A_82 = tpu.memref_slice %arg9[%dma_start3A_81] : memref<10240xf32, #tpu.memory_space<vmem_shared>> -> memref<10240xf32, #tpu.memory_space<vmem_shared>>
      tpu.enqueue_indirect_dma source(%arg24 : memref<2000xf32, #tpu.memory_space<vmem>>) target(%dma_start3A_82 : memref<10240xf32, #tpu.memory_space<vmem_shared>>) offsets(%arg19 : memref<2000xi32, #tpu.memory_space<vmem>>) semaphore(%run_scoped3A : memref<!tpu.dma_semaphore, #tpu.memory_space<semaphore_mem>>) {add = true}
      %dma_wait3A_83 = arith.constant 0 : i32
      %dma_wait3A_84 = tpu.memref_slice %arg9[%dma_wait3A_83] : memref<10240xf32, #tpu.memory_space<vmem_shared>> -> memref<10240xf32, #tpu.memory_space<vmem_shared>>
      tpu.wait_indirect_dma semaphore(%run_scoped3A : memref<!tpu.dma_semaphore, #tpu.memory_space<semaphore_mem>>) src(%arg24 : memref<2000xf32, #tpu.memory_space<vmem>>) dst(%dma_wait3A_84 : memref<10240xf32, #tpu.memory_space<vmem_shared>>)
      tpu.yield
    }) : () -> ()
    "tpu.region"() ({
      %run_scoped3A = tpu.sem_alloc : memref<!tpu.dma_semaphore, #tpu.memory_space<semaphore_mem>>
      %dma_start3A_81 = arith.constant 0 : i32
      %dma_start3A_82 = tpu.memref_slice %arg9[%dma_start3A_81] : memref<10240xf32, #tpu.memory_space<vmem_shared>> -> memref<10240xf32, #tpu.memory_space<vmem_shared>>
      tpu.enqueue_indirect_dma source(%arg24 : memref<2000xf32, #tpu.memory_space<vmem>>) target(%dma_start3A_82 : memref<10240xf32, #tpu.memory_space<vmem_shared>>) offsets(%arg20 : memref<2000xi32, #tpu.memory_space<vmem>>) semaphore(%run_scoped3A : memref<!tpu.dma_semaphore, #tpu.memory_space<semaphore_mem>>) {add = true}
      %dma_wait3A_83 = arith.constant 0 : i32
      %dma_wait3A_84 = tpu.memref_slice %arg9[%dma_wait3A_83] : memref<10240xf32, #tpu.memory_space<vmem_shared>> -> memref<10240xf32, #tpu.memory_space<vmem_shared>>
      tpu.wait_indirect_dma semaphore(%run_scoped3A : memref<!tpu.dma_semaphore, #tpu.memory_space<semaphore_mem>>) src(%arg24 : memref<2000xf32, #tpu.memory_space<vmem>>) dst(%dma_wait3A_84 : memref<10240xf32, #tpu.memory_space<vmem_shared>>)
      tpu.yield
    }) : () -> ()
    %mul3A_48 = arith.constant 10000 : i32
    %mul3A_49 = arith.muli %add3A, %mul3A_48 : i32
    %add3A_50 = arith.constant 0 : i32
    %add3A_51 = arith.addi %mul3A_49, %add3A_50 : i32
    "tpu.region"() ({
      %run_scoped3A = tpu.sem_alloc : memref<!tpu.dma_semaphore, #tpu.memory_space<semaphore_mem>>
      %dma_start3A_81 = tpu.memref_slice %arg3[%add3A_51] : memref<320000xi32, #tpu.memory_space<hbm>> -> memref<80xi32, #tpu.memory_space<hbm>>
      %dma_start3A_82 = tpu.memref_slice %arg3[%add3A_51] : memref<320000xi32, #tpu.memory_space<hbm>> -> memref<80xi32, #tpu.memory_space<hbm>>
      tpu.enqueue_dma source(%dma_start3A_82 : memref<80xi32, #tpu.memory_space<hbm>>) target(%arg10 : memref<80xi32, #tpu.memory_space<vmem>>) target_semaphore(%run_scoped3A : memref<!tpu.dma_semaphore, #tpu.memory_space<semaphore_mem>>)
      %dma_wait3A_83 = tpu.memref_slice %arg3[%add3A_51] : memref<320000xi32, #tpu.memory_space<hbm>> -> memref<80xi32, #tpu.memory_space<hbm>>
      %dma_wait3A_84 = tpu.memref_slice %arg3[%add3A_51] : memref<320000xi32, #tpu.memory_space<hbm>> -> memref<80xi32, #tpu.memory_space<hbm>>
      tpu.wait_dma2 semaphore(%run_scoped3A : memref<!tpu.dma_semaphore, #tpu.memory_space<semaphore_mem>>) src(%dma_wait3A_84 : memref<80xi32, #tpu.memory_space<hbm>>) dst(%arg10 : memref<80xi32, #tpu.memory_space<vmem>>)
      tpu.yield
    }) : () -> ()
    "tpu.region"() ({
      %run_scoped3A = tpu.sem_alloc : memref<!tpu.dma_semaphore, #tpu.memory_space<semaphore_mem>>
      %dma_start3A_81 = tpu.memref_slice %arg4[%add3A_51] : memref<320000xi32, #tpu.memory_space<hbm>> -> memref<80xi32, #tpu.memory_space<hbm>>
      %dma_start3A_82 = tpu.memref_slice %arg4[%add3A_51] : memref<320000xi32, #tpu.memory_space<hbm>> -> memref<80xi32, #tpu.memory_space<hbm>>
      tpu.enqueue_dma source(%dma_start3A_82 : memref<80xi32, #tpu.memory_space<hbm>>) target(%arg13 : memref<80xi32, #tpu.memory_space<vmem>>) target_semaphore(%run_scoped3A : memref<!tpu.dma_semaphore, #tpu.memory_space<semaphore_mem>>)
      %dma_wait3A_83 = tpu.memref_slice %arg4[%add3A_51] : memref<320000xi32, #tpu.memory_space<hbm>> -> memref<80xi32, #tpu.memory_space<hbm>>
      %dma_wait3A_84 = tpu.memref_slice %arg4[%add3A_51] : memref<320000xi32, #tpu.memory_space<hbm>> -> memref<80xi32, #tpu.memory_space<hbm>>
      tpu.wait_dma2 semaphore(%run_scoped3A : memref<!tpu.dma_semaphore, #tpu.memory_space<semaphore_mem>>) src(%dma_wait3A_84 : memref<80xi32, #tpu.memory_space<hbm>>) dst(%arg13 : memref<80xi32, #tpu.memory_space<vmem>>)
      tpu.yield
    }) : () -> ()
    %dma_start3A = arith.constant 0 : i32
    %dma_start3A_52 = arith.constant 0 : i32
    %dma_start3A_53 = tpu.memref_slice %arg2[%dma_start3A, %dma_start3A_52] : memref<10240x128xf32, #tpu.memory_space<hbm>> -> memref<10240x128xf32, #tpu.memory_space<hbm>>
    tpu.enqueue_indirect_dma source(%dma_start3A_53 : memref<10240x128xf32, #tpu.memory_space<hbm>>) target(%arg21 : memref<80x128xf32, #tpu.memory_space<vmem>>) offsets(%arg10 : memref<80xi32, #tpu.memory_space<vmem>>) semaphore(%arg25 : memref<!tpu.dma_semaphore, #tpu.memory_space<semaphore_mem>>)
    %mul3A_54 = arith.constant 10000 : i32
    %mul3A_55 = arith.muli %add3A, %mul3A_54 : i32
    %add3A_56 = arith.constant 80 : i32
    %add3A_57 = arith.addi %mul3A_55, %add3A_56 : i32
    "tpu.region"() ({
      %run_scoped3A = tpu.sem_alloc : memref<!tpu.dma_semaphore, #tpu.memory_space<semaphore_mem>>
      %dma_start3A_81 = tpu.memref_slice %arg3[%add3A_57] : memref<320000xi32, #tpu.memory_space<hbm>> -> memref<80xi32, #tpu.memory_space<hbm>>
      %dma_start3A_82 = tpu.memref_slice %arg3[%add3A_57] : memref<320000xi32, #tpu.memory_space<hbm>> -> memref<80xi32, #tpu.memory_space<hbm>>
      tpu.enqueue_dma source(%dma_start3A_82 : memref<80xi32, #tpu.memory_space<hbm>>) target(%arg11 : memref<80xi32, #tpu.memory_space<vmem>>) target_semaphore(%run_scoped3A : memref<!tpu.dma_semaphore, #tpu.memory_space<semaphore_mem>>)
      %dma_wait3A_83 = tpu.memref_slice %arg3[%add3A_57] : memref<320000xi32, #tpu.memory_space<hbm>> -> memref<80xi32, #tpu.memory_space<hbm>>
      %dma_wait3A_84 = tpu.memref_slice %arg3[%add3A_57] : memref<320000xi32, #tpu.memory_space<hbm>> -> memref<80xi32, #tpu.memory_space<hbm>>
      tpu.wait_dma2 semaphore(%run_scoped3A : memref<!tpu.dma_semaphore, #tpu.memory_space<semaphore_mem>>) src(%dma_wait3A_84 : memref<80xi32, #tpu.memory_space<hbm>>) dst(%arg11 : memref<80xi32, #tpu.memory_space<vmem>>)
      tpu.yield
    }) : () -> ()
    "tpu.region"() ({
      %run_scoped3A = tpu.sem_alloc : memref<!tpu.dma_semaphore, #tpu.memory_space<semaphore_mem>>
      %dma_start3A_81 = tpu.memref_slice %arg4[%add3A_57] : memref<320000xi32, #tpu.memory_space<hbm>> -> memref<80xi32, #tpu.memory_space<hbm>>
      %dma_start3A_82 = tpu.memref_slice %arg4[%add3A_57] : memref<320000xi32, #tpu.memory_space<hbm>> -> memref<80xi32, #tpu.memory_space<hbm>>
      tpu.enqueue_dma source(%dma_start3A_82 : memref<80xi32, #tpu.memory_space<hbm>>) target(%arg14 : memref<80xi32, #tpu.memory_space<vmem>>) target_semaphore(%run_scoped3A : memref<!tpu.dma_semaphore, #tpu.memory_space<semaphore_mem>>)
      %dma_wait3A_83 = tpu.memref_slice %arg4[%add3A_57] : memref<320000xi32, #tpu.memory_space<hbm>> -> memref<80xi32, #tpu.memory_space<hbm>>
      %dma_wait3A_84 = tpu.memref_slice %arg4[%add3A_57] : memref<320000xi32, #tpu.memory_space<hbm>> -> memref<80xi32, #tpu.memory_space<hbm>>
      tpu.wait_dma2 semaphore(%run_scoped3A : memref<!tpu.dma_semaphore, #tpu.memory_space<semaphore_mem>>) src(%dma_wait3A_84 : memref<80xi32, #tpu.memory_space<hbm>>) dst(%arg14 : memref<80xi32, #tpu.memory_space<vmem>>)
      tpu.yield
    }) : () -> ()
    %dma_start3A_58 = arith.constant 0 : i32
    %dma_start3A_59 = arith.constant 0 : i32
    %dma_start3A_60 = tpu.memref_slice %arg2[%dma_start3A_58, %dma_start3A_59] : memref<10240x128xf32, #tpu.memory_space<hbm>> -> memref<10240x128xf32, #tpu.memory_space<hbm>>
    tpu.enqueue_indirect_dma source(%dma_start3A_60 : memref<10240x128xf32, #tpu.memory_space<hbm>>) target(%arg22 : memref<80x128xf32, #tpu.memory_space<vmem>>) offsets(%arg11 : memref<80xi32, #tpu.memory_space<vmem>>) semaphore(%arg26 : memref<!tpu.dma_semaphore, #tpu.memory_space<semaphore_mem>>)
    %scan3A_61 = arith.constant 0 : i32
    %scan3A_62 = arith.constant 0 : i32
    %scan3A_63 = arith.constant 41 : i32
    %scan3A_64 = arith.addi %scan3A_62, %scan3A_63 : i32
    %scan3A_65 = arith.constant 1 : i32
    %scan3A_66 = scf.for %scan3A_81 = %scan3A_62 to %scan3A_64 step %scan3A_65 iter_args(%scan3A_82 = %scan3A_61) -> (i32)  : i32 {
      %mul3A_83 = arith.constant 3 : i32
      %mul3A_84 = arith.muli %mul3A_83, %scan3A_81 : i32
      %add3A_85 = arith.constant 2 : i32
      %add3A_86 = arith.addi %mul3A_84, %add3A_85 : i32
      %mul3A_87 = arith.constant 10000 : i32
      %mul3A_88 = arith.muli %add3A, %mul3A_87 : i32
      %mul3A_89 = arith.constant 80 : i32
      %mul3A_90 = arith.muli %add3A_86, %mul3A_89 : i32
      %add3A_91 = arith.addi %mul3A_88, %mul3A_90 : i32
      "tpu.region"() ({
        %run_scoped3A = tpu.sem_alloc : memref<!tpu.dma_semaphore, #tpu.memory_space<semaphore_mem>>
        %dma_start3A_125 = tpu.memref_slice %arg3[%add3A_91] : memref<320000xi32, #tpu.memory_space<hbm>> -> memref<80xi32, #tpu.memory_space<hbm>>
        %dma_start3A_126 = tpu.memref_slice %arg3[%add3A_91] : memref<320000xi32, #tpu.memory_space<hbm>> -> memref<80xi32, #tpu.memory_space<hbm>>
        tpu.enqueue_dma source(%dma_start3A_126 : memref<80xi32, #tpu.memory_space<hbm>>) target(%arg12 : memref<80xi32, #tpu.memory_space<vmem>>) target_semaphore(%run_scoped3A : memref<!tpu.dma_semaphore, #tpu.memory_space<semaphore_mem>>)
        %dma_wait3A_127 = tpu.memref_slice %arg3[%add3A_91] : memref<320000xi32, #tpu.memory_space<hbm>> -> memref<80xi32, #tpu.memory_space<hbm>>
        %dma_wait3A_128 = tpu.memref_slice %arg3[%add3A_91] : memref<320000xi32, #tpu.memory_space<hbm>> -> memref<80xi32, #tpu.memory_space<hbm>>
        tpu.wait_dma2 semaphore(%run_scoped3A : memref<!tpu.dma_semaphore, #tpu.memory_space<semaphore_mem>>) src(%dma_wait3A_128 : memref<80xi32, #tpu.memory_space<hbm>>) dst(%arg12 : memref<80xi32, #tpu.memory_space<vmem>>)
        tpu.yield
      }) : () -> ()
      "tpu.region"() ({
        %run_scoped3A = tpu.sem_alloc : memref<!tpu.dma_semaphore, #tpu.memory_space<semaphore_mem>>
        %dma_start3A_125 = tpu.memref_slice %arg4[%add3A_91] : memref<320000xi32, #tpu.memory_space<hbm>> -> memref<80xi32, #tpu.memory_space<hbm>>
        %dma_start3A_126 = tpu.memref_slice %arg4[%add3A_91] : memref<320000xi32, #tpu.memory_space<hbm>> -> memref<80xi32, #tpu.memory_space<hbm>>
        tpu.enqueue_dma source(%dma_start3A_126 : memref<80xi32, #tpu.memory_space<hbm>>) target(%arg15 : memref<80xi32, #tpu.memory_space<vmem>>) target_semaphore(%run_scoped3A : memref<!tpu.dma_semaphore, #tpu.memory_space<semaphore_mem>>)
        %dma_wait3A_127 = tpu.memref_slice %arg4[%add3A_91] : memref<320000xi32, #tpu.memory_space<hbm>> -> memref<80xi32, #tpu.memory_space<hbm>>
        %dma_wait3A_128 = tpu.memref_slice %arg4[%add3A_91] : memref<320000xi32, #tpu.memory_space<hbm>> -> memref<80xi32, #tpu.memory_space<hbm>>
        tpu.wait_dma2 semaphore(%run_scoped3A : memref<!tpu.dma_semaphore, #tpu.memory_space<semaphore_mem>>) src(%dma_wait3A_128 : memref<80xi32, #tpu.memory_space<hbm>>) dst(%arg15 : memref<80xi32, #tpu.memory_space<vmem>>)
        tpu.yield
      }) : () -> ()
      %dma_start3A_92 = arith.constant 0 : i32
      %dma_start3A_93 = arith.constant 0 : i32
      %dma_start3A_94 = tpu.memref_slice %arg2[%dma_start3A_92, %dma_start3A_93] : memref<10240x128xf32, #tpu.memory_space<hbm>> -> memref<10240x128xf32, #tpu.memory_space<hbm>>
      tpu.enqueue_indirect_dma source(%dma_start3A_94 : memref<10240x128xf32, #tpu.memory_space<hbm>>) target(%arg23 : memref<80x128xf32, #tpu.memory_space<vmem>>) offsets(%arg12 : memref<80xi32, #tpu.memory_space<vmem>>) semaphore(%arg27 : memref<!tpu.dma_semaphore, #tpu.memory_space<semaphore_mem>>)
      %dma_wait3A_95 = arith.constant 0 : i32
      %dma_wait3A_96 = arith.constant 0 : i32
      %dma_wait3A_97 = tpu.memref_slice %arg2[%dma_wait3A_95, %dma_wait3A_96] : memref<10240x128xf32, #tpu.memory_space<hbm>> -> memref<10240x128xf32, #tpu.memory_space<hbm>>
      tpu.wait_indirect_dma semaphore(%arg25 : memref<!tpu.dma_semaphore, #tpu.memory_space<semaphore_mem>>) src(%dma_wait3A_97 : memref<10240x128xf32, #tpu.memory_space<hbm>>) dst(%arg21 : memref<80x128xf32, #tpu.memory_space<vmem>>)
      "tpu.region"() ({
        %run_scoped3A = tpu.sem_alloc : memref<!tpu.dma_semaphore, #tpu.memory_space<semaphore_mem>>
        %dma_start3A_125 = arith.constant 0 : i32
        %dma_start3A_126 = arith.constant 0 : i32
        %dma_start3A_127 = tpu.memref_slice %arg8[%dma_start3A_125, %dma_start3A_126] : memref<10240x128xf32, #tpu.memory_space<vmem_shared>> -> memref<10240x128xf32, #tpu.memory_space<vmem_shared>>
        tpu.enqueue_indirect_dma source(%arg21 : memref<80x128xf32, #tpu.memory_space<vmem>>) target(%dma_start3A_127 : memref<10240x128xf32, #tpu.memory_space<vmem_shared>>) offsets(%arg13 : memref<80xi32, #tpu.memory_space<vmem>>) semaphore(%run_scoped3A : memref<!tpu.dma_semaphore, #tpu.memory_space<semaphore_mem>>) {add = true}
        %dma_wait3A_128 = arith.constant 0 : i32
        %dma_wait3A_129 = arith.constant 0 : i32
        %dma_wait3A_130 = tpu.memref_slice %arg8[%dma_wait3A_128, %dma_wait3A_129] : memref<10240x128xf32, #tpu.memory_space<vmem_shared>> -> memref<10240x128xf32, #tpu.memory_space<vmem_shared>>
        tpu.wait_indirect_dma semaphore(%run_scoped3A : memref<!tpu.dma_semaphore, #tpu.memory_space<semaphore_mem>>) src(%arg21 : memref<80x128xf32, #tpu.memory_space<vmem>>) dst(%dma_wait3A_130 : memref<10240x128xf32, #tpu.memory_space<vmem_shared>>)
        tpu.yield
      }) : () -> ()
      %add3A_98 = arith.constant 3 : i32
      %add3A_99 = arith.addi %mul3A_84, %add3A_98 : i32
      %mul3A_100 = arith.constant 10000 : i32
      %mul3A_101 = arith.muli %add3A, %mul3A_100 : i32
      %mul3A_102 = arith.constant 80 : i32
      %mul3A_103 = arith.muli %add3A_99, %mul3A_102 : i32
      %add3A_104 = arith.addi %mul3A_101, %mul3A_103 : i32
      "tpu.region"() ({
        %run_scoped3A = tpu.sem_alloc : memref<!tpu.dma_semaphore, #tpu.memory_space<semaphore_mem>>
        %dma_start3A_125 = tpu.memref_slice %arg3[%add3A_104] : memref<320000xi32, #tpu.memory_space<hbm>> -> memref<80xi32, #tpu.memory_space<hbm>>
        %dma_start3A_126 = tpu.memref_slice %arg3[%add3A_104] : memref<320000xi32, #tpu.memory_space<hbm>> -> memref<80xi32, #tpu.memory_space<hbm>>
        tpu.enqueue_dma source(%dma_start3A_126 : memref<80xi32, #tpu.memory_space<hbm>>) target(%arg10 : memref<80xi32, #tpu.memory_space<vmem>>) target_semaphore(%run_scoped3A : memref<!tpu.dma_semaphore, #tpu.memory_space<semaphore_mem>>)
        %dma_wait3A_127 = tpu.memref_slice %arg3[%add3A_104] : memref<320000xi32, #tpu.memory_space<hbm>> -> memref<80xi32, #tpu.memory_space<hbm>>
        %dma_wait3A_128 = tpu.memref_slice %arg3[%add3A_104] : memref<320000xi32, #tpu.memory_space<hbm>> -> memref<80xi32, #tpu.memory_space<hbm>>
        tpu.wait_dma2 semaphore(%run_scoped3A : memref<!tpu.dma_semaphore, #tpu.memory_space<semaphore_mem>>) src(%dma_wait3A_128 : memref<80xi32, #tpu.memory_space<hbm>>) dst(%arg10 : memref<80xi32, #tpu.memory_space<vmem>>)
        tpu.yield
      }) : () -> ()
      "tpu.region"() ({
        %run_scoped3A = tpu.sem_alloc : memref<!tpu.dma_semaphore, #tpu.memory_space<semaphore_mem>>
        %dma_start3A_125 = tpu.memref_slice %arg4[%add3A_104] : memref<320000xi32, #tpu.memory_space<hbm>> -> memref<80xi32, #tpu.memory_space<hbm>>
        %dma_start3A_126 = tpu.memref_slice %arg4[%add3A_104] : memref<320000xi32, #tpu.memory_space<hbm>> -> memref<80xi32, #tpu.memory_space<hbm>>
        tpu.enqueue_dma source(%dma_start3A_126 : memref<80xi32, #tpu.memory_space<hbm>>) target(%arg13 : memref<80xi32, #tpu.memory_space<vmem>>) target_semaphore(%run_scoped3A : memref<!tpu.dma_semaphore, #tpu.memory_space<semaphore_mem>>)
        %dma_wait3A_127 = tpu.memref_slice %arg4[%add3A_104] : memref<320000xi32, #tpu.memory_space<hbm>> -> memref<80xi32, #tpu.memory_space<hbm>>
        %dma_wait3A_128 = tpu.memref_slice %arg4[%add3A_104] : memref<320000xi32, #tpu.memory_space<hbm>> -> memref<80xi32, #tpu.memory_space<hbm>>
        tpu.wait_dma2 semaphore(%run_scoped3A : memref<!tpu.dma_semaphore, #tpu.memory_space<semaphore_mem>>) src(%dma_wait3A_128 : memref<80xi32, #tpu.memory_space<hbm>>) dst(%arg13 : memref<80xi32, #tpu.memory_space<vmem>>)
        tpu.yield
      }) : () -> ()
      %dma_start3A_105 = arith.constant 0 : i32
      %dma_start3A_106 = arith.constant 0 : i32
      %dma_start3A_107 = tpu.memref_slice %arg2[%dma_start3A_105, %dma_start3A_106] : memref<10240x128xf32, #tpu.memory_space<hbm>> -> memref<10240x128xf32, #tpu.memory_space<hbm>>
      tpu.enqueue_indirect_dma source(%dma_start3A_107 : memref<10240x128xf32, #tpu.memory_space<hbm>>) target(%arg21 : memref<80x128xf32, #tpu.memory_space<vmem>>) offsets(%arg10 : memref<80xi32, #tpu.memory_space<vmem>>) semaphore(%arg25 : memref<!tpu.dma_semaphore, #tpu.memory_space<semaphore_mem>>)
      %dma_wait3A_108 = arith.constant 0 : i32
      %dma_wait3A_109 = arith.constant 0 : i32
      %dma_wait3A_110 = tpu.memref_slice %arg2[%dma_wait3A_108, %dma_wait3A_109] : memref<10240x128xf32, #tpu.memory_space<hbm>> -> memref<10240x128xf32, #tpu.memory_space<hbm>>
      tpu.wait_indirect_dma semaphore(%arg26 : memref<!tpu.dma_semaphore, #tpu.memory_space<semaphore_mem>>) src(%dma_wait3A_110 : memref<10240x128xf32, #tpu.memory_space<hbm>>) dst(%arg22 : memref<80x128xf32, #tpu.memory_space<vmem>>)
      "tpu.region"() ({
        %run_scoped3A = tpu.sem_alloc : memref<!tpu.dma_semaphore, #tpu.memory_space<semaphore_mem>>
        %dma_start3A_125 = arith.constant 0 : i32
        %dma_start3A_126 = arith.constant 0 : i32
        %dma_start3A_127 = tpu.memref_slice %arg8[%dma_start3A_125, %dma_start3A_126] : memref<10240x128xf32, #tpu.memory_space<vmem_shared>> -> memref<10240x128xf32, #tpu.memory_space<vmem_shared>>
        tpu.enqueue_indirect_dma source(%arg22 : memref<80x128xf32, #tpu.memory_space<vmem>>) target(%dma_start3A_127 : memref<10240x128xf32, #tpu.memory_space<vmem_shared>>) offsets(%arg14 : memref<80xi32, #tpu.memory_space<vmem>>) semaphore(%run_scoped3A : memref<!tpu.dma_semaphore, #tpu.memory_space<semaphore_mem>>) {add = true}
        %dma_wait3A_128 = arith.constant 0 : i32
        %dma_wait3A_129 = arith.constant 0 : i32
        %dma_wait3A_130 = tpu.memref_slice %arg8[%dma_wait3A_128, %dma_wait3A_129] : memref<10240x128xf32, #tpu.memory_space<vmem_shared>> -> memref<10240x128xf32, #tpu.memory_space<vmem_shared>>
        tpu.wait_indirect_dma semaphore(%run_scoped3A : memref<!tpu.dma_semaphore, #tpu.memory_space<semaphore_mem>>) src(%arg22 : memref<80x128xf32, #tpu.memory_space<vmem>>) dst(%dma_wait3A_130 : memref<10240x128xf32, #tpu.memory_space<vmem_shared>>)
        tpu.yield
      }) : () -> ()
      %add3A_111 = arith.constant 4 : i32
      %add3A_112 = arith.addi %mul3A_84, %add3A_111 : i32
      %mul3A_113 = arith.constant 10000 : i32
      %mul3A_114 = arith.muli %add3A, %mul3A_113 : i32
      %mul3A_115 = arith.constant 80 : i32
      %mul3A_116 = arith.muli %add3A_112, %mul3A_115 : i32
      %add3A_117 = arith.addi %mul3A_114, %mul3A_116 : i32
      "tpu.region"() ({
        %run_scoped3A = tpu.sem_alloc : memref<!tpu.dma_semaphore, #tpu.memory_space<semaphore_mem>>
        %dma_start3A_125 = tpu.memref_slice %arg3[%add3A_117] : memref<320000xi32, #tpu.memory_space<hbm>> -> memref<80xi32, #tpu.memory_space<hbm>>
        %dma_start3A_126 = tpu.memref_slice %arg3[%add3A_117] : memref<320000xi32, #tpu.memory_space<hbm>> -> memref<80xi32, #tpu.memory_space<hbm>>
        tpu.enqueue_dma source(%dma_start3A_126 : memref<80xi32, #tpu.memory_space<hbm>>) target(%arg11 : memref<80xi32, #tpu.memory_space<vmem>>) target_semaphore(%run_scoped3A : memref<!tpu.dma_semaphore, #tpu.memory_space<semaphore_mem>>)
        %dma_wait3A_127 = tpu.memref_slice %arg3[%add3A_117] : memref<320000xi32, #tpu.memory_space<hbm>> -> memref<80xi32, #tpu.memory_space<hbm>>
        %dma_wait3A_128 = tpu.memref_slice %arg3[%add3A_117] : memref<320000xi32, #tpu.memory_space<hbm>> -> memref<80xi32, #tpu.memory_space<hbm>>
        tpu.wait_dma2 semaphore(%run_scoped3A : memref<!tpu.dma_semaphore, #tpu.memory_space<semaphore_mem>>) src(%dma_wait3A_128 : memref<80xi32, #tpu.memory_space<hbm>>) dst(%arg11 : memref<80xi32, #tpu.memory_space<vmem>>)
        tpu.yield
      }) : () -> ()
      "tpu.region"() ({
        %run_scoped3A = tpu.sem_alloc : memref<!tpu.dma_semaphore, #tpu.memory_space<semaphore_mem>>
        %dma_start3A_125 = tpu.memref_slice %arg4[%add3A_117] : memref<320000xi32, #tpu.memory_space<hbm>> -> memref<80xi32, #tpu.memory_space<hbm>>
        %dma_start3A_126 = tpu.memref_slice %arg4[%add3A_117] : memref<320000xi32, #tpu.memory_space<hbm>> -> memref<80xi32, #tpu.memory_space<hbm>>
        tpu.enqueue_dma source(%dma_start3A_126 : memref<80xi32, #tpu.memory_space<hbm>>) target(%arg14 : memref<80xi32, #tpu.memory_space<vmem>>) target_semaphore(%run_scoped3A : memref<!tpu.dma_semaphore, #tpu.memory_space<semaphore_mem>>)
        %dma_wait3A_127 = tpu.memref_slice %arg4[%add3A_117] : memref<320000xi32, #tpu.memory_space<hbm>> -> memref<80xi32, #tpu.memory_space<hbm>>
        %dma_wait3A_128 = tpu.memref_slice %arg4[%add3A_117] : memref<320000xi32, #tpu.memory_space<hbm>> -> memref<80xi32, #tpu.memory_space<hbm>>
        tpu.wait_dma2 semaphore(%run_scoped3A : memref<!tpu.dma_semaphore, #tpu.memory_space<semaphore_mem>>) src(%dma_wait3A_128 : memref<80xi32, #tpu.memory_space<hbm>>) dst(%arg14 : memref<80xi32, #tpu.memory_space<vmem>>)
        tpu.yield
      }) : () -> ()
      %dma_start3A_118 = arith.constant 0 : i32
      %dma_start3A_119 = arith.constant 0 : i32
      %dma_start3A_120 = tpu.memref_slice %arg2[%dma_start3A_118, %dma_start3A_119] : memref<10240x128xf32, #tpu.memory_space<hbm>> -> memref<10240x128xf32, #tpu.memory_space<hbm>>
      tpu.enqueue_indirect_dma source(%dma_start3A_120 : memref<10240x128xf32, #tpu.memory_space<hbm>>) target(%arg22 : memref<80x128xf32, #tpu.memory_space<vmem>>) offsets(%arg11 : memref<80xi32, #tpu.memory_space<vmem>>) semaphore(%arg26 : memref<!tpu.dma_semaphore, #tpu.memory_space<semaphore_mem>>)
      %dma_wait3A_121 = arith.constant 0 : i32
      %dma_wait3A_122 = arith.constant 0 : i32
      %dma_wait3A_123 = tpu.memref_slice %arg2[%dma_wait3A_121, %dma_wait3A_122] : memref<10240x128xf32, #tpu.memory_space<hbm>> -> memref<10240x128xf32, #tpu.memory_space<hbm>>
      tpu.wait_indirect_dma semaphore(%arg27 : memref<!tpu.dma_semaphore, #tpu.memory_space<semaphore_mem>>) src(%dma_wait3A_123 : memref<10240x128xf32, #tpu.memory_space<hbm>>) dst(%arg23 : memref<80x128xf32, #tpu.memory_space<vmem>>)
      "tpu.region"() ({
        %run_scoped3A = tpu.sem_alloc : memref<!tpu.dma_semaphore, #tpu.memory_space<semaphore_mem>>
        %dma_start3A_125 = arith.constant 0 : i32
        %dma_start3A_126 = arith.constant 0 : i32
        %dma_start3A_127 = tpu.memref_slice %arg8[%dma_start3A_125, %dma_start3A_126] : memref<10240x128xf32, #tpu.memory_space<vmem_shared>> -> memref<10240x128xf32, #tpu.memory_space<vmem_shared>>
        tpu.enqueue_indirect_dma source(%arg23 : memref<80x128xf32, #tpu.memory_space<vmem>>) target(%dma_start3A_127 : memref<10240x128xf32, #tpu.memory_space<vmem_shared>>) offsets(%arg15 : memref<80xi32, #tpu.memory_space<vmem>>) semaphore(%run_scoped3A : memref<!tpu.dma_semaphore, #tpu.memory_space<semaphore_mem>>) {add = true}
        %dma_wait3A_128 = arith.constant 0 : i32
        %dma_wait3A_129 = arith.constant 0 : i32
        %dma_wait3A_130 = tpu.memref_slice %arg8[%dma_wait3A_128, %dma_wait3A_129] : memref<10240x128xf32, #tpu.memory_space<vmem_shared>> -> memref<10240x128xf32, #tpu.memory_space<vmem_shared>>
        tpu.wait_indirect_dma semaphore(%run_scoped3A : memref<!tpu.dma_semaphore, #tpu.memory_space<semaphore_mem>>) src(%arg23 : memref<80x128xf32, #tpu.memory_space<vmem>>) dst(%dma_wait3A_130 : memref<10240x128xf32, #tpu.memory_space<vmem_shared>>)
        tpu.yield
      }) : () -> ()
      %scan3A_124 = arith.constant 0 : i32
      scf.yield %scan3A_124 : i32
    }
    %scan3A_67 = arith.constant 41 : i32
    %dma_wait3A = arith.constant 0 : i32
    %dma_wait3A_68 = arith.constant 0 : i32
    %dma_wait3A_69 = tpu.memref_slice %arg2[%dma_wait3A, %dma_wait3A_68] : memref<10240x128xf32, #tpu.memory_space<hbm>> -> memref<10240x128xf32, #tpu.memory_space<hbm>>
    tpu.wait_indirect_dma semaphore(%arg25 : memref<!tpu.dma_semaphore, #tpu.memory_space<semaphore_mem>>) src(%dma_wait3A_69 : memref<10240x128xf32, #tpu.memory_space<hbm>>) dst(%arg21 : memref<80x128xf32, #tpu.memory_space<vmem>>)
    "tpu.region"() ({
      %run_scoped3A = tpu.sem_alloc : memref<!tpu.dma_semaphore, #tpu.memory_space<semaphore_mem>>
      %dma_start3A_81 = arith.constant 0 : i32
      %dma_start3A_82 = arith.constant 0 : i32
      %dma_start3A_83 = tpu.memref_slice %arg8[%dma_start3A_81, %dma_start3A_82] : memref<10240x128xf32, #tpu.memory_space<vmem_shared>> -> memref<10240x128xf32, #tpu.memory_space<vmem_shared>>
      tpu.enqueue_indirect_dma source(%arg21 : memref<80x128xf32, #tpu.memory_space<vmem>>) target(%dma_start3A_83 : memref<10240x128xf32, #tpu.memory_space<vmem_shared>>) offsets(%arg13 : memref<80xi32, #tpu.memory_space<vmem>>) semaphore(%run_scoped3A : memref<!tpu.dma_semaphore, #tpu.memory_space<semaphore_mem>>) {add = true}
      %dma_wait3A_84 = arith.constant 0 : i32
      %dma_wait3A_85 = arith.constant 0 : i32
      %dma_wait3A_86 = tpu.memref_slice %arg8[%dma_wait3A_84, %dma_wait3A_85] : memref<10240x128xf32, #tpu.memory_space<vmem_shared>> -> memref<10240x128xf32, #tpu.memory_space<vmem_shared>>
      tpu.wait_indirect_dma semaphore(%run_scoped3A : memref<!tpu.dma_semaphore, #tpu.memory_space<semaphore_mem>>) src(%arg21 : memref<80x128xf32, #tpu.memory_space<vmem>>) dst(%dma_wait3A_86 : memref<10240x128xf32, #tpu.memory_space<vmem_shared>>)
      tpu.yield
    }) : () -> ()
    %dma_wait3A_70 = arith.constant 0 : i32
    %dma_wait3A_71 = arith.constant 0 : i32
    %dma_wait3A_72 = tpu.memref_slice %arg2[%dma_wait3A_70, %dma_wait3A_71] : memref<10240x128xf32, #tpu.memory_space<hbm>> -> memref<10240x128xf32, #tpu.memory_space<hbm>>
    tpu.wait_indirect_dma semaphore(%arg26 : memref<!tpu.dma_semaphore, #tpu.memory_space<semaphore_mem>>) src(%dma_wait3A_72 : memref<10240x128xf32, #tpu.memory_space<hbm>>) dst(%arg22 : memref<80x128xf32, #tpu.memory_space<vmem>>)
    "tpu.region"() ({
      %run_scoped3A = tpu.sem_alloc : memref<!tpu.dma_semaphore, #tpu.memory_space<semaphore_mem>>
      %dma_start3A_81 = arith.constant 0 : i32
      %dma_start3A_82 = arith.constant 0 : i32
      %dma_start3A_83 = tpu.memref_slice %arg8[%dma_start3A_81, %dma_start3A_82] : memref<10240x128xf32, #tpu.memory_space<vmem_shared>> -> memref<10240x128xf32, #tpu.memory_space<vmem_shared>>
      tpu.enqueue_indirect_dma source(%arg22 : memref<80x128xf32, #tpu.memory_space<vmem>>) target(%dma_start3A_83 : memref<10240x128xf32, #tpu.memory_space<vmem_shared>>) offsets(%arg14 : memref<80xi32, #tpu.memory_space<vmem>>) semaphore(%run_scoped3A : memref<!tpu.dma_semaphore, #tpu.memory_space<semaphore_mem>>) {add = true}
      %dma_wait3A_84 = arith.constant 0 : i32
      %dma_wait3A_85 = arith.constant 0 : i32
      %dma_wait3A_86 = tpu.memref_slice %arg8[%dma_wait3A_84, %dma_wait3A_85] : memref<10240x128xf32, #tpu.memory_space<vmem_shared>> -> memref<10240x128xf32, #tpu.memory_space<vmem_shared>>
      tpu.wait_indirect_dma semaphore(%run_scoped3A : memref<!tpu.dma_semaphore, #tpu.memory_space<semaphore_mem>>) src(%arg22 : memref<80x128xf32, #tpu.memory_space<vmem>>) dst(%dma_wait3A_86 : memref<10240x128xf32, #tpu.memory_space<vmem_shared>>)
      tpu.yield
    }) : () -> ()
    %barrier3A_73 = arith.constant 0 : index
    tpu.barrier barrier_id(%barrier3A_73)
    "tpu.region"() ({
      %run_scoped3A = tpu.sem_alloc : memref<!tpu.dma_semaphore, #tpu.memory_space<semaphore_mem>>
      %dma_start3A_81 = arith.constant 0 : i32
      %dma_start3A_82 = tpu.memref_slice %arg5[%arg0, %mul3A_2, %dma_start3A_81] : memref<2x10240x128xf32, #tpu.memory_space<hbm>> -> memref<1x640x128xf32, #tpu.memory_space<hbm>>
      %dma_start3A_83 = tpu.memref_squeeze %dma_start3A_82 : memref<1x640x128xf32, #tpu.memory_space<hbm>> -> memref<640x128xf32, #tpu.memory_space<hbm>>
      %dma_start3A_84 = arith.constant 0 : i32
      %dma_start3A_85 = tpu.memref_slice %arg8[%mul3A_2, %dma_start3A_84] : memref<10240x128xf32, #tpu.memory_space<vmem_shared>> -> memref<640x128xf32, #tpu.memory_space<vmem_shared>>
      tpu.enqueue_dma source(%dma_start3A_85 : memref<640x128xf32, #tpu.memory_space<vmem_shared>>) target(%dma_start3A_83 : memref<640x128xf32, #tpu.memory_space<hbm>>) target_semaphore(%run_scoped3A : memref<!tpu.dma_semaphore, #tpu.memory_space<semaphore_mem>>)
      %dma_wait3A_86 = arith.constant 0 : i32
      %dma_wait3A_87 = tpu.memref_slice %arg5[%arg0, %mul3A_2, %dma_wait3A_86] : memref<2x10240x128xf32, #tpu.memory_space<hbm>> -> memref<1x640x128xf32, #tpu.memory_space<hbm>>
      %dma_wait3A_88 = tpu.memref_squeeze %dma_wait3A_87 : memref<1x640x128xf32, #tpu.memory_space<hbm>> -> memref<640x128xf32, #tpu.memory_space<hbm>>
      %dma_wait3A_89 = arith.constant 0 : i32
      %dma_wait3A_90 = tpu.memref_slice %arg8[%mul3A_2, %dma_wait3A_89] : memref<10240x128xf32, #tpu.memory_space<vmem_shared>> -> memref<640x128xf32, #tpu.memory_space<vmem_shared>>
      tpu.wait_dma2 semaphore(%run_scoped3A : memref<!tpu.dma_semaphore, #tpu.memory_space<semaphore_mem>>) src(%dma_wait3A_90 : memref<640x128xf32, #tpu.memory_space<vmem_shared>>) dst(%dma_wait3A_88 : memref<640x128xf32, #tpu.memory_space<hbm>>)
      tpu.yield
    }) : () -> ()
    %eq3A = arith.constant 0 : i32
    %eq3A_74 = arith.cmpi eq, %arg0, %eq3A : i32
    %convert_element_type3A = arith.extui %eq3A_74 : i1 to i32
    %cond3A = arith.constant 0 : i32
    %cond3A_75 = arith.cmpi ne, %convert_element_type3A, %cond3A : i32
    scf.if %cond3A_75 {
      "tpu.region"() ({
        %run_scoped3A = tpu.sem_alloc : memref<!tpu.dma_semaphore, #tpu.memory_space<semaphore_mem>>
        %dma_start3A_81 = tpu.memref_slice %arg6[%mul3A_2] : memref<10240xf32, #tpu.memory_space<hbm>> -> memref<640xf32, #tpu.memory_space<hbm>>
        %dma_start3A_82 = tpu.memref_slice %arg9[%mul3A_2] : memref<10240xf32, #tpu.memory_space<vmem_shared>> -> memref<640xf32, #tpu.memory_space<vmem_shared>>
        tpu.enqueue_dma source(%dma_start3A_82 : memref<640xf32, #tpu.memory_space<vmem_shared>>) target(%dma_start3A_81 : memref<640xf32, #tpu.memory_space<hbm>>) target_semaphore(%run_scoped3A : memref<!tpu.dma_semaphore, #tpu.memory_space<semaphore_mem>>)
        %dma_wait3A_83 = tpu.memref_slice %arg6[%mul3A_2] : memref<10240xf32, #tpu.memory_space<hbm>> -> memref<640xf32, #tpu.memory_space<hbm>>
        %dma_wait3A_84 = tpu.memref_slice %arg9[%mul3A_2] : memref<10240xf32, #tpu.memory_space<vmem_shared>> -> memref<640xf32, #tpu.memory_space<vmem_shared>>
        tpu.wait_dma2 semaphore(%run_scoped3A : memref<!tpu.dma_semaphore, #tpu.memory_space<semaphore_mem>>) src(%dma_wait3A_84 : memref<640xf32, #tpu.memory_space<vmem_shared>>) dst(%dma_wait3A_83 : memref<640xf32, #tpu.memory_space<hbm>>)
        tpu.yield
      }) : () -> ()
    } else {
    }
    %eq3A_76 = arith.constant 1 : i32
    %eq3A_77 = arith.cmpi eq, %arg0, %eq3A_76 : i32
    %convert_element_type3A_78 = arith.extui %eq3A_77 : i1 to i32
    %cond3A_79 = arith.constant 0 : i32
    %cond3A_80 = arith.cmpi ne, %convert_element_type3A_78, %cond3A_79 : i32
    scf.if %cond3A_80 {
      "tpu.region"() ({
        %run_scoped3A = tpu.sem_alloc : memref<!tpu.dma_semaphore, #tpu.memory_space<semaphore_mem>>
        %dma_start3A_81 = tpu.memref_slice %arg7[%mul3A_2] : memref<10240xf32, #tpu.memory_space<hbm>> -> memref<640xf32, #tpu.memory_space<hbm>>
        %dma_start3A_82 = tpu.memref_slice %arg9[%mul3A_2] : memref<10240xf32, #tpu.memory_space<vmem_shared>> -> memref<640xf32, #tpu.memory_space<vmem_shared>>
        tpu.enqueue_dma source(%dma_start3A_82 : memref<640xf32, #tpu.memory_space<vmem_shared>>) target(%dma_start3A_81 : memref<640xf32, #tpu.memory_space<hbm>>) target_semaphore(%run_scoped3A : memref<!tpu.dma_semaphore, #tpu.memory_space<semaphore_mem>>)
        %dma_wait3A_83 = tpu.memref_slice %arg7[%mul3A_2] : memref<10240xf32, #tpu.memory_space<hbm>> -> memref<640xf32, #tpu.memory_space<hbm>>
        %dma_wait3A_84 = tpu.memref_slice %arg9[%mul3A_2] : memref<10240xf32, #tpu.memory_space<vmem_shared>> -> memref<640xf32, #tpu.memory_space<vmem_shared>>
        tpu.wait_dma2 semaphore(%run_scoped3A : memref<!tpu.dma_semaphore, #tpu.memory_space<semaphore_mem>>) src(%dma_wait3A_84 : memref<640xf32, #tpu.memory_space<vmem_shared>>) dst(%dma_wait3A_83 : memref<640xf32, #tpu.memory_space<hbm>>)
        tpu.yield
      }) : () -> ()
    } else {
    }
    return
  }
}

#map = affine_map<(d0, d1) -> (0, 0)>
#map1 = affine_map<(d0, d1) -> (0)>
module attributes {stable_mosaic.version = 14 : i64} {
  func.func @_sc_gather_body(%arg0: i32, %arg1: i32, %arg2: memref<10240x128xf32, #tpu.memory_space<hbm>>, %arg3: memref<16384xi32, #tpu.memory_space<hbm>>, %arg4: memref<16384xi32, #tpu.memory_space<hbm>>, %arg5: memref<16384xi32, #tpu.memory_space<hbm>>, %arg6: memref<16384xi32, #tpu.memory_space<hbm>>, %arg7: memref<10000xf32, #tpu.memory_space<hbm>>, %arg8: memref<16384x128xf32, #tpu.memory_space<hbm>>, %arg9: memref<16384x128xf32, #tpu.memory_space<hbm>>, %arg10: memref<16384x128xf32, #tpu.memory_space<hbm>>, %arg11: memref<16384x128xf32, #tpu.memory_space<hbm>>, %arg12: memref<16384xf32, #tpu.memory_space<hbm>>, %arg13: memref<512x128xf32, #tpu.memory_space<vmem>>, %arg14: memref<512xi32, #tpu.memory_space<vmem>>, %arg15: memref<512xi32, #tpu.memory_space<vmem>>, %arg16: memref<512xi32, #tpu.memory_space<vmem>>, %arg17: memref<512xi32, #tpu.memory_space<vmem>>, %arg18: memref<512xf32, #tpu.memory_space<vmem>>, %arg19: memref<512xf32, #tpu.memory_space<vmem>>, %arg20: memref<512xf32, #tpu.memory_space<vmem>>, %arg21: memref<512xf32, #tpu.memory_space<vmem>>, %arg22: memref<512xf32, #tpu.memory_space<vmem>>) attributes {dimension_semantics = [#tpu.dimension_semantics<core_parallel>, #tpu.dimension_semantics<subcore_parallel>], iteration_bounds = array<i64: 2, 16>, scalar_prefetch = 0 : i64, scratch_operands = 10 : i64, tpu.core_type = #tpu.core_type<sc_vector_subcore>, window_params = [{transform_indices = #map}, {transform_indices = #map1}, {transform_indices = #map1}, {transform_indices = #map1}, {transform_indices = #map1}, {transform_indices = #map1}, {transform_indices = #map}, {transform_indices = #map}, {transform_indices = #map}, {transform_indices = #map}, {transform_indices = #map1}]} {
    %mul3A = arith.constant 2 : i32
    %mul3A_0 = arith.muli %arg1, %mul3A : i32
    %add3A = arith.addi %mul3A_0, %arg0 : i32
    %mul3A_1 = arith.constant 512 : i32
    %mul3A_2 = arith.muli %add3A, %mul3A_1 : i32
    "tpu.region"() ({
      %run_scoped3A = tpu.sem_alloc : memref<!tpu.dma_semaphore, #tpu.memory_space<semaphore_mem>>
      %dma_start3A = tpu.memref_slice %arg3[%mul3A_2] : memref<16384xi32, #tpu.memory_space<hbm>> -> memref<512xi32, #tpu.memory_space<hbm>>
      %dma_start3A_9 = tpu.memref_slice %arg3[%mul3A_2] : memref<16384xi32, #tpu.memory_space<hbm>> -> memref<512xi32, #tpu.memory_space<hbm>>
      tpu.enqueue_dma source(%dma_start3A_9 : memref<512xi32, #tpu.memory_space<hbm>>) target(%arg14 : memref<512xi32, #tpu.memory_space<vmem>>) target_semaphore(%run_scoped3A : memref<!tpu.dma_semaphore, #tpu.memory_space<semaphore_mem>>)
      %dma_wait3A = tpu.memref_slice %arg3[%mul3A_2] : memref<16384xi32, #tpu.memory_space<hbm>> -> memref<512xi32, #tpu.memory_space<hbm>>
      %dma_wait3A_10 = tpu.memref_slice %arg3[%mul3A_2] : memref<16384xi32, #tpu.memory_space<hbm>> -> memref<512xi32, #tpu.memory_space<hbm>>
      tpu.wait_dma2 semaphore(%run_scoped3A : memref<!tpu.dma_semaphore, #tpu.memory_space<semaphore_mem>>) src(%dma_wait3A_10 : memref<512xi32, #tpu.memory_space<hbm>>) dst(%arg14 : memref<512xi32, #tpu.memory_space<vmem>>)
      tpu.yield
    }) : () -> ()
    "tpu.region"() ({
      %run_scoped3A = tpu.sem_alloc : memref<!tpu.dma_semaphore, #tpu.memory_space<semaphore_mem>>
      %dma_start3A = tpu.memref_slice %arg4[%mul3A_2] : memref<16384xi32, #tpu.memory_space<hbm>> -> memref<512xi32, #tpu.memory_space<hbm>>
      %dma_start3A_9 = tpu.memref_slice %arg4[%mul3A_2] : memref<16384xi32, #tpu.memory_space<hbm>> -> memref<512xi32, #tpu.memory_space<hbm>>
      tpu.enqueue_dma source(%dma_start3A_9 : memref<512xi32, #tpu.memory_space<hbm>>) target(%arg15 : memref<512xi32, #tpu.memory_space<vmem>>) target_semaphore(%run_scoped3A : memref<!tpu.dma_semaphore, #tpu.memory_space<semaphore_mem>>)
      %dma_wait3A = tpu.memref_slice %arg4[%mul3A_2] : memref<16384xi32, #tpu.memory_space<hbm>> -> memref<512xi32, #tpu.memory_space<hbm>>
      %dma_wait3A_10 = tpu.memref_slice %arg4[%mul3A_2] : memref<16384xi32, #tpu.memory_space<hbm>> -> memref<512xi32, #tpu.memory_space<hbm>>
      tpu.wait_dma2 semaphore(%run_scoped3A : memref<!tpu.dma_semaphore, #tpu.memory_space<semaphore_mem>>) src(%dma_wait3A_10 : memref<512xi32, #tpu.memory_space<hbm>>) dst(%arg15 : memref<512xi32, #tpu.memory_space<vmem>>)
      tpu.yield
    }) : () -> ()
    "tpu.region"() ({
      %run_scoped3A = tpu.sem_alloc : memref<!tpu.dma_semaphore, #tpu.memory_space<semaphore_mem>>
      %dma_start3A = tpu.memref_slice %arg5[%mul3A_2] : memref<16384xi32, #tpu.memory_space<hbm>> -> memref<512xi32, #tpu.memory_space<hbm>>
      %dma_start3A_9 = tpu.memref_slice %arg5[%mul3A_2] : memref<16384xi32, #tpu.memory_space<hbm>> -> memref<512xi32, #tpu.memory_space<hbm>>
      tpu.enqueue_dma source(%dma_start3A_9 : memref<512xi32, #tpu.memory_space<hbm>>) target(%arg16 : memref<512xi32, #tpu.memory_space<vmem>>) target_semaphore(%run_scoped3A : memref<!tpu.dma_semaphore, #tpu.memory_space<semaphore_mem>>)
      %dma_wait3A = tpu.memref_slice %arg5[%mul3A_2] : memref<16384xi32, #tpu.memory_space<hbm>> -> memref<512xi32, #tpu.memory_space<hbm>>
      %dma_wait3A_10 = tpu.memref_slice %arg5[%mul3A_2] : memref<16384xi32, #tpu.memory_space<hbm>> -> memref<512xi32, #tpu.memory_space<hbm>>
      tpu.wait_dma2 semaphore(%run_scoped3A : memref<!tpu.dma_semaphore, #tpu.memory_space<semaphore_mem>>) src(%dma_wait3A_10 : memref<512xi32, #tpu.memory_space<hbm>>) dst(%arg16 : memref<512xi32, #tpu.memory_space<vmem>>)
      tpu.yield
    }) : () -> ()
    "tpu.region"() ({
      %run_scoped3A = tpu.sem_alloc : memref<!tpu.dma_semaphore, #tpu.memory_space<semaphore_mem>>
      %dma_start3A = tpu.memref_slice %arg6[%mul3A_2] : memref<16384xi32, #tpu.memory_space<hbm>> -> memref<512xi32, #tpu.memory_space<hbm>>
      %dma_start3A_9 = tpu.memref_slice %arg6[%mul3A_2] : memref<16384xi32, #tpu.memory_space<hbm>> -> memref<512xi32, #tpu.memory_space<hbm>>
      tpu.enqueue_dma source(%dma_start3A_9 : memref<512xi32, #tpu.memory_space<hbm>>) target(%arg17 : memref<512xi32, #tpu.memory_space<vmem>>) target_semaphore(%run_scoped3A : memref<!tpu.dma_semaphore, #tpu.memory_space<semaphore_mem>>)
      %dma_wait3A = tpu.memref_slice %arg6[%mul3A_2] : memref<16384xi32, #tpu.memory_space<hbm>> -> memref<512xi32, #tpu.memory_space<hbm>>
      %dma_wait3A_10 = tpu.memref_slice %arg6[%mul3A_2] : memref<16384xi32, #tpu.memory_space<hbm>> -> memref<512xi32, #tpu.memory_space<hbm>>
      tpu.wait_dma2 semaphore(%run_scoped3A : memref<!tpu.dma_semaphore, #tpu.memory_space<semaphore_mem>>) src(%dma_wait3A_10 : memref<512xi32, #tpu.memory_space<hbm>>) dst(%arg17 : memref<512xi32, #tpu.memory_space<vmem>>)
      tpu.yield
    }) : () -> ()
    "tpu.region"() ({
      %run_scoped3A = tpu.sem_alloc : memref<!tpu.dma_semaphore, #tpu.memory_space<semaphore_mem>>
      %dma_start3A = arith.constant 0 : i32
      %dma_start3A_9 = tpu.memref_slice %arg7[%dma_start3A] : memref<10000xf32, #tpu.memory_space<hbm>> -> memref<10000xf32, #tpu.memory_space<hbm>>
      tpu.enqueue_indirect_dma source(%dma_start3A_9 : memref<10000xf32, #tpu.memory_space<hbm>>) target(%arg18 : memref<512xf32, #tpu.memory_space<vmem>>) offsets(%arg14 : memref<512xi32, #tpu.memory_space<vmem>>) semaphore(%run_scoped3A : memref<!tpu.dma_semaphore, #tpu.memory_space<semaphore_mem>>)
      %dma_wait3A = arith.constant 0 : i32
      %dma_wait3A_10 = tpu.memref_slice %arg7[%dma_wait3A] : memref<10000xf32, #tpu.memory_space<hbm>> -> memref<10000xf32, #tpu.memory_space<hbm>>
      tpu.wait_indirect_dma semaphore(%run_scoped3A : memref<!tpu.dma_semaphore, #tpu.memory_space<semaphore_mem>>) src(%dma_wait3A_10 : memref<10000xf32, #tpu.memory_space<hbm>>) dst(%arg18 : memref<512xf32, #tpu.memory_space<vmem>>)
      tpu.yield
    }) : () -> ()
    "tpu.region"() ({
      %run_scoped3A = tpu.sem_alloc : memref<!tpu.dma_semaphore, #tpu.memory_space<semaphore_mem>>
      %dma_start3A = arith.constant 0 : i32
      %dma_start3A_9 = tpu.memref_slice %arg7[%dma_start3A] : memref<10000xf32, #tpu.memory_space<hbm>> -> memref<10000xf32, #tpu.memory_space<hbm>>
      tpu.enqueue_indirect_dma source(%dma_start3A_9 : memref<10000xf32, #tpu.memory_space<hbm>>) target(%arg19 : memref<512xf32, #tpu.memory_space<vmem>>) offsets(%arg15 : memref<512xi32, #tpu.memory_space<vmem>>) semaphore(%run_scoped3A : memref<!tpu.dma_semaphore, #tpu.memory_space<semaphore_mem>>)
      %dma_wait3A = arith.constant 0 : i32
      %dma_wait3A_10 = tpu.memref_slice %arg7[%dma_wait3A] : memref<10000xf32, #tpu.memory_space<hbm>> -> memref<10000xf32, #tpu.memory_space<hbm>>
      tpu.wait_indirect_dma semaphore(%run_scoped3A : memref<!tpu.dma_semaphore, #tpu.memory_space<semaphore_mem>>) src(%dma_wait3A_10 : memref<10000xf32, #tpu.memory_space<hbm>>) dst(%arg19 : memref<512xf32, #tpu.memory_space<vmem>>)
      tpu.yield
    }) : () -> ()
    "tpu.region"() ({
      %run_scoped3A = tpu.sem_alloc : memref<!tpu.dma_semaphore, #tpu.memory_space<semaphore_mem>>
      %dma_start3A = arith.constant 0 : i32
      %dma_start3A_9 = tpu.memref_slice %arg7[%dma_start3A] : memref<10000xf32, #tpu.memory_space<hbm>> -> memref<10000xf32, #tpu.memory_space<hbm>>
      tpu.enqueue_indirect_dma source(%dma_start3A_9 : memref<10000xf32, #tpu.memory_space<hbm>>) target(%arg20 : memref<512xf32, #tpu.memory_space<vmem>>) offsets(%arg16 : memref<512xi32, #tpu.memory_space<vmem>>) semaphore(%run_scoped3A : memref<!tpu.dma_semaphore, #tpu.memory_space<semaphore_mem>>)
      %dma_wait3A = arith.constant 0 : i32
      %dma_wait3A_10 = tpu.memref_slice %arg7[%dma_wait3A] : memref<10000xf32, #tpu.memory_space<hbm>> -> memref<10000xf32, #tpu.memory_space<hbm>>
      tpu.wait_indirect_dma semaphore(%run_scoped3A : memref<!tpu.dma_semaphore, #tpu.memory_space<semaphore_mem>>) src(%dma_wait3A_10 : memref<10000xf32, #tpu.memory_space<hbm>>) dst(%arg20 : memref<512xf32, #tpu.memory_space<vmem>>)
      tpu.yield
    }) : () -> ()
    "tpu.region"() ({
      %run_scoped3A = tpu.sem_alloc : memref<!tpu.dma_semaphore, #tpu.memory_space<semaphore_mem>>
      %dma_start3A = arith.constant 0 : i32
      %dma_start3A_9 = tpu.memref_slice %arg7[%dma_start3A] : memref<10000xf32, #tpu.memory_space<hbm>> -> memref<10000xf32, #tpu.memory_space<hbm>>
      tpu.enqueue_indirect_dma source(%dma_start3A_9 : memref<10000xf32, #tpu.memory_space<hbm>>) target(%arg21 : memref<512xf32, #tpu.memory_space<vmem>>) offsets(%arg17 : memref<512xi32, #tpu.memory_space<vmem>>) semaphore(%run_scoped3A : memref<!tpu.dma_semaphore, #tpu.memory_space<semaphore_mem>>)
      %dma_wait3A = arith.constant 0 : i32
      %dma_wait3A_10 = tpu.memref_slice %arg7[%dma_wait3A] : memref<10000xf32, #tpu.memory_space<hbm>> -> memref<10000xf32, #tpu.memory_space<hbm>>
      tpu.wait_indirect_dma semaphore(%run_scoped3A : memref<!tpu.dma_semaphore, #tpu.memory_space<semaphore_mem>>) src(%dma_wait3A_10 : memref<10000xf32, #tpu.memory_space<hbm>>) dst(%arg21 : memref<512xf32, #tpu.memory_space<vmem>>)
      tpu.yield
    }) : () -> ()
    %scan3A = arith.constant 0 : i32
    %scan3A_3 = arith.constant 0 : i32
    %scan3A_4 = arith.constant 32 : i32
    %scan3A_5 = arith.addi %scan3A_3, %scan3A_4 : i32
    %scan3A_6 = arith.constant 1 : i32
    %scan3A_7 = scf.for %scan3A_9 = %scan3A_3 to %scan3A_5 step %scan3A_6 iter_args(%scan3A_10 = %scan3A) -> (i32)  : i32 {
      %mul3A_11 = arith.constant 16 : i32
      %mul3A_12 = arith.muli %scan3A_9, %mul3A_11 : i32
      %get3A = arith.index_cast %mul3A_12 : i32 to index
      %get3A_13 = tpu.vector_load %arg20[%get3A] {strides = array<i32>} : memref<512xf32, #tpu.memory_space<vmem>>, vector<16xf32>,
      %get3A_14 = vector.shape_cast %get3A_13 : vector<16xf32> to vector<16xf32>
      %get3A_15 = arith.index_cast %mul3A_12 : i32 to index
      %get3A_16 = tpu.vector_load %arg21[%get3A_15] {strides = array<i32>} : memref<512xf32, #tpu.memory_space<vmem>>, vector<16xf32>,
      %get3A_17 = vector.shape_cast %get3A_16 : vector<16xf32> to vector<16xf32>
      %add3A_18 = arith.addf %get3A_14, %get3A_17 : vector<16xf32>
      %get3A_19 = arith.index_cast %mul3A_12 : i32 to index
      %get3A_20 = tpu.vector_load %arg18[%get3A_19] {strides = array<i32>} : memref<512xf32, #tpu.memory_space<vmem>>, vector<16xf32>,
      %get3A_21 = vector.shape_cast %get3A_20 : vector<16xf32> to vector<16xf32>
      %sub3A = arith.subf %add3A_18, %get3A_21 : vector<16xf32>
      %get3A_22 = arith.index_cast %mul3A_12 : i32 to index
      %get3A_23 = tpu.vector_load %arg19[%get3A_22] {strides = array<i32>} : memref<512xf32, #tpu.memory_space<vmem>>, vector<16xf32>,
      %get3A_24 = vector.shape_cast %get3A_23 : vector<16xf32> to vector<16xf32>
      %sub3A_25 = arith.subf %sub3A, %get3A_24 : vector<16xf32>
      %swap3A = arith.index_cast %mul3A_12 : i32 to index
      %swap3A_26 = tpu.vector_load %arg22[%swap3A] {strides = array<i32>} : memref<512xf32, #tpu.memory_space<vmem>>, vector<16xf32>,
      %swap3A_27 = vector.shape_cast %swap3A_26 : vector<16xf32> to vector<16xf32>
      %swap3A_28 = vector.shape_cast %sub3A_25 : vector<16xf32> to vector<16xf32>
      tpu.vector_store %arg22[%swap3A], %swap3A_28 {strides = array<i32>} : memref<512xf32, #tpu.memory_space<vmem>>, vector<16xf32>,
      %scan3A_29 = arith.constant 0 : i32
      scf.yield %scan3A_29 : i32
    }
    %scan3A_8 = arith.constant 32 : i32
    "tpu.region"() ({
      %run_scoped3A = tpu.sem_alloc : memref<!tpu.dma_semaphore, #tpu.memory_space<semaphore_mem>>
      %dma_start3A = tpu.memref_slice %arg12[%mul3A_2] : memref<16384xf32, #tpu.memory_space<hbm>> -> memref<512xf32, #tpu.memory_space<hbm>>
      %dma_start3A_9 = tpu.memref_slice %arg12[%mul3A_2] : memref<16384xf32, #tpu.memory_space<hbm>> -> memref<512xf32, #tpu.memory_space<hbm>>
      tpu.enqueue_dma source(%arg22 : memref<512xf32, #tpu.memory_space<vmem>>) target(%dma_start3A_9 : memref<512xf32, #tpu.memory_space<hbm>>) target_semaphore(%run_scoped3A : memref<!tpu.dma_semaphore, #tpu.memory_space<semaphore_mem>>)
      %dma_wait3A = tpu.memref_slice %arg12[%mul3A_2] : memref<16384xf32, #tpu.memory_space<hbm>> -> memref<512xf32, #tpu.memory_space<hbm>>
      %dma_wait3A_10 = tpu.memref_slice %arg12[%mul3A_2] : memref<16384xf32, #tpu.memory_space<hbm>> -> memref<512xf32, #tpu.memory_space<hbm>>
      tpu.wait_dma2 semaphore(%run_scoped3A : memref<!tpu.dma_semaphore, #tpu.memory_space<semaphore_mem>>) src(%arg22 : memref<512xf32, #tpu.memory_space<vmem>>) dst(%dma_wait3A_10 : memref<512xf32, #tpu.memory_space<hbm>>)
      tpu.yield
    }) : () -> ()
    "tpu.region"() ({
      %run_scoped3A = tpu.sem_alloc : memref<!tpu.dma_semaphore, #tpu.memory_space<semaphore_mem>>
      %dma_start3A = arith.constant 0 : i32
      %dma_start3A_9 = arith.constant 0 : i32
      %dma_start3A_10 = tpu.memref_slice %arg2[%dma_start3A, %dma_start3A_9] : memref<10240x128xf32, #tpu.memory_space<hbm>> -> memref<10240x128xf32, #tpu.memory_space<hbm>>
      tpu.enqueue_indirect_dma source(%dma_start3A_10 : memref<10240x128xf32, #tpu.memory_space<hbm>>) target(%arg13 : memref<512x128xf32, #tpu.memory_space<vmem>>) offsets(%arg14 : memref<512xi32, #tpu.memory_space<vmem>>) semaphore(%run_scoped3A : memref<!tpu.dma_semaphore, #tpu.memory_space<semaphore_mem>>)
      %dma_wait3A = arith.constant 0 : i32
      %dma_wait3A_11 = arith.constant 0 : i32
      %dma_wait3A_12 = tpu.memref_slice %arg2[%dma_wait3A, %dma_wait3A_11] : memref<10240x128xf32, #tpu.memory_space<hbm>> -> memref<10240x128xf32, #tpu.memory_space<hbm>>
      tpu.wait_indirect_dma semaphore(%run_scoped3A : memref<!tpu.dma_semaphore, #tpu.memory_space<semaphore_mem>>) src(%dma_wait3A_12 : memref<10240x128xf32, #tpu.memory_space<hbm>>) dst(%arg13 : memref<512x128xf32, #tpu.memory_space<vmem>>)
      tpu.yield
    }) : () -> ()
    "tpu.region"() ({
      %run_scoped3A = tpu.sem_alloc : memref<!tpu.dma_semaphore, #tpu.memory_space<semaphore_mem>>
      %dma_start3A = arith.constant 0 : i32
      %dma_start3A_9 = tpu.memref_slice %arg8[%mul3A_2, %dma_start3A] : memref<16384x128xf32, #tpu.memory_space<hbm>> -> memref<512x128xf32, #tpu.memory_space<hbm>>
      %dma_start3A_10 = arith.constant 0 : i32
      %dma_start3A_11 = tpu.memref_slice %arg8[%mul3A_2, %dma_start3A_10] : memref<16384x128xf32, #tpu.memory_space<hbm>> -> memref<512x128xf32, #tpu.memory_space<hbm>>
      tpu.enqueue_dma source(%arg13 : memref<512x128xf32, #tpu.memory_space<vmem>>) target(%dma_start3A_11 : memref<512x128xf32, #tpu.memory_space<hbm>>) target_semaphore(%run_scoped3A : memref<!tpu.dma_semaphore, #tpu.memory_space<semaphore_mem>>)
      %dma_wait3A = arith.constant 0 : i32
      %dma_wait3A_12 = tpu.memref_slice %arg8[%mul3A_2, %dma_wait3A] : memref<16384x128xf32, #tpu.memory_space<hbm>> -> memref<512x128xf32, #tpu.memory_space<hbm>>
      %dma_wait3A_13 = arith.constant 0 : i32
      %dma_wait3A_14 = tpu.memref_slice %arg8[%mul3A_2, %dma_wait3A_13] : memref<16384x128xf32, #tpu.memory_space<hbm>> -> memref<512x128xf32, #tpu.memory_space<hbm>>
      tpu.wait_dma2 semaphore(%run_scoped3A : memref<!tpu.dma_semaphore, #tpu.memory_space<semaphore_mem>>) src(%arg13 : memref<512x128xf32, #tpu.memory_space<vmem>>) dst(%dma_wait3A_14 : memref<512x128xf32, #tpu.memory_space<hbm>>)
      tpu.yield
    }) : () -> ()
    "tpu.region"() ({
      %run_scoped3A = tpu.sem_alloc : memref<!tpu.dma_semaphore, #tpu.memory_space<semaphore_mem>>
      %dma_start3A = arith.constant 0 : i32
      %dma_start3A_9 = arith.constant 0 : i32
      %dma_start3A_10 = tpu.memref_slice %arg2[%dma_start3A, %dma_start3A_9] : memref<10240x128xf32, #tpu.memory_space<hbm>> -> memref<10240x128xf32, #tpu.memory_space<hbm>>
      tpu.enqueue_indirect_dma source(%dma_start3A_10 : memref<10240x128xf32, #tpu.memory_space<hbm>>) target(%arg13 : memref<512x128xf32, #tpu.memory_space<vmem>>) offsets(%arg15 : memref<512xi32, #tpu.memory_space<vmem>>) semaphore(%run_scoped3A : memref<!tpu.dma_semaphore, #tpu.memory_space<semaphore_mem>>)
      %dma_wait3A = arith.constant 0 : i32
      %dma_wait3A_11 = arith.constant 0 : i32
      %dma_wait3A_12 = tpu.memref_slice %arg2[%dma_wait3A, %dma_wait3A_11] : memref<10240x128xf32, #tpu.memory_space<hbm>> -> memref<10240x128xf32, #tpu.memory_space<hbm>>
      tpu.wait_indirect_dma semaphore(%run_scoped3A : memref<!tpu.dma_semaphore, #tpu.memory_space<semaphore_mem>>) src(%dma_wait3A_12 : memref<10240x128xf32, #tpu.memory_space<hbm>>) dst(%arg13 : memref<512x128xf32, #tpu.memory_space<vmem>>)
      tpu.yield
    }) : () -> ()
    "tpu.region"() ({
      %run_scoped3A = tpu.sem_alloc : memref<!tpu.dma_semaphore, #tpu.memory_space<semaphore_mem>>
      %dma_start3A = arith.constant 0 : i32
      %dma_start3A_9 = tpu.memref_slice %arg9[%mul3A_2, %dma_start3A] : memref<16384x128xf32, #tpu.memory_space<hbm>> -> memref<512x128xf32, #tpu.memory_space<hbm>>
      %dma_start3A_10 = arith.constant 0 : i32
      %dma_start3A_11 = tpu.memref_slice %arg9[%mul3A_2, %dma_start3A_10] : memref<16384x128xf32, #tpu.memory_space<hbm>> -> memref<512x128xf32, #tpu.memory_space<hbm>>
      tpu.enqueue_dma source(%arg13 : memref<512x128xf32, #tpu.memory_space<vmem>>) target(%dma_start3A_11 : memref<512x128xf32, #tpu.memory_space<hbm>>) target_semaphore(%run_scoped3A : memref<!tpu.dma_semaphore, #tpu.memory_space<semaphore_mem>>)
      %dma_wait3A = arith.constant 0 : i32
      %dma_wait3A_12 = tpu.memref_slice %arg9[%mul3A_2, %dma_wait3A] : memref<16384x128xf32, #tpu.memory_space<hbm>> -> memref<512x128xf32, #tpu.memory_space<hbm>>
      %dma_wait3A_13 = arith.constant 0 : i32
      %dma_wait3A_14 = tpu.memref_slice %arg9[%mul3A_2, %dma_wait3A_13] : memref<16384x128xf32, #tpu.memory_space<hbm>> -> memref<512x128xf32, #tpu.memory_space<hbm>>
      tpu.wait_dma2 semaphore(%run_scoped3A : memref<!tpu.dma_semaphore, #tpu.memory_space<semaphore_mem>>) src(%arg13 : memref<512x128xf32, #tpu.memory_space<vmem>>) dst(%dma_wait3A_14 : memref<512x128xf32, #tpu.memory_space<hbm>>)
      tpu.yield
    }) : () -> ()
    "tpu.region"() ({
      %run_scoped3A = tpu.sem_alloc : memref<!tpu.dma_semaphore, #tpu.memory_space<semaphore_mem>>
      %dma_start3A = arith.constant 0 : i32
      %dma_start3A_9 = arith.constant 0 : i32
      %dma_start3A_10 = tpu.memref_slice %arg2[%dma_start3A, %dma_start3A_9] : memref<10240x128xf32, #tpu.memory_space<hbm>> -> memref<10240x128xf32, #tpu.memory_space<hbm>>
      tpu.enqueue_indirect_dma source(%dma_start3A_10 : memref<10240x128xf32, #tpu.memory_space<hbm>>) target(%arg13 : memref<512x128xf32, #tpu.memory_space<vmem>>) offsets(%arg16 : memref<512xi32, #tpu.memory_space<vmem>>) semaphore(%run_scoped3A : memref<!tpu.dma_semaphore, #tpu.memory_space<semaphore_mem>>)
      %dma_wait3A = arith.constant 0 : i32
      %dma_wait3A_11 = arith.constant 0 : i32
      %dma_wait3A_12 = tpu.memref_slice %arg2[%dma_wait3A, %dma_wait3A_11] : memref<10240x128xf32, #tpu.memory_space<hbm>> -> memref<10240x128xf32, #tpu.memory_space<hbm>>
      tpu.wait_indirect_dma semaphore(%run_scoped3A : memref<!tpu.dma_semaphore, #tpu.memory_space<semaphore_mem>>) src(%dma_wait3A_12 : memref<10240x128xf32, #tpu.memory_space<hbm>>) dst(%arg13 : memref<512x128xf32, #tpu.memory_space<vmem>>)
      tpu.yield
    }) : () -> ()
    "tpu.region"() ({
      %run_scoped3A = tpu.sem_alloc : memref<!tpu.dma_semaphore, #tpu.memory_space<semaphore_mem>>
      %dma_start3A = arith.constant 0 : i32
      %dma_start3A_9 = tpu.memref_slice %arg10[%mul3A_2, %dma_start3A] : memref<16384x128xf32, #tpu.memory_space<hbm>> -> memref<512x128xf32, #tpu.memory_space<hbm>>
      %dma_start3A_10 = arith.constant 0 : i32
      %dma_start3A_11 = tpu.memref_slice %arg10[%mul3A_2, %dma_start3A_10] : memref<16384x128xf32, #tpu.memory_space<hbm>> -> memref<512x128xf32, #tpu.memory_space<hbm>>
      tpu.enqueue_dma source(%arg13 : memref<512x128xf32, #tpu.memory_space<vmem>>) target(%dma_start3A_11 : memref<512x128xf32, #tpu.memory_space<hbm>>) target_semaphore(%run_scoped3A : memref<!tpu.dma_semaphore, #tpu.memory_space<semaphore_mem>>)
      %dma_wait3A = arith.constant 0 : i32
      %dma_wait3A_12 = tpu.memref_slice %arg10[%mul3A_2, %dma_wait3A] : memref<16384x128xf32, #tpu.memory_space<hbm>> -> memref<512x128xf32, #tpu.memory_space<hbm>>
      %dma_wait3A_13 = arith.constant 0 : i32
      %dma_wait3A_14 = tpu.memref_slice %arg10[%mul3A_2, %dma_wait3A_13] : memref<16384x128xf32, #tpu.memory_space<hbm>> -> memref<512x128xf32, #tpu.memory_space<hbm>>
      tpu.wait_dma2 semaphore(%run_scoped3A : memref<!tpu.dma_semaphore, #tpu.memory_space<semaphore_mem>>) src(%arg13 : memref<512x128xf32, #tpu.memory_space<vmem>>) dst(%dma_wait3A_14 : memref<512x128xf32, #tpu.memory_space<hbm>>)
      tpu.yield
    }) : () -> ()
    "tpu.region"() ({
      %run_scoped3A = tpu.sem_alloc : memref<!tpu.dma_semaphore, #tpu.memory_space<semaphore_mem>>
      %dma_start3A = arith.constant 0 : i32
      %dma_start3A_9 = arith.constant 0 : i32
      %dma_start3A_10 = tpu.memref_slice %arg2[%dma_start3A, %dma_start3A_9] : memref<10240x128xf32, #tpu.memory_space<hbm>> -> memref<10240x128xf32, #tpu.memory_space<hbm>>
      tpu.enqueue_indirect_dma source(%dma_start3A_10 : memref<10240x128xf32, #tpu.memory_space<hbm>>) target(%arg13 : memref<512x128xf32, #tpu.memory_space<vmem>>) offsets(%arg17 : memref<512xi32, #tpu.memory_space<vmem>>) semaphore(%run_scoped3A : memref<!tpu.dma_semaphore, #tpu.memory_space<semaphore_mem>>)
      %dma_wait3A = arith.constant 0 : i32
      %dma_wait3A_11 = arith.constant 0 : i32
      %dma_wait3A_12 = tpu.memref_slice %arg2[%dma_wait3A, %dma_wait3A_11] : memref<10240x128xf32, #tpu.memory_space<hbm>> -> memref<10240x128xf32, #tpu.memory_space<hbm>>
      tpu.wait_indirect_dma semaphore(%run_scoped3A : memref<!tpu.dma_semaphore, #tpu.memory_space<semaphore_mem>>) src(%dma_wait3A_12 : memref<10240x128xf32, #tpu.memory_space<hbm>>) dst(%arg13 : memref<512x128xf32, #tpu.memory_space<vmem>>)
      tpu.yield
    }) : () -> ()
    "tpu.region"() ({
      %run_scoped3A = tpu.sem_alloc : memref<!tpu.dma_semaphore, #tpu.memory_space<semaphore_mem>>
      %dma_start3A = arith.constant 0 : i32
      %dma_start3A_9 = tpu.memref_slice %arg11[%mul3A_2, %dma_start3A] : memref<16384x128xf32, #tpu.memory_space<hbm>> -> memref<512x128xf32, #tpu.memory_space<hbm>>
      %dma_start3A_10 = arith.constant 0 : i32
      %dma_start3A_11 = tpu.memref_slice %arg11[%mul3A_2, %dma_start3A_10] : memref<16384x128xf32, #tpu.memory_space<hbm>> -> memref<512x128xf32, #tpu.memory_space<hbm>>
      tpu.enqueue_dma source(%arg13 : memref<512x128xf32, #tpu.memory_space<vmem>>) target(%dma_start3A_11 : memref<512x128xf32, #tpu.memory_space<hbm>>) target_semaphore(%run_scoped3A : memref<!tpu.dma_semaphore, #tpu.memory_space<semaphore_mem>>)
      %dma_wait3A = arith.constant 0 : i32
      %dma_wait3A_12 = tpu.memref_slice %arg11[%mul3A_2, %dma_wait3A] : memref<16384x128xf32, #tpu.memory_space<hbm>> -> memref<512x128xf32, #tpu.memory_space<hbm>>
      %dma_wait3A_13 = arith.constant 0 : i32
      %dma_wait3A_14 = tpu.memref_slice %arg11[%mul3A_2, %dma_wait3A_13] : memref<16384x128xf32, #tpu.memory_space<hbm>> -> memref<512x128xf32, #tpu.memory_space<hbm>>
      tpu.wait_dma2 semaphore(%run_scoped3A : memref<!tpu.dma_semaphore, #tpu.memory_space<semaphore_mem>>) src(%arg13 : memref<512x128xf32, #tpu.memory_space<vmem>>) dst(%dma_wait3A_14 : memref<512x128xf32, #tpu.memory_space<hbm>>)
      tpu.yield
    }) : () -> ()
    return
  }
}

module attributes {stable_mosaic.version = 14 : i64} {
  func.func @_tc_self_body(%arg0: i32, %arg1: memref<1024x128xf32, #tpu.memory_space<vmem>>, %arg2: memref<128x128xf32, #tpu.memory_space<vmem>>, %arg3: memref<1024x128xf32, #tpu.memory_space<vmem>>) attributes {dimension_semantics = [#tpu.dimension_semantics<arbitrary>], iteration_bounds = array<i64: 10>, scalar_prefetch = 0 : i64, scratch_operands = 0 : i64, tpu.core_type = #tpu.core_type<tc>, window_params = [{transform_indices = @transform_0, window_bounds = array<i64: 1024, 128>}, {pipeline_mode = #tpu.pipeline_mode<synchronous>, transform_indices = @transform_1, window_bounds = array<i64: 128, 128>}, {transform_indices = @transform_2, window_bounds = array<i64: 1024, 128>}]} {
    %get3A = arith.constant 0 : index
    %get3A_0 = arith.constant 0 : index
    %get3A_1 = vector.load %arg1[%get3A, %get3A_0] : memref<1024x128xf32, #tpu.memory_space<vmem>>, vector<1024x128xf32>
    %get3A_2 = arith.constant 0 : index
    %get3A_3 = arith.constant 0 : index
    %get3A_4 = vector.load %arg2[%get3A_2, %get3A_3] : memref<128x128xf32, #tpu.memory_space<vmem>>, vector<128x128xf32>
    %dot_general3A = arith.constant dense<0.000000e+00> : vector<1024x128xf32>
    %dot_general3A_5 = tpu.matmul %get3A_1, %get3A_4, %dot_general3A {dimension_numbers = #tpu.dot_dimension_numbers<[1], [0], [0], [1], [0, 0, 1, 1], [], []>, precision = #tpu.contract_precision<fp32>, transpose_lhs_hint = false} : vector<1024x128xf32>, vector<128x128xf32>, vector<1024x128xf32> -> vector<1024x128xf32>
    %swap3A = arith.constant 0 : index
    %swap3A_6 = arith.constant 0 : index
    %swap3A_7 = vector.load %arg3[%swap3A, %swap3A_6] : memref<1024x128xf32, #tpu.memory_space<vmem>>, vector<1024x128xf32>
    tpu.vector_store %arg3[%swap3A, %swap3A_6], %dot_general3A_5 {strides = array<i32>} : memref<1024x128xf32, #tpu.memory_space<vmem>>, vector<1024x128xf32>,
    return
  }
  func.func @transform_0(%arg0: i32) -> (i32, i32) {
    %c0_i32 = arith.constant 0 : i32
    %c0_i32_0 = arith.constant 0 : i32
    return %arg0, %c0_i32 : i32, i32
  }
  func.func @transform_1(%arg0: i32) -> (i32, i32) {
    %c0_i32 = arith.constant 0 : i32
    %c0_i32_0 = arith.constant 0 : i32
    %c0_i32_1 = arith.constant 0 : i32
    return %c0_i32, %c0_i32_0 : i32, i32
  }
  func.func @transform_2(%arg0: i32) -> (i32, i32) {
    %c0_i32 = arith.constant 0 : i32
    %c0_i32_0 = arith.constant 0 : i32
    return %arg0, %c0_i32 : i32, i32
  }
}

module attributes {stable_mosaic.version = 14 : i64} {
  func.func @_tc_proj_body(%arg0: i32, %arg1: memref<1024x128xf32, #tpu.memory_space<vmem>>, %arg2: memref<128x128xf32, #tpu.memory_space<vmem>>, %arg3: memref<1024x128xf32, #tpu.memory_space<vmem>>) attributes {dimension_semantics = [#tpu.dimension_semantics<arbitrary>], iteration_bounds = array<i64: 10>, scalar_prefetch = 0 : i64, scratch_operands = 0 : i64, tpu.core_type = #tpu.core_type<tc>, window_params = [{transform_indices = @transform_0, window_bounds = array<i64: 1024, 128>}, {pipeline_mode = #tpu.pipeline_mode<synchronous>, transform_indices = @transform_1, window_bounds = array<i64: 128, 128>}, {transform_indices = @transform_2, window_bounds = array<i64: 1024, 128>}]} {
    %get3A = arith.constant 0 : index
    %get3A_0 = arith.constant 0 : index
    %get3A_1 = vector.load %arg1[%get3A, %get3A_0] : memref<1024x128xf32, #tpu.memory_space<vmem>>, vector<1024x128xf32>
    %get3A_2 = arith.constant 0 : index
    %get3A_3 = arith.constant 0 : index
    %get3A_4 = vector.load %arg2[%get3A_2, %get3A_3] : memref<128x128xf32, #tpu.memory_space<vmem>>, vector<128x128xf32>
    %dot_general3A = arith.constant dense<0.000000e+00> : vector<1024x128xf32>
    %dot_general3A_5 = tpu.matmul %get3A_1, %get3A_4, %dot_general3A {dimension_numbers = #tpu.dot_dimension_numbers<[1], [0], [0], [1], [0, 0, 1, 1], [], []>, precision = #tpu.contract_precision<fp32>, transpose_lhs_hint = false} : vector<1024x128xf32>, vector<128x128xf32>, vector<1024x128xf32> -> vector<1024x128xf32>
    %swap3A = arith.constant 0 : index
    %swap3A_6 = arith.constant 0 : index
    %swap3A_7 = vector.load %arg3[%swap3A, %swap3A_6] : memref<1024x128xf32, #tpu.memory_space<vmem>>, vector<1024x128xf32>
    tpu.vector_store %arg3[%swap3A, %swap3A_6], %dot_general3A_5 {strides = array<i32>} : memref<1024x128xf32, #tpu.memory_space<vmem>>, vector<1024x128xf32>,
    return
  }
  func.func @transform_0(%arg0: i32) -> (i32, i32) {
    %c0_i32 = arith.constant 0 : i32
    %c0_i32_0 = arith.constant 0 : i32
    return %arg0, %c0_i32 : i32, i32
  }
  func.func @transform_1(%arg0: i32) -> (i32, i32) {
    %c0_i32 = arith.constant 0 : i32
    %c0_i32_0 = arith.constant 0 : i32
    %c0_i32_1 = arith.constant 0 : i32
    return %c0_i32, %c0_i32_0 : i32, i32
  }
  func.func @transform_2(%arg0: i32) -> (i32, i32) {
    %c0_i32 = arith.constant 0 : i32
    %c0_i32_0 = arith.constant 0 : i32
    return %arg0, %c0_i32 : i32, i32
  }
}

module attributes {stable_mosaic.version = 14 : i64} {
  func.func @_tc_final_body(%arg0: i32, %arg1: memref<1024x128xf32, #tpu.memory_space<vmem>>, %arg2: memref<1024x128xf32, #tpu.memory_space<vmem>>, %arg3: memref<1024x128xf32, #tpu.memory_space<vmem>>, %arg4: memref<1024x1xf32, #tpu.memory_space<vmem>>, %arg5: memref<1024x1xf32, #tpu.memory_space<vmem>>, %arg6: memref<128x128xf32, #tpu.memory_space<vmem>>, %arg7: memref<1x128xf32, #tpu.memory_space<vmem>>, %arg8: memref<1024x128xf32, #tpu.memory_space<vmem>>, %arg9: memref<1024x128xf32, #tpu.memory_space<vmem>>) attributes {dimension_semantics = [#tpu.dimension_semantics<arbitrary>], iteration_bounds = array<i64: 10>, scalar_prefetch = 0 : i64, scratch_operands = 0 : i64, tpu.core_type = #tpu.core_type<tc>, window_params = [{transform_indices = @transform_0, window_bounds = array<i64: 1024, 128>}, {transform_indices = @transform_1, window_bounds = array<i64: 1024, 128>}, {transform_indices = @transform_2, window_bounds = array<i64: 1024, 128>}, {transform_indices = @transform_3, window_bounds = array<i64: 1024, 1>}, {transform_indices = @transform_4, window_bounds = array<i64: 1024, 1>}, {pipeline_mode = #tpu.pipeline_mode<synchronous>, transform_indices = @transform_5, window_bounds = array<i64: 128, 128>}, {pipeline_mode = #tpu.pipeline_mode<synchronous>, transform_indices = @transform_6, window_bounds = array<i64: 1, 128>}, {transform_indices = @transform_7, window_bounds = array<i64: 1024, 128>}, {transform_indices = @transform_8, window_bounds = array<i64: 1024, 128>}]} {
    %get3A = arith.constant 0 : index
    %get3A_0 = arith.constant 0 : index
    %get3A_1 = vector.load %arg4[%get3A, %get3A_0] : memref<1024x1xf32, #tpu.memory_space<vmem>>, vector<1024x1xf32>
    %get3A_2 = arith.constant 0 : index
    %get3A_3 = arith.constant 0 : index
    %get3A_4 = vector.load %arg5[%get3A_2, %get3A_3] : memref<1024x1xf32, #tpu.memory_space<vmem>>, vector<1024x1xf32>
    %add3A = arith.addf %get3A_1, %get3A_4 : vector<1024x1xf32>
    %max3A = arith.constant 1.000000e+00 : f32
    %max3A_5 = vector.broadcast %max3A : f32 to vector<1024x1xf32>
    %max3A_6 = arith.maximumf %add3A, %max3A_5 : vector<1024x1xf32>
    %div3A = arith.constant 1.000000e+00 : f32
    %div3A_7 = vector.broadcast %div3A : f32 to vector<1024x1xf32>
    %div3A_8 = arith.divf %div3A_7, %max3A_6 : vector<1024x1xf32>
    %get3A_9 = arith.constant 0 : index
    %get3A_10 = arith.constant 0 : index
    %get3A_11 = vector.load %arg2[%get3A_9, %get3A_10] : memref<1024x128xf32, #tpu.memory_space<vmem>>, vector<1024x128xf32>
    %get3A_12 = arith.constant 0 : index
    %get3A_13 = arith.constant 0 : index
    %get3A_14 = vector.load %arg3[%get3A_12, %get3A_13] : memref<1024x128xf32, #tpu.memory_space<vmem>>, vector<1024x128xf32>
    %add3A_15 = arith.addf %get3A_11, %get3A_14 : vector<1024x128xf32>
    %mul3A = vector.broadcast %div3A_8 : vector<1024x1xf32> to vector<1024x128xf32>
    %mul3A_16 = arith.mulf %add3A_15, %mul3A : vector<1024x128xf32>
    %get3A_17 = arith.constant 0 : index
    %get3A_18 = arith.constant 0 : index
    %get3A_19 = vector.load %arg6[%get3A_17, %get3A_18] : memref<128x128xf32, #tpu.memory_space<vmem>>, vector<128x128xf32>
    %dot_general3A = arith.constant dense<0.000000e+00> : vector<1024x128xf32>
    %dot_general3A_20 = tpu.matmul %mul3A_16, %get3A_19, %dot_general3A {dimension_numbers = #tpu.dot_dimension_numbers<[1], [0], [0], [1], [0, 0, 1, 1], [], []>, precision = #tpu.contract_precision<fp32>, transpose_lhs_hint = false} : vector<1024x128xf32>, vector<128x128xf32>, vector<1024x128xf32> -> vector<1024x128xf32>
    %get3A_21 = arith.constant 0 : index
    %get3A_22 = arith.constant 0 : index
    %get3A_23 = vector.load %arg1[%get3A_21, %get3A_22] : memref<1024x128xf32, #tpu.memory_space<vmem>>, vector<1024x128xf32>
    %add3A_24 = arith.addf %get3A_23, %dot_general3A_20 : vector<1024x128xf32>
    %get3A_25 = arith.constant 0 : index
    %get3A_26 = arith.constant 0 : index
    %get3A_27 = vector.load %arg7[%get3A_25, %get3A_26] : memref<1x128xf32, #tpu.memory_space<vmem>>, vector<1x128xf32>
    %add3A_28 = vector.broadcast %get3A_27 : vector<1x128xf32> to vector<1024x128xf32>
    %add3A_29 = arith.addf %add3A_24, %add3A_28 : vector<1024x128xf32>
    %max3A_30 = arith.constant 0.000000e+00 : f32
    %max3A_31 = vector.broadcast %max3A_30 : f32 to vector<1024x128xf32>
    %max3A_32 = arith.maximumf %add3A_29, %max3A_31 : vector<1024x128xf32>
    %get3A_33 = arith.constant 0 : index
    %get3A_34 = arith.constant 0 : index
    %get3A_35 = vector.load %arg8[%get3A_33, %get3A_34] : memref<1024x128xf32, #tpu.memory_space<vmem>>, vector<1024x128xf32>
    %add3A_36 = arith.addf %get3A_35, %max3A_32 : vector<1024x128xf32>
    %swap3A = arith.constant 0 : index
    %swap3A_37 = arith.constant 0 : index
    %swap3A_38 = vector.load %arg9[%swap3A, %swap3A_37] : memref<1024x128xf32, #tpu.memory_space<vmem>>, vector<1024x128xf32>
    tpu.vector_store %arg9[%swap3A, %swap3A_37], %add3A_36 {strides = array<i32>} : memref<1024x128xf32, #tpu.memory_space<vmem>>, vector<1024x128xf32>,
    return
  }
  func.func @transform_0(%arg0: i32) -> (i32, i32) {
    %c0_i32 = arith.constant 0 : i32
    %c0_i32_0 = arith.constant 0 : i32
    return %arg0, %c0_i32 : i32, i32
  }
  func.func @transform_1(%arg0: i32) -> (i32, i32) {
    %c0_i32 = arith.constant 0 : i32
    %c0_i32_0 = arith.constant 0 : i32
    return %arg0, %c0_i32 : i32, i32
  }
  func.func @transform_2(%arg0: i32) -> (i32, i32) {
    %c0_i32 = arith.constant 0 : i32
    %c0_i32_0 = arith.constant 0 : i32
    return %arg0, %c0_i32 : i32, i32
  }
  func.func @transform_3(%arg0: i32) -> (i32, i32) {
    %c0_i32 = arith.constant 0 : i32
    %c0_i32_0 = arith.constant 0 : i32
    return %arg0, %c0_i32 : i32, i32
  }
  func.func @transform_4(%arg0: i32) -> (i32, i32) {
    %c0_i32 = arith.constant 0 : i32
    %c0_i32_0 = arith.constant 0 : i32
    return %arg0, %c0_i32 : i32, i32
  }
  func.func @transform_5(%arg0: i32) -> (i32, i32) {
    %c0_i32 = arith.constant 0 : i32
    %c0_i32_0 = arith.constant 0 : i32
    %c0_i32_1 = arith.constant 0 : i32
    return %c0_i32, %c0_i32_0 : i32, i32
  }
  func.func @transform_6(%arg0: i32) -> (i32, i32) {
    %c0_i32 = arith.constant 0 : i32
    %c0_i32_0 = arith.constant 0 : i32
    %c0_i32_1 = arith.constant 0 : i32
    return %c0_i32, %c0_i32_0 : i32, i32
  }
  func.func @transform_7(%arg0: i32) -> (i32, i32) {
    %c0_i32 = arith.constant 0 : i32
    %c0_i32_0 = arith.constant 0 : i32
    return %arg0, %c0_i32 : i32, i32
  }
  func.func @transform_8(%arg0: i32) -> (i32, i32) {
    %c0_i32 = arith.constant 0 : i32
    %c0_i32_0 = arith.constant 0 : i32
    return %arg0, %c0_i32 : i32, i32
  }
}

module attributes {stable_mosaic.version = 14 : i64} {
  func.func @_tc_layer_body(%arg0: i32, %arg1: memref<1024x128xf32, #tpu.memory_space<vmem>>, %arg2: memref<1024x128xf32, #tpu.memory_space<vmem>>, %arg3: memref<1024x128xf32, #tpu.memory_space<vmem>>, %arg4: memref<1024x1xf32, #tpu.memory_space<vmem>>, %arg5: memref<1024x1xf32, #tpu.memory_space<vmem>>, %arg6: memref<128x128xf32, #tpu.memory_space<vmem>>, %arg7: memref<1x128xf32, #tpu.memory_space<vmem>>, %arg8: memref<1024x128xf32, #tpu.memory_space<vmem>>) attributes {dimension_semantics = [#tpu.dimension_semantics<arbitrary>], iteration_bounds = array<i64: 10>, scalar_prefetch = 0 : i64, scratch_operands = 0 : i64, tpu.core_type = #tpu.core_type<tc>, window_params = [{transform_indices = @transform_0, window_bounds = array<i64: 1024, 128>}, {transform_indices = @transform_1, window_bounds = array<i64: 1024, 128>}, {transform_indices = @transform_2, window_bounds = array<i64: 1024, 128>}, {transform_indices = @transform_3, window_bounds = array<i64: 1024, 1>}, {transform_indices = @transform_4, window_bounds = array<i64: 1024, 1>}, {pipeline_mode = #tpu.pipeline_mode<synchronous>, transform_indices = @transform_5, window_bounds = array<i64: 128, 128>}, {pipeline_mode = #tpu.pipeline_mode<synchronous>, transform_indices = @transform_6, window_bounds = array<i64: 1, 128>}, {transform_indices = @transform_7, window_bounds = array<i64: 1024, 128>}]} {
    %get3A = arith.constant 0 : index
    %get3A_0 = arith.constant 0 : index
    %get3A_1 = vector.load %arg4[%get3A, %get3A_0] : memref<1024x1xf32, #tpu.memory_space<vmem>>, vector<1024x1xf32>
    %get3A_2 = arith.constant 0 : index
    %get3A_3 = arith.constant 0 : index
    %get3A_4 = vector.load %arg5[%get3A_2, %get3A_3] : memref<1024x1xf32, #tpu.memory_space<vmem>>, vector<1024x1xf32>
    %add3A = arith.addf %get3A_1, %get3A_4 : vector<1024x1xf32>
    %max3A = arith.constant 1.000000e+00 : f32
    %max3A_5 = vector.broadcast %max3A : f32 to vector<1024x1xf32>
    %max3A_6 = arith.maximumf %add3A, %max3A_5 : vector<1024x1xf32>
    %div3A = arith.constant 1.000000e+00 : f32
    %div3A_7 = vector.broadcast %div3A : f32 to vector<1024x1xf32>
    %div3A_8 = arith.divf %div3A_7, %max3A_6 : vector<1024x1xf32>
    %get3A_9 = arith.constant 0 : index
    %get3A_10 = arith.constant 0 : index
    %get3A_11 = vector.load %arg2[%get3A_9, %get3A_10] : memref<1024x128xf32, #tpu.memory_space<vmem>>, vector<1024x128xf32>
    %get3A_12 = arith.constant 0 : index
    %get3A_13 = arith.constant 0 : index
    %get3A_14 = vector.load %arg3[%get3A_12, %get3A_13] : memref<1024x128xf32, #tpu.memory_space<vmem>>, vector<1024x128xf32>
    %add3A_15 = arith.addf %get3A_11, %get3A_14 : vector<1024x128xf32>
    %mul3A = vector.broadcast %div3A_8 : vector<1024x1xf32> to vector<1024x128xf32>
    %mul3A_16 = arith.mulf %add3A_15, %mul3A : vector<1024x128xf32>
    %get3A_17 = arith.constant 0 : index
    %get3A_18 = arith.constant 0 : index
    %get3A_19 = vector.load %arg6[%get3A_17, %get3A_18] : memref<128x128xf32, #tpu.memory_space<vmem>>, vector<128x128xf32>
    %dot_general3A = arith.constant dense<0.000000e+00> : vector<1024x128xf32>
    %dot_general3A_20 = tpu.matmul %mul3A_16, %get3A_19, %dot_general3A {dimension_numbers = #tpu.dot_dimension_numbers<[1], [0], [0], [1], [0, 0, 1, 1], [], []>, precision = #tpu.contract_precision<fp32>, transpose_lhs_hint = false} : vector<1024x128xf32>, vector<128x128xf32>, vector<1024x128xf32> -> vector<1024x128xf32>
    %get3A_21 = arith.constant 0 : index
    %get3A_22 = arith.constant 0 : index
    %get3A_23 = vector.load %arg1[%get3A_21, %get3A_22] : memref<1024x128xf32, #tpu.memory_space<vmem>>, vector<1024x128xf32>
    %add3A_24 = arith.addf %get3A_23, %dot_general3A_20 : vector<1024x128xf32>
    %get3A_25 = arith.constant 0 : index
    %get3A_26 = arith.constant 0 : index
    %get3A_27 = vector.load %arg7[%get3A_25, %get3A_26] : memref<1x128xf32, #tpu.memory_space<vmem>>, vector<1x128xf32>
    %add3A_28 = vector.broadcast %get3A_27 : vector<1x128xf32> to vector<1024x128xf32>
    %add3A_29 = arith.addf %add3A_24, %add3A_28 : vector<1024x128xf32>
    %max3A_30 = arith.constant 0.000000e+00 : f32
    %max3A_31 = vector.broadcast %max3A_30 : f32 to vector<1024x128xf32>
    %max3A_32 = arith.maximumf %add3A_29, %max3A_31 : vector<1024x128xf32>
    %swap3A = arith.constant 0 : index
    %swap3A_33 = arith.constant 0 : index
    %swap3A_34 = vector.load %arg8[%swap3A, %swap3A_33] : memref<1024x128xf32, #tpu.memory_space<vmem>>, vector<1024x128xf32>
    tpu.vector_store %arg8[%swap3A, %swap3A_33], %max3A_32 {strides = array<i32>} : memref<1024x128xf32, #tpu.memory_space<vmem>>, vector<1024x128xf32>,
    return
  }
  func.func @transform_0(%arg0: i32) -> (i32, i32) {
    %c0_i32 = arith.constant 0 : i32
    %c0_i32_0 = arith.constant 0 : i32
    return %arg0, %c0_i32 : i32, i32
  }
  func.func @transform_1(%arg0: i32) -> (i32, i32) {
    %c0_i32 = arith.constant 0 : i32
    %c0_i32_0 = arith.constant 0 : i32
    return %arg0, %c0_i32 : i32, i32
  }
  func.func @transform_2(%arg0: i32) -> (i32, i32) {
    %c0_i32 = arith.constant 0 : i32
    %c0_i32_0 = arith.constant 0 : i32
    return %arg0, %c0_i32 : i32, i32
  }
  func.func @transform_3(%arg0: i32) -> (i32, i32) {
    %c0_i32 = arith.constant 0 : i32
    %c0_i32_0 = arith.constant 0 : i32
    return %arg0, %c0_i32 : i32, i32
  }
  func.func @transform_4(%arg0: i32) -> (i32, i32) {
    %c0_i32 = arith.constant 0 : i32
    %c0_i32_0 = arith.constant 0 : i32
    return %arg0, %c0_i32 : i32, i32
  }
  func.func @transform_5(%arg0: i32) -> (i32, i32) {
    %c0_i32 = arith.constant 0 : i32
    %c0_i32_0 = arith.constant 0 : i32
    %c0_i32_1 = arith.constant 0 : i32
    return %c0_i32, %c0_i32_0 : i32, i32
  }
  func.func @transform_6(%arg0: i32) -> (i32, i32) {
    %c0_i32 = arith.constant 0 : i32
    %c0_i32_0 = arith.constant 0 : i32
    %c0_i32_1 = arith.constant 0 : i32
    return %c0_i32, %c0_i32_0 : i32, i32
  }
  func.func @transform_7(%arg0: i32) -> (i32, i32) {
    %c0_i32 = arith.constant 0 : i32
    %c0_i32_0 = arith.constant 0 : i32
    return %arg0, %c0_i32 : i32, i32
  }
}

module attributes {stable_mosaic.version = 14 : i64} {
  func.func @_tc_score_body(%arg0: i32, %arg1: memref<1024x128xf32, #tpu.memory_space<vmem>>, %arg2: memref<1024x128xf32, #tpu.memory_space<vmem>>, %arg3: memref<1024x128xf32, #tpu.memory_space<vmem>>, %arg4: memref<1024x128xf32, #tpu.memory_space<vmem>>, %arg5: memref<1024x1xf32, #tpu.memory_space<vmem>>, %arg6: memref<1024x1xf32, #tpu.memory_space<vmem>>) attributes {dimension_semantics = [#tpu.dimension_semantics<arbitrary>], iteration_bounds = array<i64: 16>, scalar_prefetch = 0 : i64, scratch_operands = 0 : i64, tpu.core_type = #tpu.core_type<tc>, window_params = [{transform_indices = @transform_0, window_bounds = array<i64: 1024, 128>}, {transform_indices = @transform_1, window_bounds = array<i64: 1024, 128>}, {transform_indices = @transform_2, window_bounds = array<i64: 1024, 128>}, {transform_indices = @transform_3, window_bounds = array<i64: 1024, 128>}, {transform_indices = @transform_4, window_bounds = array<i64: 1024, 1>}, {transform_indices = @transform_5, window_bounds = array<i64: 1024, 1>}]} {
    %get3A = arith.constant 0 : index
    %get3A_0 = arith.constant 0 : index
    %get3A_1 = vector.load %arg1[%get3A, %get3A_0] : memref<1024x128xf32, #tpu.memory_space<vmem>>, vector<1024x128xf32>
    %get3A_2 = arith.constant 0 : index
    %get3A_3 = arith.constant 0 : index
    %get3A_4 = vector.load %arg2[%get3A_2, %get3A_3] : memref<1024x128xf32, #tpu.memory_space<vmem>>, vector<1024x128xf32>
    %mul3A = arith.mulf %get3A_1, %get3A_4 : vector<1024x128xf32>
    %reduce_sum3A = arith.constant dense<0.000000e+00> : vector<1024xf32>
    %reduce_sum3A_5 = vector.multi_reduction <add>, %mul3A, %reduce_sum3A [1] : vector<1024x128xf32> to vector<1024xf32>
    %broadcast_in_dim3A = vector.shape_cast %reduce_sum3A_5 : vector<1024xf32> to vector<1024x1xf32>
    %get3A_6 = arith.constant 0 : index
    %get3A_7 = arith.constant 0 : index
    %get3A_8 = vector.load %arg3[%get3A_6, %get3A_7] : memref<1024x128xf32, #tpu.memory_space<vmem>>, vector<1024x128xf32>
    %get3A_9 = arith.constant 0 : index
    %get3A_10 = arith.constant 0 : index
    %get3A_11 = vector.load %arg4[%get3A_9, %get3A_10] : memref<1024x128xf32, #tpu.memory_space<vmem>>, vector<1024x128xf32>
    %mul3A_12 = arith.mulf %get3A_8, %get3A_11 : vector<1024x128xf32>
    %reduce_sum3A_13 = arith.constant dense<0.000000e+00> : vector<1024xf32>
    %reduce_sum3A_14 = vector.multi_reduction <add>, %mul3A_12, %reduce_sum3A_13 [1] : vector<1024x128xf32> to vector<1024xf32>
    %broadcast_in_dim3A_15 = vector.shape_cast %reduce_sum3A_14 : vector<1024xf32> to vector<1024x1xf32>
    %sub3A = arith.subf %broadcast_in_dim3A_15, %broadcast_in_dim3A : vector<1024x1xf32>
    %get3A_16 = arith.constant 0 : index
    %get3A_17 = arith.constant 0 : index
    %get3A_18 = vector.load %arg5[%get3A_16, %get3A_17] : memref<1024x1xf32, #tpu.memory_space<vmem>>, vector<1024x1xf32>
    %add3A = arith.addf %sub3A, %get3A_18 : vector<1024x1xf32>
    %add3A_19 = arith.constant 1.000000e+00 : f32
    %add3A_20 = vector.broadcast %add3A_19 : f32 to vector<1024x1xf32>
    %add3A_21 = arith.addf %add3A, %add3A_20 : vector<1024x1xf32>
    %max3A = arith.constant 0.000000e+00 : f32
    %max3A_22 = vector.broadcast %max3A : f32 to vector<1024x1xf32>
    %max3A_23 = arith.maximumf %add3A_21, %max3A_22 : vector<1024x1xf32>
    %swap3A = arith.constant 0 : index
    %swap3A_24 = arith.constant 0 : index
    %swap3A_25 = vector.load %arg6[%swap3A, %swap3A_24] : memref<1024x1xf32, #tpu.memory_space<vmem>>, vector<1024x1xf32>
    tpu.vector_store %arg6[%swap3A, %swap3A_24], %max3A_23 {strides = array<i32>} : memref<1024x1xf32, #tpu.memory_space<vmem>>, vector<1024x1xf32>,
    return
  }
  func.func @transform_0(%arg0: i32) -> (i32, i32) {
    %c0_i32 = arith.constant 0 : i32
    %c0_i32_0 = arith.constant 0 : i32
    return %arg0, %c0_i32 : i32, i32
  }
  func.func @transform_1(%arg0: i32) -> (i32, i32) {
    %c0_i32 = arith.constant 0 : i32
    %c0_i32_0 = arith.constant 0 : i32
    return %arg0, %c0_i32 : i32, i32
  }
  func.func @transform_2(%arg0: i32) -> (i32, i32) {
    %c0_i32 = arith.constant 0 : i32
    %c0_i32_0 = arith.constant 0 : i32
    return %arg0, %c0_i32 : i32, i32
  }
  func.func @transform_3(%arg0: i32) -> (i32, i32) {
    %c0_i32 = arith.constant 0 : i32
    %c0_i32_0 = arith.constant 0 : i32
    return %arg0, %c0_i32 : i32, i32
  }
  func.func @transform_4(%arg0: i32) -> (i32, i32) {
    %c0_i32 = arith.constant 0 : i32
    %c0_i32_0 = arith.constant 0 : i32
    return %arg0, %c0_i32 : i32, i32
  }
  func.func @transform_5(%arg0: i32) -> (i32, i32) {
    %c0_i32 = arith.constant 0 : i32
    %c0_i32_0 = arith.constant 0 : i32
    return %arg0, %c0_i32 : i32, i32
  }
}

</mosaic_0001>

<sc_bundles>
// kernel: kernel.11.cloned.1.call-start
scs
__scs_entry_jumppad:
0x0: {  	(pc) =	sbr.rel $0x88, $3  }
0x1: {  	(tag) =	ssettag $0x0;
	lr =	simm.s32 $0x1  }
0x2: {  	[smem:$0x3F95] =	sst lr;
	_ =	strace $0xD0000000  }
0x3: {  	_ = 	snop  }
0x4: {  	_ = 	snop  }
0x5: {  	_ = 	snop  }
0x6: {  	_ = 	snop  }
0x7: {  	_ = 	snop  }
__scs_overlays_trampoline_lowered:
0x8: {  	[smem:$0x3FA4] =	sst s0  }
0x9: {  	[smem:$0x3FA5] =	sst s1  }
0xa: {  	[smem:$0x3FA6] =	sst s2  }
0xb: {  	[smem:$0x3FA7] =	sst s3  }
0xc: {  	[smem:$0x3FA8] =	sst s4  }
0xd: {  	[smem:$0x3FA9] =	sst s5  }
0xe: {  	[smem:$0x3FAA] =	sst s6  }
0xf: {  	[smem:$0x3FAB] =	sst s7  }
0x10: {  	[smem:$0x3FAC] =	sst s8  }
0x11: {  	[smem:$0x3FAD] =	sst s9;
	s0 =	simm.s32 @!p0 $0x0  }
0x12: {  	s1 =	sld [smem:$0x3F93];
	s0 =	simm.s32 @p0 $0x1  }
0x13: {  	[smem:$0x3FAE] =	sst s0;
	s0 =	simm.s32 @!p1 $0x0  }
0x14: {  	s2 =	sld [smem:$0x3F92];
	s0 =	simm.s32 @p1 $0x1  }
0x15: {  	[smem:$0x3FAF] =	sst s0;
	s0 =	simm.s32 @!p2 $0x0  }
0x16: {  	s3 =	sld [smem:$0x3FDB];
	s0 =	simm.s32 @p2 $0x1  }
0x17: {  	s4 =	simm.s32 $0x1BF5;
	[smem:$0x3FB1] =	sst s0  }
0x18: {  	s0 =	sld [smem:$0x3F94];
	_ =	swait.ge [sflag:s4], $0x0  }
0x19: {  	s7 =	sld [smem:$0x3F95]  }
0x1a: {  	s8 =	sadd.s32 $0xFFFFE003, lr  }
0x1b: {  	s9 =	sadd.s32 $0xFFFFFEF7, lr;
	s5 =	simm.s32 $0xFFFFFFFF;
	p2 =	slt.u32 s8, $0xFFFFF086  }
0x1c: {  	p1 =	slt.u32 s9, $0xF7A;
	s5 =	simm.s32 @!p2 $0x0  }
0x1d: {  	s5 =	simm.s32 @p1 $0x1;
	p0 =	seq.s32 s7, s2  }
0x1e: {  	s7 =	smul.u32 @!p0 $0xF7A, s2;
	p2 =	seq.s32 @!p0 s5, $0x0  }
0x1f: {  	s9 =	smul.u32 $0xF7A, s1;
	s8 =	simm.s32 @!p0 $0x1BF5;
	p2 =	por !p2, p0  }
0x20: {  	[sflag:s8] =	ssyncset.s32 @!p0 $0xFFFFF086;
	s6 =	sadd.s32 @!p0 s3, s7;
	s7 =	simm.s32 @!p0 $0x108  }
0x21: {  	s3 =	sadd.s32 s3, s9;
	s6 =	sadd.s32 @!p0 $0x88, s6;
	s7 =	simm.s32 @p2 $0x1082  }
0x22: {  	[simem:s7], [sflag:s8] =	dma.local @!p0 [hbm:s6], $0xF7A  }
0x23: {  	s9 =	sor.u32 $0xD0000000, s2;
	s6 =	simm.s32 $0x108;
	_ =	swait.ge @!p0 [sflag:s8], $0x0  }
0x24: {  	s3 =	sadd.s32 $0x88, s3;
	s6 =	simm.s32 @!p1 $0x1082;
	[sflag:s4] =	ssyncset.s32 $0xFFFFF086  }
0x25: {  	[simem:s6], [sflag:s4] =	dma.local [hbm:s3], $0xF7A  }
0x26: {  	[smem:$0x3F95] =	sst s1;
	(tag) =	ssettag s2;
	_ =	strace s9  }
0x27: {  	s1 =	sld [smem:$0x3FA5]  }
0x28: {  	s2 =	sld [smem:$0x3FA6]  }
0x29: {  	s4 =	sld [smem:$0x3FA8]  }
0x2a: {  	p0 =	seq.s32 s5, $0x0;
	s5 =	sld [smem:$0x3FA9]  }
0x2b: {  	s6 =	sld [smem:$0x3FAA]  }
0x2c: {  	s7 =	sld [smem:$0x3FAB]  }
0x2d: {  	s3 =	simm.s32 $0x108;
	s8 =	sld [smem:$0x3FAC]  }
0x2e: {  	s3 =	simm.s32 @!p0 $0x1082;
	s9 =	sld [smem:$0x3FAD]  }
0x2f: {  	lr =	sadd.s32 s0, s3;
	s0 =	sld [smem:$0x3FA4]  }
0x30: {  	s3 =	sld [smem:$0x3FA7]  }
0x31: {  	[smem:$0x3FB0] =	sst s10  }
0x32: {  	s10 =	sld [smem:$0x3FAE];
	_ =	sdelay $0x3  }
0x33: {  	p0 =	seq.s32 s10, $0x1;
	s10 =	sld [smem:$0x3FB0];
	_ =	sdelay $0x3  }
0x34: {  	[smem:$0x3FB0] =	sst s10  }
0x35: {  	s10 =	sld [smem:$0x3FAF];
	_ =	sdelay $0x3  }
0x36: {  	p1 =	seq.s32 s10, $0x1;
	s10 =	sld [smem:$0x3FB0];
	_ =	sdelay $0x3  }
0x37: {  	[smem:$0x3FB0] =	sst s10  }
0x38: {  	s10 =	sld [smem:$0x3FB1]  }
0x39: {  	_ = 	snop;
	(pc) =	sbr.ind lr, $3  }
0x3a: {  	_ = 	snop  }
0x3b: {  	_ = 	snop  }
0x3c: {  	p2 =	seq.s32 s10, $0x1;
	s10 =	sld [smem:$0x3FB0]  }
0x3d: {  	_ =	shalt  }
0x3e: {  	_ =	shalt  }
0x3f: {  	_ =	shalt  }
0x40: {  	_ =	shalt  }
0x41: {  	_ =	shalt  }
0x42: {  	_ =	shalt  }
0x43: {  	_ =	shalt  }
0x44: {  	_ =	shalt  }
0x45: {  	_ =	shalt  }
0x46: {  	_ =	shalt  }
0x47: {  	_ =	shalt  }
0x48: {  	_ =	shalt  }
0x49: {  	_ =	shalt  }
0x4a: {  	_ =	shalt  }
0x4b: {  	_ =	shalt  }
0x4c: {  	_ =	shalt  }
0x4d: {  	_ =	shalt  }
0x4e: {  	_ =	shalt  }
0x4f: {  	_ =	shalt  }
0x50: {  	_ =	shalt  }
0x51: {  	_ =	shalt  }
0x52: {  	_ =	shalt  }
0x53: {  	_ =	shalt  }
0x54: {  	_ =	shalt  }
0x55: {  	_ =	shalt  }
0x56: {  	_ =	shalt  }
0x57: {  	_ =	shalt  }
0x58: {  	_ =	shalt  }
0x59: {  	_ =	shalt  }
0x5a: {  	_ =	shalt  }
0x5b: {  	_ =	shalt  }
0x5c: {  	_ =	shalt  }
0x5d: {  	_ =	shalt  }
0x5e: {  	_ =	shalt  }
0x5f: {  	_ =	shalt  }
0x60: {  	_ =	shalt  }
0x61: {  	_ =	shalt  }
0x62: {  	_ =	shalt  }
0x63: {  	_ =	shalt  }
0x64: {  	_ =	shalt  }
0x65: {  	_ =	shalt  }
0x66: {  	_ =	shalt  }
0x67: {  	_ =	shalt  }
0x68: {  	_ =	shalt  }
0x69: {  	_ =	shalt  }
0x6a: {  	_ =	shalt  }
0x6b: {  	_ =	shalt  }
0x6c: {  	_ =	shalt  }
0x6d: {  	_ =	shalt  }
0x6e: {  	_ =	shalt  }
0x6f: {  	_ =	shalt  }
0x70: {  	_ =	shalt  }
0x71: {  	_ =	shalt  }
0x72: {  	_ =	shalt  }
0x73: {  	_ =	shalt  }
0x74: {  	_ =	shalt  }
0x75: {  	_ =	shalt  }
0x76: {  	_ =	shalt  }
0x77: {  	_ =	shalt  }
0x78: {  	_ =	shalt  }
0x79: {  	_ =	shalt  }
0x7a: {  	_ =	shalt  }
0x7b: {  	_ =	shalt  }
0x7c: {  	_ =	shalt  }
0x7d: {  	_ =	shalt  }
0x7e: {  	_ =	shalt  }
0x7f: {  	_ =	shalt  }
0x80: {  	_ =	shalt  }
0x81: {  	_ =	shalt  }
0x82: {  	_ =	shalt  }
0x83: {  	_ =	shalt  }
0x84: {  	_ =	shalt  }
0x85: {  	_ =	shalt  }
0x86: {  	_ =	shalt  }
0x87: {  	_ =	shalt  }
.Lfunc_end0:
.L_simem_size_0:
called_computation_lowered:
.L_overlay_start_0:
0x88: {  	s2 =	sld [smem:$0x3FD9]  }
0x89: {  	s3 =	sld [smem:$0x3FFE];
	_ =	sdelay $0x1  }
0x8a: {  	s1 =	srdreg.scid  }
0x8b: {  	s0 =	sand.u32 $0x1, s1  }
0x8c: {  	s17 =	sshll.u32 s0, $0xA;
	s2 =	sadd.s32 s3, s2  }
0x8d: {  	s2 =	sadd.s32 s2, s17  }
0x8e: {  	[smem:$0x3FBC] =	sst s2  }
0x8f: {  	_ = 	snop  }
0x90: {  	s2 =	sld [smem:$0x3FD0];
	(tm) =	ssettm $0x1  }
0x91: {  	s18 =	sld [smem:$0x3FFB];
	_ =	sdelay $0x3  }
0x92: {  	_ =	strace s18  }
0x93: {  	s3 =	sld [smem:$0x3FFC];
	_ =	sdelay $0x3  }
0x94: {  	_ =	strace s3  }
0x95: {  	s3 =	sld [smem:$0x3FFD];
	_ =	sdelay $0x3  }
0x96: {  	_ =	strace s3  }
0x97: {  	_ =	strace $0x8FFFFFFF  }
0x98: {  	s19 =	sld [smem:$0x3FDB];
	_ =	sdelay $0x1  }
0x99: {  	s4 =	simm.s32 $_scs_section_size  }
0x9a: {  	s5 =	simm.s32 $_size__tile_overlayer_lowered;
	s6 =	simm.s32 $_tile_overlayer_lowered  }
0x9b: {  	s22 =	simm.s32 $0x1BFF;
	s21 =	sshll.u32 s6, $0x1;
	s3 =	sadd.s32 s4, s19  }
0x9c: {  	s7 =	simm.s32 $0x0;
	s20 =	sshll.u32 s5, $0x1;
	s5 =	sadd.s32 s21, s3  }
0x9d: {  	[timem:s7], [sflag:s22] =	dma.local [hbm:s5], s20  }
0x9e: {  	_ =	swait.ge [sflag:s22], s20  }
0x9f: {  	s4 =	ssub.s32 $0x0, s20;
	[sflag:s22] =	ssyncset.done $0x0  }
0xa0: {  	[sflag:s22] =	ssyncadd.s32 s4;
	_ =	sdelay $0x1  }
0xa1: {  	s23 =	simm.s32 $0x1B8B  }
0xa2: {  	_ =	swait.ge [sflag:s23], $0x1  }
0xa3: {  	[sflag:s23] =	ssyncset.done $0x0  }
0xa4: {  	s25 =	simm.s32 $0x1B8E;
	s24 =	sld [smem:$0x3FFE];
	[sflag:s23] =	ssyncadd.s32 $0xFFFFFFFF  }
0xa5: {  	s26 =	simm.s32 $execute0_lowered;
	[smem:$0x3FD2] =	sst s25  }
0xa6: {  	s5 =	sshll.u32 s26, $0x1;
	_ =	strace $0x80000046;
	[dreg:$0x1] =	wrdreg $0xFFFFFFFF  }
0xa7: {  	s28 =	simm.s32 $_size_execute0_lowered;
	s3 =	sadd.s32 s3, s5;
	[dreg:$0x0] =	wrdreg $0x0  }
0xa8: {  	s5 =	sshll.u32 s28, $0x1;
	[dreg:$0x2] =	wrdreg s3  }
0xa9: {  	[dreg:$0x3] =	wrdreg s5  }
0xaa: {  	[dreg:$0x4] =	wrdreg $0xC0  }
0xab: {  	_ =	task [dreg:s7], $0x5FFFF  }
0xac: {  	[dreg:$0x1] =	wrdreg $0xFFFFFFFF  }
0xad: {  	[dreg:$0x0] =	wrdreg $0x60  }
0xae: {  	[dreg:$0x2] =	wrdreg s24  }
0xaf: {  	[dreg:$0x3] =	wrdreg s2  }
0xb0: {  	[dreg:$0x4] =	wrdreg $0x0  }
0xb1: {  	[dreg:$0x5] =	wrdreg $0x140000  }
0xb2: {  	[dreg:$0x6] =	wrdreg $0x9  }
0xb3: {  	_ =	task.clear_ibuf [dreg:s7], $0x7FFFF;
	_ =	strace $0x90000046  }
0xb4: {  	s29 =	simm.s32 $0x9;
	_ =	strace $0x80000048  }
0xb5: {  	_ =	swait.ge [sflag:s29], $0x1  }
0xb6: {  	[sflag:s29] =	ssyncadd.s32 $0xFFFFFFFF  }
0xb7: {  	_ =	strace $0x90000048  }
0xb8: {  	_ =	sfence  }
0xb9: {  	s30 =	sld [smem:$0x0];
	_ =	sdelay $0x2  }
0xba: {  	s31 =	sshll.u32 s1, $0xD;
	s1 =	sshrl.u32 s1, $0x2  }
0xbb: {  	s3 =	sand.u32 $0x4000, s31;
	s1 =	sadd.s32 s1, s30  }
0xbc: {  	s0 =	sor.u32 s3, s0;
	s1 =	sshll.u32 s1, $0x11  }
0xbd: {  	s0 =	sor.u32 s1, s0  }
0xbe: {  	s0 =	sadd.s32 $0x8F2B, s0  }
0xbf: {  	[sflag:s0] =	ssyncadd.remote.s32 $0x1  }
0xc0: {  	_ =	sfence.sel $0xFFFF  }
0xc1: {  	[dreg:$0x0] =	wrdreg $0xFFFFFFFF;
	(pc) =	sbr.abs _section_cstart, $3  }
0xc2: {  	[dreg:$0x1] =	wrdreg $0xFFFFFFFF  }
0xc3: {  	_ =	task.clear_ibuf [dreg:s7], $0x2FFFF;
	_ =	strace $0x9FFFFFFF  }
0xc4: {  	(tm) =	ssettm $0x7FFFFFFF  }
0xc5: {  	_ =	shalt  }
tec
execute0_lowered:
.L_overlay_start_1:
0x0: {  	(tag) =	ssettag $0x1  }
0x1: {  	s0 =	rddreg [dreg:$0x0]  }
0x2: {  	s3 =	rddreg [dreg:$0x1]  }
0x3: {  	s1 =	rddreg [dreg:$0x2]  }
0x4: {  	s2 =	rddreg [dreg:$0x3]  }
0x5: {  	s4 =	srdreg.scid;
	s14 =	stileid.u32  }
0x6: {  	s28 =	simm.s32 $0x14500;
	s29 =	simm.s32 $0x1;
	s9 =	smul.u32 $0x14000, s14  }
0x7: {  	s30 =	simm.s32 $0x3;
	s8 =	sand.u32 $0x1, s4;
	s12 =	smul.u32 $0x280, s14  }
0x8: {  	s4 =	simm.s32 $0x0;
	s5 =	sadd.s32 $0x16E00, s0;
	s16 =	smul.u32 $0x50000, s14  }
0x9: {  	s10 =	sshll.u32 s14, $0x1;
	s6 =	sadd.s32 $0xD000, s0;
	s14 =	smul.u32 $0x4E20, s14  }
0xa: {  	s7 =	smul.u32 $0x140000, s8;
	[smem:$0x7FF] =	sst s4;
	s10 =	sor.u32 s8, s10  }
0xb: {  	s11 =	ssub.s32 $0x2, s8;
	s19 =	smul.u32 $0x2710, s8;
	p0 =	seq.s32 s8, $0x1  }
0xc: {  	s8 =	simm.s32 $0x0;
	_ =	strace $0x80000047;
	s10 =	smul.u32 $0x2710, s10  }
0xd: {  	s18 =	sadd.s32 s12, s2;
	s22 =	sshrl.u32 s16, $0x2;
	s25 =	sshrl.u32 s12, $0x3  }
0xe: {  	s9 =	sadd.s32 s9, s7;
	s16 =	sadd.s32 s22, s1;
	[dreg:$0x1a] =	wrdreg s18  }
0xf: {  	s7 =	sadd.s32 $0x3200, s0;
	s12 =	sadd.s32 $0x2800, s16;
	[dreg:$0x1b] =	wrdreg s16  }
0x10: {  	s10 =	sshrl.u32 s10, $0x3;
	s22 =	sadd.s32 $0xA000, s16;
	[dreg:$0x11] =	wrdreg s12  }
0x11: {  	s13 =	sshrl.u32 s11, $0x1;
	s26 =	sadd.s32 s7, s10;
	[dreg:$0x16] =	wrdreg s22  }
0x12: {  	s11 =	ssub.s32 s11, s13;
	s17 =	sadd.s32 s6, s10;
	[dreg:$0x7] =	wrdreg s26  }
0x13: {  	s24 =	sadd.s32 s19, s14;
	s31 =	sadd.s32 $0xFA, s26;
	[dreg:$0xc] =	wrdreg s17  }
0x14: {  	s9 =	sshrl.u32 s9, $0x3;
	s15 =	sadd.s32 $0x1F4, s26;
	[dreg:$0x8] =	wrdreg s31  }
0x15: {  	s10 =	sadd.s32 $0xA, s10;
	s2 =	sadd.s32 $0x3E8, s26;
	[dreg:$0x9] =	wrdreg s15  }
0x16: {  	s9 =	sadd.s32 s9, s0;
	s20 =	sadd.s32 s6, s10;
	[dreg:$0xb] =	wrdreg s2  }
0x17: {  	s0 =	sadd.s32 $0x8EE00, s0;
	s21 =	sadd.s32 s7, s10;
	[dreg:$0xd] =	wrdreg s20  }
0x18: {  	s22 =	simm.s32 $0x14480;
	s23 =	sadd.s32 $0x3EE00, s9;
	[dreg:$0xe] =	wrdreg s21  }
0x19: {  	s12 =	simm.s32 $0x1BD80;
	s17 =	sadd.s32 $0x5000, s16;
	[dreg:$0xf] =	wrdreg s23  }
0x1a: {  	s3 =	smov.u32 @p0 s0;
	s15 =	sadd.s32 $0x2EE, s26;
	[dreg:$0x13] =	wrdreg s17  }
0x1b: {  	s10 =	simm.s32 $0x16580;
	s31 =	smax.u32 s11, $0x1;
	[dreg:$0xa] =	wrdreg s15  }
0x1c: {  	s26 =	sadd.s32 $0x140, s24;
	s13 =	sadd.s32 s3, s25;
	[dreg:$0x10] =	wrdreg s31  }
0x1d: {  	s20 =	sadd.s32 $0xF0, s24;
	s21 =	sadd.s32 $0x7800, s16;
	[dreg:$0x12] =	wrdreg s13  }
0x1e: {  	s23 =	sadd.s32 $0xC800, s16;
	s3 =	simm.s32 $0x4;
	[dreg:$0x14] =	wrdreg s20  }
0x1f: {  	s17 =	simm.s32 $0x14280;
	s11 =	sshrl.u32 s26, $0x3;
	[dreg:$0x15] =	wrdreg s21  }
0x20: {  	s15 =	sadd.s32 $0xA0, s24;
	[dreg:$0x17] =	wrdreg s23;
	s26 =	sadd.s32 $0xF000, s16  }
0x21: {  	s31 =	sadd.s32 $0x11800, s16;
	s20 =	simm.s32 $0x50;
	s21 =	simm.s32 $0x14300  }
0x22: {  	s13 =	simm.s32 $0x2;
	s14 =	sadd.s32 s11, s7;
	[dreg:$0x18] =	wrdreg s26  }
0x23: {  	s0 =	sadd.s32 s11, s6;
	s19 =	sshrl.u32 s15, $0x3;
	[dreg:$0x19] =	wrdreg s31  }
0x24: {  	s26 =	simm.s32 $0x19580;
	s11 =	simm.s32 $0x14380;
	[dreg:$0x5] =	wrdreg s14  }
0x25: {  	[dreg:$0x6] =	wrdreg s0;
	s24 =	sadd.s32 s19, s7;
	s25 =	sadd.s32 s19, s6  }
0x26: {  	v0 =	vimm.f32 $0.0e+00;
	v1 =	vimm.f32 $1.000000000e+00;
	s0 =	simm.s32 $0x16D80;
	s19 =	simm.s32 $0x14400;
	s14 =	simm.s32 $0x1E580  }
.LBB2_1:
0x27: {  	[dreg:$0x1c] =	wrdreg s8;
	s8 =	simm.s32 $0x0;
	s9 =	simm.s32 $0x200  }
.LBB2_2:
0x28: {  	p0 =	sne.s32 s9, $0x9E00;
	[tilespmem:s8+$0x16DF0] =	vst v0  }
0x29: {  	[tilespmem:s8+$0x16D80] =	vst v0  }
0x2a: {  	[tilespmem:s8+$0x16D90] =	vst v0  }
.Ltmp0:
0x2b: {  	[tilespmem:s8+$0x16DA0] =	vst v0;
	(pc) =	sbr.rel @p0 .LBB2_2-.Ltmp0, $4  }
0x2c: {  	[tilespmem:s8+$0x16DB0] =	vst v0  }
0x2d: {  	[tilespmem:s8+$0x16DC0] =	vst v0  }
0x2e: {  	[tilespmem:s8+$0x16DD0] =	vst v0  }
0x2f: {  	[tilespmem:s8+$0x16DE0] =	vst v0;
	s8 =	sshra.s32 s9, $0x2;
	s9 =	sadd.s32 $0x200, s9  }
0x30: {  	[tilespmem:s8+$0x16DF0] =	vst v0  }
0x31: {  	[tilespmem:s8+$0x16D80] =	vst v0  }
0x32: {  	[tilespmem:s8+$0x16D90] =	vst v0  }
0x33: {  	[tilespmem:s8+$0x16DA0] =	vst v0  }
0x34: {  	[tilespmem:s8+$0x16DB0] =	vst v0  }
0x35: {  	[tilespmem:s8+$0x16DC0] =	vst v0  }
0x36: {  	[tilespmem:s8+$0x16DD0] =	vst v0  }
0x37: {  	[tilespmem:s8+$0x16DE0] =	vst v0  }
0x38: {  	[spmem:s16] =	stream.linear.scatter [tilespmem:s0], [sflag:$0x4], $0x2800, $0x38;
	[tilespmem:$0x1ED80] =	vst v63  }
0x39: {  	_ =	swait.ge [sflag:s3], $0x2800  }
0x3a: {  	[sflag:s3] =	ssyncset.done $0x0  }
0x3b: {  	s2 =	rddreg [dreg:$0x11];
	[sflag:s3] =	ssyncadd.s32 $0xFFFFD800  }
0x3c: {  	[spmem:s2] =	stream.linear.scatter [tilespmem:s0], [sflag:$0x4], $0x2800, $0x38;
	[tilespmem:$0x1ED80] =	vst v63  }
0x3d: {  	_ =	swait.ge [sflag:s3], $0x2800  }
0x3e: {  	[sflag:s3] =	ssyncset.done $0x0  }
0x3f: {  	s8 =	rddreg [dreg:$0x13];
	[sflag:s3] =	ssyncadd.s32 $0xFFFFD800  }
0x40: {  	[spmem:s8] =	stream.linear.scatter [tilespmem:s0], [sflag:$0x4], $0x2800, $0x38;
	[tilespmem:$0x1ED80] =	vst v63  }
0x41: {  	_ =	swait.ge [sflag:s3], $0x2800  }
0x42: {  	[sflag:s3] =	ssyncset.done $0x0  }
0x43: {  	s9 =	rddreg [dreg:$0x15];
	[sflag:s3] =	ssyncadd.s32 $0xFFFFD800  }
0x44: {  	[spmem:s9] =	stream.linear.scatter [tilespmem:s0], [sflag:$0x4], $0x2800, $0x38;
	[tilespmem:$0x1ED80] =	vst v63  }
0x45: {  	_ =	swait.ge [sflag:s3], $0x2800  }
0x46: {  	[sflag:s3] =	ssyncset.done $0x0  }
0x47: {  	s15 =	rddreg [dreg:$0x16];
	[sflag:s3] =	ssyncadd.s32 $0xFFFFD800  }
0x48: {  	[spmem:s15] =	stream.linear.scatter [tilespmem:s0], [sflag:$0x4], $0x2800, $0x38;
	[tilespmem:$0x1ED80] =	vst v63  }
0x49: {  	_ =	swait.ge [sflag:s3], $0x2800  }
0x4a: {  	[sflag:s3] =	ssyncset.done $0x0  }
0x4b: {  	s16 =	rddreg [dreg:$0x17];
	[sflag:s3] =	ssyncadd.s32 $0xFFFFD800  }
0x4c: {  	[spmem:s16] =	stream.linear.scatter [tilespmem:s0], [sflag:$0x4], $0x2800, $0x38;
	[tilespmem:$0x1ED80] =	vst v63  }
0x4d: {  	_ =	swait.ge [sflag:s3], $0x2800  }
0x4e: {  	[sflag:s3] =	ssyncset.done $0x0  }
0x4f: {  	s23 =	rddreg [dreg:$0x18];
	[sflag:s3] =	ssyncadd.s32 $0xFFFFD800  }
0x50: {  	[spmem:s23] =	stream.linear.scatter [tilespmem:s0], [sflag:$0x4], $0x2800, $0x38;
	[tilespmem:$0x1ED80] =	vst v63  }
0x51: {  	_ =	swait.ge [sflag:s3], $0x2800  }
0x52: {  	[sflag:s3] =	ssyncset.done $0x0  }
0x53: {  	s31 =	rddreg [dreg:$0x19];
	[sflag:s3] =	ssyncadd.s32 $0xFFFFD800  }
0x54: {  	[spmem:s31] =	stream.linear.scatter [tilespmem:s0], [sflag:$0x4], $0x2800, $0x38;
	[tilespmem:$0x1ED80] =	vst v63  }
0x55: {  	_ =	swait.ge [sflag:s3], $0x2800  }
0x56: {  	[sflag:s3] =	ssyncset.done $0x0  }
0x57: {  	s8 =	simm.s32 $0x40;
	s9 =	simm.s32 $0x0;
	[sflag:s3] =	ssyncadd.s32 $0xFFFFD800  }
.LBB2_4:
0x58: {  	p0 =	sne.s32 s8, $0x1F00;
	[tilespmem:s9+$0x1E580] =	vst v0;
	s9 =	smov.u32 s8;
	s8 =	sadd.s32 $0x40, s8  }
.Ltmp1:
0x59: {  	(pc) =	sbr.rel @p0 .LBB2_4-.Ltmp1, $2  }
0x5a: {  	_ =	sdelay $0x2  }
0x5b: {  	s9 =	sshra.s32 s9, $0x2  }
0x5c: {  	[tilespmem:s9+$0x1E580] =	vst v0;
	s2 =	simm.s32 $0x1E580  }
0x5d: {  	[spmem:s18] =	stream.linear.scatter [tilespmem:s2], [sflag:$0x4], $0x280, $0x38;
	[tilespmem:$0x1ED80] =	vst v63  }
0x5e: {  	_ =	swait.ge [sflag:s3], $0x280  }
0x5f: {  	[sflag:s3] =	ssyncset.done $0x0  }
0x60: {  	s8 =	simm.s32 $0x40;
	s9 =	simm.s32 $0x0;
	[sflag:s3] =	ssyncadd.s32 $0xFFFFFD80  }
.LBB2_6:
0x61: {  	p0 =	sne.s32 s8, $0x1F00;
	[tilespmem:s9+$0x1E580] =	vst v1;
	s9 =	smov.u32 s8;
	s8 =	sadd.s32 $0x40, s8  }
.Ltmp2:
0x62: {  	(pc) =	sbr.rel @p0 .LBB2_6-.Ltmp2, $2  }
0x63: {  	_ =	sdelay $0x2  }
0x64: {  	s9 =	sshra.s32 s9, $0x2  }
0x65: {  	[tilespmem:s9+$0x1E580] =	vst v1  }
0x66: {  	[bflag:$0x0] =	sbarrier.arrive $0xFFFF  }
0x67: {  	s8 =	simm.s32 $0x0;
	s18 =	simm.s32 $0x14580;
	s15 =	rddreg [dreg:$0x7]  }
0x68: {  	[tilespmem:s18], [sflag:$0x4] =	stream.linear.gather [hbm4b:s15+s8], $0x7D0, $0x38;
	[tilespmem:$0x1ED80] =	vst v63  }
0x69: {  	_ =	swait.ge [sflag:s3], $0x7D0  }
0x6a: {  	[sflag:s3] =	ssyncset.done $0x0  }
0x6b: {  	s23 =	simm.s32 $0x14D80;
	s2 =	rddreg [dreg:$0x8];
	[sflag:s3] =	ssyncadd.s32 $0xFFFFF830  }
0x6c: {  	[tilespmem:s23], [sflag:$0x4] =	stream.linear.gather [hbm4b:s2+s8], $0x7D0, $0x38;
	[tilespmem:$0x1ED80] =	vst v63  }
0x6d: {  	_ =	swait.ge [sflag:s3], $0x7D0  }
0x6e: {  	[sflag:s3] =	ssyncset.done $0x0  }
0x6f: {  	s31 =	simm.s32 $0x15580;
	s16 =	rddreg [dreg:$0x9];
	[sflag:s3] =	ssyncadd.s32 $0xFFFFF830  }
0x70: {  	[tilespmem:s31], [sflag:$0x4] =	stream.linear.gather [hbm4b:s16+s8], $0x7D0, $0x38;
	[tilespmem:$0x1ED80] =	vst v63  }
0x71: {  	_ =	swait.ge [sflag:s3], $0x7D0  }
0x72: {  	[sflag:s3] =	ssyncset.done $0x0  }
0x73: {  	s16 =	simm.s32 $0x15D80;
	s2 =	rddreg [dreg:$0xa];
	[sflag:s3] =	ssyncadd.s32 $0xFFFFF830  }
0x74: {  	[tilespmem:s16], [sflag:$0x4] =	stream.linear.gather [hbm4b:s2+s8], $0x7D0, $0x38;
	[tilespmem:$0x1ED80] =	vst v63  }
0x75: {  	_ =	swait.ge [sflag:s3], $0x7D0  }
0x76: {  	[sflag:s3] =	ssyncset.done $0x0  }
0x77: {  	s2 =	rddreg [dreg:$0xb];
	[sflag:s3] =	ssyncadd.s32 $0xFFFFF830  }
0x78: {  	[tilespmem:s10], [sflag:$0x4] =	stream.linear.gather [hbm4b:s2+s8], $0x7D0, $0x38;
	[tilespmem:$0x1ED80] =	vst v63  }
0x79: {  	_ =	swait.ge [sflag:s3], $0x7D0  }
0x7a: {  	[sflag:s3] =	ssyncset.done $0x0  }
0x7b: {  	[sflag:s3] =	ssyncadd.s32 $0xFFFFF830  }
0x7c: {  	s2 =	simm.s32 $0x7D0;
	s9 =	rddreg [dreg:$0x3]  }
0x7d: {  	[spmem:s9] =	stream.indirect.scatter.add.f32 [tilespmem:s14], [sflag:$0x4], $0x1, s18, s2, $0xb8;
	[tilespmem:$0x1ED80] =	vst v63  }
0x7e: {  	_ =	swait.ge [sflag:s3], $0x7D0  }
0x7f: {  	[sflag:s3] =	ssyncset.done $0x0  }
0x80: {  	[sflag:s3] =	ssyncadd.s32 $0xFFFFF830  }
0x81: {  	[spmem:s9] =	stream.indirect.scatter.add.f32 [tilespmem:s14], [sflag:$0x4], $0x1, s23, s2, $0xb8;
	[tilespmem:$0x1ED80] =	vst v63  }
0x82: {  	_ =	swait.ge [sflag:s3], $0x7D0  }
0x83: {  	[sflag:s3] =	ssyncset.done $0x0  }
0x84: {  	[sflag:s3] =	ssyncadd.s32 $0xFFFFF830  }
0x85: {  	[spmem:s9] =	stream.indirect.scatter.add.f32 [tilespmem:s14], [sflag:$0x4], $0x1, s31, s2, $0xb8;
	[tilespmem:$0x1ED80] =	vst v63  }
0x86: {  	_ =	swait.ge [sflag:s3], $0x7D0  }
0x87: {  	[sflag:s3] =	ssyncset.done $0x0  }
0x88: {  	[sflag:s3] =	ssyncadd.s32 $0xFFFFF830  }
0x89: {  	[spmem:s9] =	stream.indirect.scatter.add.f32 [tilespmem:s14], [sflag:$0x4], $0x1, s16, s2, $0xb8;
	[tilespmem:$0x1ED80] =	vst v63  }
0x8a: {  	_ =	swait.ge [sflag:s3], $0x7D0  }
0x8b: {  	[sflag:s3] =	ssyncset.done $0x0  }
0x8c: {  	[sflag:s3] =	ssyncadd.s32 $0xFFFFF830  }
0x8d: {  	[spmem:s9] =	stream.indirect.scatter.add.f32 [tilespmem:s14], [sflag:$0x4], $0x1, s10, s2, $0xb8;
	[tilespmem:$0x1ED80] =	vst v63  }
0x8e: {  	_ =	swait.ge [sflag:s3], $0x7D0  }
0x8f: {  	[sflag:s3] =	ssyncset.done $0x0  }
0x90: {  	s2 =	rddreg [dreg:$0xc];
	[sflag:s3] =	ssyncadd.s32 $0xFFFFF830  }
0x91: {  	[tilespmem:s17], [sflag:$0x4] =	stream.linear.gather [hbm4b:s2+s8], $0x50, $0x38;
	[tilespmem:$0x1ED80] =	vst v63  }
0x92: {  	_ =	swait.ge [sflag:s3], $0x50  }
0x93: {  	[sflag:s3] =	ssyncset.done $0x0  }
0x94: {  	[sflag:s3] =	ssyncadd.s32 $0xFFFFFFB0  }
0x95: {  	[tilespmem:s19], [sflag:$0x4] =	stream.linear.gather [hbm4b:s15+s8], $0x50, $0x38;
	[tilespmem:$0x1ED80] =	vst v63  }
0x96: {  	_ =	swait.ge [sflag:s3], $0x50  }
0x97: {  	[sflag:s3] =	ssyncset.done $0x0  }
0x98: {  	[sflag:s3] =	ssyncadd.s32 $0xFFFFFFB0  }
0x99: {  	[tilespmem:s0], [sflag:$0x1] =	stream.indirect.gather [hbm4b:s5+s20], $0x80, s17, s20, $0xb8;
	[tilespmem:$0x1ED80] =	vst v63  }
0x9a: {  	s15 =	rddreg [dreg:$0xd]  }
0x9b: {  	[tilespmem:s21], [sflag:$0x4] =	stream.linear.gather [hbm4b:s15+s8], $0x50, $0x38;
	[tilespmem:$0x1ED80] =	vst v63  }
0x9c: {  	_ =	swait.ge [sflag:s3], $0x50  }
0x9d: {  	[sflag:s3] =	ssyncset.done $0x0  }
0x9e: {  	s16 =	rddreg [dreg:$0xe];
	[sflag:s3] =	ssyncadd.s32 $0xFFFFFFB0  }
0x9f: {  	[tilespmem:s22], [sflag:$0x4] =	stream.linear.gather [hbm4b:s16+s8], $0x50, $0x38;
	[tilespmem:$0x1ED80] =	vst v63  }
0xa0: {  	_ =	swait.ge [sflag:s3], $0x50  }
0xa1: {  	[sflag:s3] =	ssyncset.done $0x0  }
0xa2: {  	[sflag:s3] =	ssyncadd.s32 $0xFFFFFFB0  }
0xa3: {  	[tilespmem:s26], [sflag:$0x2] =	stream.indirect.gather [hbm4b:s5+s20], $0x80, s21, s20, $0xb8;
	[tilespmem:$0x1ED80] =	vst v63  }
0xa4: {  	s18 =	sadd.s32 $0x0, s25  }
0xa5: {  	[tilespmem:s11], [sflag:$0x4] =	stream.linear.gather [hbm4b:s18+s4], $0x50, $0x38;
	[tilespmem:$0x1ED80] =	vst v63  }
0xa6: {  	_ =	swait.ge [sflag:s3], $0x50  }
0xa7: {  	[sflag:s3] =	ssyncset.done $0x0  }
0xa8: {  	s23 =	sadd.s32 $0x0, s24;
	[sflag:s3] =	ssyncadd.s32 $0xFFFFFFB0  }
0xa9: {  	[tilespmem:s28], [sflag:$0x4] =	stream.linear.gather [hbm4b:s23+s4], $0x50, $0x38;
	[tilespmem:$0x1ED80] =	vst v63  }
0xaa: {  	_ =	swait.ge [sflag:s3], $0x50  }
0xab: {  	[sflag:s3] =	ssyncset.done $0x0  }
0xac: {  	[sflag:s3] =	ssyncadd.s32 $0xFFFFFFB0  }
0xad: {  	[tilespmem:s12], [sflag:$0x3] =	stream.indirect.gather [hbm4b:s5+s20], $0x80, s11, s20, $0xb8;
	[tilespmem:$0x1ED80] =	vst v63  }
0xae: {  	_ =	swait.ge [sflag:s29], $0x2800  }
0xaf: {  	[sflag:s29] =	ssyncset.done $0x0  }
0xb0: {  	[sflag:s29] =	ssyncadd.s32 $0xFFFFD800  }
0xb1: {  	[spmem:s1] =	stream.indirect.scatter.add.f32 [tilespmem:s0], [sflag:$0x4], $0x80, s19, s20, $0xb8;
	[tilespmem:$0x1ED80] =	vst v63  }
0xb2: {  	_ =	swait.ge [sflag:s3], $0x2800  }
0xb3: {  	s15 =	rddreg [dreg:$0x14]  }
0xb4: {  	[sflag:s3] =	ssyncset.done $0x0;
	s2 =	sshrl.u32 s15, $0x3  }
0xb5: {  	[sflag:s3] =	ssyncadd.s32 $0xFFFFD800;
	s16 =	sadd.s32 s6, s2  }
0xb6: {  	[tilespmem:s17], [sflag:$0x4] =	stream.linear.gather [hbm4b:s16+s4], $0x50, $0x38;
	[tilespmem:$0x1ED80] =	vst v63  }
0xb7: {  	_ =	swait.ge [sflag:s3], $0x50  }
0xb8: {  	[sflag:s3] =	ssyncset.done $0x0  }
0xb9: {  	s8 =	sadd.s32 s7, s2;
	[sflag:s3] =	ssyncadd.s32 $0xFFFFFFB0  }
0xba: {  	[tilespmem:s19], [sflag:$0x4] =	stream.linear.gather [hbm4b:s8+s4], $0x50, $0x38;
	[tilespmem:$0x1ED80] =	vst v63  }
0xbb: {  	_ =	swait.ge [sflag:s3], $0x50  }
0xbc: {  	[sflag:s3] =	ssyncset.done $0x0  }
0xbd: {  	[sflag:s3] =	ssyncadd.s32 $0xFFFFFFB0  }
0xbe: {  	[tilespmem:s0], [sflag:$0x1] =	stream.indirect.gather [hbm4b:s5+s20], $0x80, s17, s20, $0xb8;
	[tilespmem:$0x1ED80] =	vst v63  }
0xbf: {  	_ =	swait.ge [sflag:s13], $0x2800  }
0xc0: {  	[sflag:s13] =	ssyncset.done $0x0  }
0xc1: {  	[sflag:s13] =	ssyncadd.s32 $0xFFFFD800  }
0xc2: {  	[spmem:s1] =	stream.indirect.scatter.add.f32 [tilespmem:s26], [sflag:$0x4], $0x80, s22, s20, $0xb8;
	[tilespmem:$0x1ED80] =	vst v63  }
0xc3: {  	_ =	swait.ge [sflag:s3], $0x2800  }
0xc4: {  	s18 =	rddreg [dreg:$0x6];
	[sflag:s3] =	ssyncset.done $0x0  }
0xc5: {  	[sflag:s3] =	ssyncadd.s32 $0xFFFFD800;
	s8 =	sadd.s32 $0x0, s18  }
0xc6: {  	[tilespmem:s21], [sflag:$0x4] =	stream.linear.gather [hbm4b:s8+s4], $0x50, $0x38;
	[tilespmem:$0x1ED80] =	vst v63  }
0xc7: {  	_ =	swait.ge [sflag:s3], $0x50  }
0xc8: {  	s23 =	rddreg [dreg:$0x5];
	[sflag:s3] =	ssyncset.done $0x0  }
0xc9: {  	[sflag:s3] =	ssyncadd.s32 $0xFFFFFFB0;
	s8 =	sadd.s32 $0x0, s23  }
0xca: {  	[tilespmem:s22], [sflag:$0x4] =	stream.linear.gather [hbm4b:s8+s4], $0x50, $0x38;
	[tilespmem:$0x1ED80] =	vst v63  }
0xcb: {  	_ =	swait.ge [sflag:s3], $0x50  }
0xcc: {  	[sflag:s3] =	ssyncset.done $0x0  }
0xcd: {  	[sflag:s3] =	ssyncadd.s32 $0xFFFFFFB0  }
0xce: {  	[tilespmem:s26], [sflag:$0x2] =	stream.indirect.gather [hbm4b:s5+s20], $0x80, s21, s20, $0xb8;
	[tilespmem:$0x1ED80] =	vst v63  }
0xcf: {  	_ =	swait.ge [sflag:s30], $0x2800  }
0xd0: {  	[sflag:s30] =	ssyncset.done $0x0  }
0xd1: {  	[sflag:s30] =	ssyncadd.s32 $0xFFFFD800  }
0xd2: {  	[spmem:s1] =	stream.indirect.scatter.add.f32 [tilespmem:s12], [sflag:$0x4], $0x80, s28, s20, $0xb8;
	[tilespmem:$0x1ED80] =	vst v63  }
0xd3: {  	s31 =	simm.s32 $0x1E;
	_ =	swait.ge [sflag:s3], $0x2800  }
0xd4: {  	s15 =	sadd.s32 $0xF0, s15;
	s8 =	simm.s32 $0x3C;
	[sflag:s3] =	ssyncset.done $0x0  }
.LBB2_8:
0xd5: {  	s18 =	sadd.s32 s31, s25;
	[sflag:s3] =	ssyncadd.s32 $0xFFFFD800  }
0xd6: {  	[tilespmem:s11], [sflag:$0x4] =	stream.linear.gather [hbm4b:s18+s4], $0x50, $0x38;
	[tilespmem:$0x1ED80] =	vst v63  }
0xd7: {  	_ =	swait.ge [sflag:s3], $0x50  }
0xd8: {  	[sflag:s3] =	ssyncset.done $0x0  }
0xd9: {  	s2 =	sadd.s32 s31, s24;
	[sflag:s3] =	ssyncadd.s32 $0xFFFFFFB0  }
0xda: {  	[tilespmem:s28], [sflag:$0x4] =	stream.linear.gather [hbm4b:s2+s4], $0x50, $0x38;
	[tilespmem:$0x1ED80] =	vst v63  }
0xdb: {  	_ =	swait.ge [sflag:s3], $0x50  }
0xdc: {  	[sflag:s3] =	ssyncset.done $0x0  }
0xdd: {  	[sflag:s3] =	ssyncadd.s32 $0xFFFFFFB0  }
0xde: {  	[tilespmem:s12], [sflag:$0x3] =	stream.indirect.gather [hbm4b:s5+s20], $0x80, s11, s20, $0xb8;
	[tilespmem:$0x1ED80] =	vst v63  }
0xdf: {  	_ =	swait.ge [sflag:s29], $0x2800  }
0xe0: {  	[sflag:s29] =	ssyncset.done $0x0  }
0xe1: {  	[sflag:s29] =	ssyncadd.s32 $0xFFFFD800  }
0xe2: {  	[spmem:s1] =	stream.indirect.scatter.add.f32 [tilespmem:s0], [sflag:$0x4], $0x80, s19, s20, $0xb8;
	[tilespmem:$0x1ED80] =	vst v63  }
0xe3: {  	_ =	swait.ge [sflag:s3], $0x2800  }
0xe4: {  	s16 =	sshrl.u32 s15, $0x3;
	[sflag:s3] =	ssyncset.done $0x0  }
0xe5: {  	s2 =	sadd.s32 s6, s16;
	[sflag:s3] =	ssyncadd.s32 $0xFFFFD800  }
0xe6: {  	[tilespmem:s17], [sflag:$0x4] =	stream.linear.gather [hbm4b:s2+s4], $0x50, $0x38;
	[tilespmem:$0x1ED80] =	vst v63  }
0xe7: {  	_ =	swait.ge [sflag:s3], $0x50  }
0xe8: {  	s9 =	smov.u32 s8;
	s23 =	sadd.s32 $0x1E, s8;
	[sflag:s3] =	ssyncset.done $0x0  }
0xe9: {  	p0 =	sne.s32 s8, $0x4B0;
	s8 =	sadd.s32 s7, s16;
	[sflag:s3] =	ssyncadd.s32 $0xFFFFFFB0  }
0xea: {  	[tilespmem:s19], [sflag:$0x4] =	stream.linear.gather [hbm4b:s8+s4], $0x50, $0x38;
	[tilespmem:$0x1ED80] =	vst v63  }
0xeb: {  	_ =	swait.ge [sflag:s3], $0x50  }
0xec: {  	[sflag:s3] =	ssyncset.done $0x0  }
0xed: {  	[sflag:s3] =	ssyncadd.s32 $0xFFFFFFB0  }
0xee: {  	[tilespmem:s0], [sflag:$0x1] =	stream.indirect.gather [hbm4b:s5+s20], $0x80, s17, s20, $0xb8;
	[tilespmem:$0x1ED80] =	vst v63  }
0xef: {  	_ =	swait.ge [sflag:s13], $0x2800  }
0xf0: {  	[sflag:s13] =	ssyncset.done $0x0  }
0xf1: {  	[sflag:s13] =	ssyncadd.s32 $0xFFFFD800  }
0xf2: {  	[spmem:s1] =	stream.indirect.scatter.add.f32 [tilespmem:s26], [sflag:$0x4], $0x80, s22, s20, $0xb8;
	[tilespmem:$0x1ED80] =	vst v63  }
0xf3: {  	_ =	swait.ge [sflag:s3], $0x2800  }
0xf4: {  	s16 =	rddreg [dreg:$0x6];
	[sflag:s3] =	ssyncset.done $0x0  }
0xf5: {  	[sflag:s3] =	ssyncadd.s32 $0xFFFFD800;
	s8 =	sadd.s32 s31, s16  }
0xf6: {  	[tilespmem:s21], [sflag:$0x4] =	stream.linear.gather [hbm4b:s8+s4], $0x50, $0x38;
	[tilespmem:$0x1ED80] =	vst v63  }
0xf7: {  	_ =	swait.ge [sflag:s3], $0x50  }
0xf8: {  	s18 =	rddreg [dreg:$0x5];
	[sflag:s3] =	ssyncset.done $0x0  }
0xf9: {  	[sflag:s3] =	ssyncadd.s32 $0xFFFFFFB0;
	s8 =	sadd.s32 s31, s18  }
0xfa: {  	[tilespmem:s22], [sflag:$0x4] =	stream.linear.gather [hbm4b:s8+s4], $0x50, $0x38;
	[tilespmem:$0x1ED80] =	vst v63  }
0xfb: {  	_ =	swait.ge [sflag:s3], $0x50  }
0xfc: {  	[sflag:s3] =	ssyncset.done $0x0  }
0xfd: {  	[sflag:s3] =	ssyncadd.s32 $0xFFFFFFB0  }
0xfe: {  	[tilespmem:s26], [sflag:$0x2] =	stream.indirect.gather [hbm4b:s5+s20], $0x80, s21, s20, $0xb8;
	[tilespmem:$0x1ED80] =	vst v63  }
0xff: {  	_ =	swait.ge [sflag:s30], $0x2800  }
.Ltmp3:
0x100: {  	[sflag:s30] =	ssyncset.done $0x0;
	(pc) =	sbr.rel @p0 .LBB2_8-.Ltmp3, $4  }
0x101: {  	[sflag:s30] =	ssyncadd.s32 $0xFFFFD800  }
0x102: {  	[spmem:s1] =	stream.indirect.scatter.add.f32 [tilespmem:s12], [sflag:$0x4], $0x80, s28, s20, $0xb8;
	[tilespmem:$0x1ED80] =	vst v63  }
0x103: {  	s15 =	sadd.s32 $0xF0, s15;
	_ =	swait.ge [sflag:s3], $0x2800  }
0x104: {  	s31 =	smov.u32 s9;
	s8 =	smov.u32 s23;
	[sflag:s3] =	ssyncset.done $0x0  }
0x105: {  	s8 =	sadd.s32 s31, s25;
	[sflag:s3] =	ssyncadd.s32 $0xFFFFD800  }
0x106: {  	[tilespmem:s11], [sflag:$0x4] =	stream.linear.gather [hbm4b:s8+s4], $0x50, $0x38;
	[tilespmem:$0x1ED80] =	vst v63  }
0x107: {  	_ =	swait.ge [sflag:s3], $0x50  }
0x108: {  	[sflag:s3] =	ssyncset.done $0x0  }
0x109: {  	s9 =	sadd.s32 s31, s24;
	[sflag:s3] =	ssyncadd.s32 $0xFFFFFFB0  }
0x10a: {  	[tilespmem:s28], [sflag:$0x4] =	stream.linear.gather [hbm4b:s9+s4], $0x50, $0x38;
	[tilespmem:$0x1ED80] =	vst v63  }
0x10b: {  	_ =	swait.ge [sflag:s3], $0x50  }
0x10c: {  	[sflag:s3] =	ssyncset.done $0x0  }
0x10d: {  	[sflag:s3] =	ssyncadd.s32 $0xFFFFFFB0  }
0x10e: {  	[tilespmem:s12], [sflag:$0x3] =	stream.indirect.gather [hbm4b:s5+s20], $0x80, s11, s20, $0xb8;
	[tilespmem:$0x1ED80] =	vst v63  }
0x10f: {  	_ =	swait.ge [sflag:s29], $0x2800  }
0x110: {  	[sflag:s29] =	ssyncset.done $0x0  }
0x111: {  	[sflag:s29] =	ssyncadd.s32 $0xFFFFD800  }
0x112: {  	[spmem:s1] =	stream.indirect.scatter.add.f32 [tilespmem:s0], [sflag:$0x4], $0x80, s19, s20, $0xb8;
	[tilespmem:$0x1ED80] =	vst v63  }
0x113: {  	_ =	swait.ge [sflag:s3], $0x2800  }
0x114: {  	s15 =	sshrl.u32 s15, $0x3;
	[sflag:s3] =	ssyncset.done $0x0  }
0x115: {  	s9 =	sadd.s32 s6, s15;
	[sflag:s3] =	ssyncadd.s32 $0xFFFFD800  }
0x116: {  	[tilespmem:s17], [sflag:$0x4] =	stream.linear.gather [hbm4b:s9+s4], $0x50, $0x38;
	[tilespmem:$0x1ED80] =	vst v63  }
0x117: {  	_ =	swait.ge [sflag:s3], $0x50  }
0x118: {  	[sflag:s3] =	ssyncset.done $0x0  }
0x119: {  	s8 =	sadd.s32 s7, s15;
	[sflag:s3] =	ssyncadd.s32 $0xFFFFFFB0  }
0x11a: {  	[tilespmem:s19], [sflag:$0x4] =	stream.linear.gather [hbm4b:s8+s4], $0x50, $0x38;
	[tilespmem:$0x1ED80] =	vst v63  }
0x11b: {  	_ =	swait.ge [sflag:s3], $0x50  }
0x11c: {  	[sflag:s3] =	ssyncset.done $0x0  }
0x11d: {  	[sflag:s3] =	ssyncadd.s32 $0xFFFFFFB0  }
0x11e: {  	[tilespmem:s0], [sflag:$0x1] =	stream.indirect.gather [hbm4b:s5+s20], $0x80, s17, s20, $0xb8;
	[tilespmem:$0x1ED80] =	vst v63  }
0x11f: {  	_ =	swait.ge [sflag:s13], $0x2800  }
0x120: {  	[sflag:s13] =	ssyncset.done $0x0  }
0x121: {  	[sflag:s13] =	ssyncadd.s32 $0xFFFFD800  }
0x122: {  	[spmem:s1] =	stream.indirect.scatter.add.f32 [tilespmem:s26], [sflag:$0x4], $0x80, s22, s20, $0xb8;
	[tilespmem:$0x1ED80] =	vst v63  }
0x123: {  	_ =	swait.ge [sflag:s3], $0x2800  }
0x124: {  	s16 =	rddreg [dreg:$0x6];
	[sflag:s3] =	ssyncset.done $0x0  }
0x125: {  	[sflag:s3] =	ssyncadd.s32 $0xFFFFD800;
	s8 =	sadd.s32 s31, s16  }
0x126: {  	[tilespmem:s21], [sflag:$0x4] =	stream.linear.gather [hbm4b:s8+s4], $0x50, $0x38;
	[tilespmem:$0x1ED80] =	vst v63  }
0x127: {  	_ =	swait.ge [sflag:s3], $0x50  }
0x128: {  	s18 =	rddreg [dreg:$0x5];
	[sflag:s3] =	ssyncset.done $0x0  }
0x129: {  	[sflag:s3] =	ssyncadd.s32 $0xFFFFFFB0;
	s8 =	sadd.s32 s31, s18  }
0x12a: {  	[tilespmem:s22], [sflag:$0x4] =	stream.linear.gather [hbm4b:s8+s4], $0x50, $0x38;
	[tilespmem:$0x1ED80] =	vst v63  }
0x12b: {  	_ =	swait.ge [sflag:s3], $0x50  }
0x12c: {  	[sflag:s3] =	ssyncset.done $0x0  }
0x12d: {  	[sflag:s3] =	ssyncadd.s32 $0xFFFFFFB0  }
0x12e: {  	[tilespmem:s26], [sflag:$0x2] =	stream.indirect.gather [hbm4b:s5+s20], $0x80, s21, s20, $0xb8;
	[tilespmem:$0x1ED80] =	vst v63  }
0x12f: {  	_ =	swait.ge [sflag:s30], $0x2800  }
0x130: {  	[sflag:s30] =	ssyncset.done $0x0  }
0x131: {  	[sflag:s30] =	ssyncadd.s32 $0xFFFFD800  }
0x132: {  	[spmem:s1] =	stream.indirect.scatter.add.f32 [tilespmem:s12], [sflag:$0x4], $0x80, s28, s20, $0xb8;
	[tilespmem:$0x1ED80] =	vst v63  }
0x133: {  	_ =	swait.ge [sflag:s3], $0x2800  }
0x134: {  	[sflag:s3] =	ssyncset.done $0x0  }
0x135: {  	[sflag:s3] =	ssyncadd.s32 $0xFFFFD800  }
0x136: {  	_ =	swait.ge [sflag:s29], $0x2800  }
0x137: {  	[sflag:s29] =	ssyncset.done $0x0  }
0x138: {  	[sflag:s29] =	ssyncadd.s32 $0xFFFFD800  }
0x139: {  	[spmem:s1] =	stream.indirect.scatter.add.f32 [tilespmem:s0], [sflag:$0x4], $0x80, s19, s20, $0xb8;
	[tilespmem:$0x1ED80] =	vst v63  }
0x13a: {  	_ =	swait.ge [sflag:s3], $0x2800  }
0x13b: {  	[sflag:s3] =	ssyncset.done $0x0  }
0x13c: {  	[sflag:s3] =	ssyncadd.s32 $0xFFFFD800  }
0x13d: {  	_ =	swait.ge [sflag:s13], $0x2800  }
0x13e: {  	[sflag:s13] =	ssyncset.done $0x0  }
0x13f: {  	[sflag:s13] =	ssyncadd.s32 $0xFFFFD800  }
0x140: {  	[spmem:s1] =	stream.indirect.scatter.add.f32 [tilespmem:s26], [sflag:$0x4], $0x80, s22, s20, $0xb8;
	[tilespmem:$0x1ED80] =	vst v63  }
0x141: {  	_ =	swait.ge [sflag:s3], $0x2800  }
0x142: {  	[sflag:s3] =	ssyncset.done $0x0  }
0x143: {  	[sflag:s3] =	ssyncadd.s32 $0xFFFFD800  }
0x144: {  	s23 =	stileid.u32;
	[bflag:$0x0] =	sbarrier.arrive $0xFFFF  }
0x145: {  	s8 =	sshll.u32 s23, $0x6;
	s16 =	rddreg [dreg:$0x1b]  }
0x146: {  	s8 =	sor.u32 $0x1C04, s8;
	s2 =	rddreg [dreg:$0xf];
	s31 =	sshrl.u32 s16, $0x3  }
0x147: {  	[hbm:s2], [sflag:s8] =	dma.local [spmem:s31], $0x2800  }
0x148: {  	_ =	swait.ge [sflag:s3], $0x2800  }
0x149: {  	[sflag:s3] =	ssyncset.done $0x0;
	s18 =	rddreg [dreg:$0x1a]  }
0x14a: {  	s2 =	rddreg [dreg:$0x12];
	[sflag:s3] =	ssyncadd.s32 $0xFFFFD800;
	s15 =	sshrl.u32 s18, $0x3  }
0x14b: {  	[hbm:s2], [sflag:s8] =	dma.local [spmem:s15], $0x50  }
0x14c: {  	_ =	swait.ge [sflag:s3], $0x50  }
0x14d: {  	s23 =	rddreg [dreg:$0x1c]  }
0x14e: {  	s31 =	rddreg [dreg:$0x10];
	s8 =	sadd.s32 $0x1, s23  }
0x14f: {  	p0 =	sne.s32 s8, s31  }
.Ltmp4:
0x150: {  	_ = 	snop;
	(pc) =	sbr.rel @p0 .LBB2_1-.Ltmp4, $3  }
0x151: {  	_ =	sdelay $0x1  }
0x152: {  	[sflag:s3] =	ssyncset.done $0x0  }
0x153: {  	[sflag:s3] =	ssyncadd.s32 $0xFFFFFFB0  }
0x154: {  	_ =	sfence.sel $0x180000  }
0x155: {  	[bflag:$0x0] =	sbarrier.arrive $0xFFFF  }
0x156: {  	_ =	strace $0x90000047  }
0x157: {  	s0 =	stileid.u32;
	[bflag:$0x2] =	sbarrier.arrive $0xFFFF  }
0x158: {  	p0 =	sne.s32 s0, $0x0;
	s0 =	rddreg [dreg:$0x4]  }
0x159: {  	s0 =	sadd.s32 @!p0 $0x100000, s0  }
0x15a: {  	[sflag:s0] =	ssyncadd.tile.s32 @!p0 $0x1;
	_ =	shalt  }
.Lfunc_end2:
_tile_overlayer_lowered:
.L_overlay_start_2:
0x15b: {  	(tag) =	ssettag $0x2  }
0x15c: {  	s0 =	rddreg [dreg:$0x0];
	s2 =	stileid.u32  }
0x15d: {  	s1 =	rddreg [dreg:$0x1];
	p0 =	sne.s32 s2, $0x0  }
0x15e: {  	s3 =	rddreg [dreg:$0x2];
	[bflag:$0x3] =	sbarrier.arrive $0xFFFF;
	s2 =	simm.s32 @!p0 $0x1C04  }
0x15f: {  	[timem:s3], [sflag:s2] =	dma.local @!p0 [hbm:s0], s1  }
0x160: {  	s0 =	simm.s32 @!p0 $0x4  }
0x161: {  	_ =	swait.ge @!p0 [sflag:s0], s1  }
0x162: {  	s1 =	ssub.s32 @!p0 $0x0, s1;
	[sflag:s0] =	ssyncset.done @!p0 $0x0  }
0x163: {  	[sflag:s0] =	ssyncadd.s32 @!p0 s1  }
0x164: {  	[bflag:$0x3] =	sbarrier.arrive $0xFFFF  }
0x165: {  	_ =	shalt  }

// kernel: kernel.14.cloned.1.call-start
scs
__scs_entry_jumppad:
0x0: {  	(pc) =	sbr.rel $0x88, $3  }
0x1: {  	(tag) =	ssettag $0x0;
	lr =	simm.s32 $0x1  }
0x2: {  	[smem:$0x3F95] =	sst lr;
	_ =	strace $0xD0000000  }
0x3: {  	_ = 	snop  }
0x4: {  	_ = 	snop  }
0x5: {  	_ = 	snop  }
0x6: {  	_ = 	snop  }
0x7: {  	_ = 	snop  }
__scs_overlays_trampoline_lowered:
0x8: {  	[smem:$0x3FA4] =	sst s0  }
0x9: {  	[smem:$0x3FA5] =	sst s1  }
0xa: {  	[smem:$0x3FA6] =	sst s2  }
0xb: {  	[smem:$0x3FA7] =	sst s3  }
0xc: {  	[smem:$0x3FA8] =	sst s4  }
0xd: {  	[smem:$0x3FA9] =	sst s5  }
0xe: {  	[smem:$0x3FAA] =	sst s6  }
0xf: {  	[smem:$0x3FAB] =	sst s7  }
0x10: {  	[smem:$0x3FAC] =	sst s8  }
0x11: {  	[smem:$0x3FAD] =	sst s9;
	s0 =	simm.s32 @!p0 $0x0  }
0x12: {  	s1 =	sld [smem:$0x3F93];
	s0 =	simm.s32 @p0 $0x1  }
0x13: {  	[smem:$0x3FAE] =	sst s0;
	s0 =	simm.s32 @!p1 $0x0  }
0x14: {  	s2 =	sld [smem:$0x3F92];
	s0 =	simm.s32 @p1 $0x1  }
0x15: {  	[smem:$0x3FAF] =	sst s0;
	s0 =	simm.s32 @!p2 $0x0  }
0x16: {  	s3 =	sld [smem:$0x3FDB];
	s0 =	simm.s32 @p2 $0x1  }
0x17: {  	s4 =	simm.s32 $0x1BF5;
	[smem:$0x3FB1] =	sst s0  }
0x18: {  	s0 =	sld [smem:$0x3F94];
	_ =	swait.ge [sflag:s4], $0x0  }
0x19: {  	s7 =	sld [smem:$0x3F95]  }
0x1a: {  	s8 =	sadd.s32 $0xFFFFE003, lr  }
0x1b: {  	s9 =	sadd.s32 $0xFFFFFEF7, lr;
	s5 =	simm.s32 $0xFFFFFFFF;
	p2 =	slt.u32 s8, $0xFFFFF086  }
0x1c: {  	p1 =	slt.u32 s9, $0xF7A;
	s5 =	simm.s32 @!p2 $0x0  }
0x1d: {  	s5 =	simm.s32 @p1 $0x1;
	p0 =	seq.s32 s7, s2  }
0x1e: {  	s7 =	smul.u32 @!p0 $0xF7A, s2;
	p2 =	seq.s32 @!p0 s5, $0x0  }
0x1f: {  	s9 =	smul.u32 $0xF7A, s1;
	s8 =	simm.s32 @!p0 $0x1BF5;
	p2 =	por !p2, p0  }
0x20: {  	[sflag:s8] =	ssyncset.s32 @!p0 $0xFFFFF086;
	s6 =	sadd.s32 @!p0 s3, s7;
	s7 =	simm.s32 @!p0 $0x108  }
0x21: {  	s3 =	sadd.s32 s3, s9;
	s6 =	sadd.s32 @!p0 $0x88, s6;
	s7 =	simm.s32 @p2 $0x1082  }
0x22: {  	[simem:s7], [sflag:s8] =	dma.local @!p0 [hbm:s6], $0xF7A  }
0x23: {  	s9 =	sor.u32 $0xD0000000, s2;
	s6 =	simm.s32 $0x108;
	_ =	swait.ge @!p0 [sflag:s8], $0x0  }
0x24: {  	s3 =	sadd.s32 $0x88, s3;
	s6 =	simm.s32 @!p1 $0x1082;
	[sflag:s4] =	ssyncset.s32 $0xFFFFF086  }
0x25: {  	[simem:s6], [sflag:s4] =	dma.local [hbm:s3], $0xF7A  }
0x26: {  	[smem:$0x3F95] =	sst s1;
	(tag) =	ssettag s2;
	_ =	strace s9  }
0x27: {  	s1 =	sld [smem:$0x3FA5]  }
0x28: {  	s2 =	sld [smem:$0x3FA6]  }
0x29: {  	s4 =	sld [smem:$0x3FA8]  }
0x2a: {  	p0 =	seq.s32 s5, $0x0;
	s5 =	sld [smem:$0x3FA9]  }
0x2b: {  	s6 =	sld [smem:$0x3FAA]  }
0x2c: {  	s7 =	sld [smem:$0x3FAB]  }
0x2d: {  	s3 =	simm.s32 $0x108;
	s8 =	sld [smem:$0x3FAC]  }
0x2e: {  	s3 =	simm.s32 @!p0 $0x1082;
	s9 =	sld [smem:$0x3FAD]  }
0x2f: {  	lr =	sadd.s32 s0, s3;
	s0 =	sld [smem:$0x3FA4]  }
0x30: {  	s3 =	sld [smem:$0x3FA7]  }
0x31: {  	[smem:$0x3FB0] =	sst s10  }
0x32: {  	s10 =	sld [smem:$0x3FAE];
	_ =	sdelay $0x3  }
0x33: {  	p0 =	seq.s32 s10, $0x1;
	s10 =	sld [smem:$0x3FB0];
	_ =	sdelay $0x3  }
0x34: {  	[smem:$0x3FB0] =	sst s10  }
0x35: {  	s10 =	sld [smem:$0x3FAF];
	_ =	sdelay $0x3  }
0x36: {  	p1 =	seq.s32 s10, $0x1;
	s10 =	sld [smem:$0x3FB0];
	_ =	sdelay $0x3  }
0x37: {  	[smem:$0x3FB0] =	sst s10  }
0x38: {  	s10 =	sld [smem:$0x3FB1]  }
0x39: {  	_ = 	snop;
	(pc) =	sbr.ind lr, $3  }
0x3a: {  	_ = 	snop  }
0x3b: {  	_ = 	snop  }
0x3c: {  	p2 =	seq.s32 s10, $0x1;
	s10 =	sld [smem:$0x3FB0]  }
0x3d: {  	_ =	shalt  }
0x3e: {  	_ =	shalt  }
0x3f: {  	_ =	shalt  }
0x40: {  	_ =	shalt  }
0x41: {  	_ =	shalt  }
0x42: {  	_ =	shalt  }
0x43: {  	_ =	shalt  }
0x44: {  	_ =	shalt  }
0x45: {  	_ =	shalt  }
0x46: {  	_ =	shalt  }
0x47: {  	_ =	shalt  }
0x48: {  	_ =	shalt  }
0x49: {  	_ =	shalt  }
0x4a: {  	_ =	shalt  }
0x4b: {  	_ =	shalt  }
0x4c: {  	_ =	shalt  }
0x4d: {  	_ =	shalt  }
0x4e: {  	_ =	shalt  }
0x4f: {  	_ =	shalt  }
0x50: {  	_ =	shalt  }
0x51: {  	_ =	shalt  }
0x52: {  	_ =	shalt  }
0x53: {  	_ =	shalt  }
0x54: {  	_ =	shalt  }
0x55: {  	_ =	shalt  }
0x56: {  	_ =	shalt  }
0x57: {  	_ =	shalt  }
0x58: {  	_ =	shalt  }
0x59: {  	_ =	shalt  }
0x5a: {  	_ =	shalt  }
0x5b: {  	_ =	shalt  }
0x5c: {  	_ =	shalt  }
0x5d: {  	_ =	shalt  }
0x5e: {  	_ =	shalt  }
0x5f: {  	_ =	shalt  }
0x60: {  	_ =	shalt  }
0x61: {  	_ =	shalt  }
0x62: {  	_ =	shalt  }
0x63: {  	_ =	shalt  }
0x64: {  	_ =	shalt  }
0x65: {  	_ =	shalt  }
0x66: {  	_ =	shalt  }
0x67: {  	_ =	shalt  }
0x68: {  	_ =	shalt  }
0x69: {  	_ =	shalt  }
0x6a: {  	_ =	shalt  }
0x6b: {  	_ =	shalt  }
0x6c: {  	_ =	shalt  }
0x6d: {  	_ =	shalt  }
0x6e: {  	_ =	shalt  }
0x6f: {  	_ =	shalt  }
0x70: {  	_ =	shalt  }
0x71: {  	_ =	shalt  }
0x72: {  	_ =	shalt  }
0x73: {  	_ =	shalt  }
0x74: {  	_ =	shalt  }
0x75: {  	_ =	shalt  }
0x76: {  	_ =	shalt  }
0x77: {  	_ =	shalt  }
0x78: {  	_ =	shalt  }
0x79: {  	_ =	shalt  }
0x7a: {  	_ =	shalt  }
0x7b: {  	_ =	shalt  }
0x7c: {  	_ =	shalt  }
0x7d: {  	_ =	shalt  }
0x7e: {  	_ =	shalt  }
0x7f: {  	_ =	shalt  }
0x80: {  	_ =	shalt  }
0x81: {  	_ =	shalt  }
0x82: {  	_ =	shalt  }
0x83: {  	_ =	shalt  }
0x84: {  	_ =	shalt  }
0x85: {  	_ =	shalt  }
0x86: {  	_ =	shalt  }
0x87: {  	_ =	shalt  }
.Lfunc_end0:
.L_simem_size_0:
called_computation.1_lowered:
.L_overlay_start_0:
0x88: {  	s2 =	sld [smem:$0x3FD9]  }
0x89: {  	s3 =	sld [smem:$0x3FFE];
	_ =	sdelay $0x1  }
0x8a: {  	s1 =	srdreg.scid  }
0x8b: {  	s0 =	sand.u32 $0x1, s1  }
0x8c: {  	s16 =	sshll.u32 s0, $0xA;
	s2 =	sadd.s32 s3, s2  }
0x8d: {  	s2 =	sadd.s32 s2, s16  }
0x8e: {  	[smem:$0x3FBC] =	sst s2  }
0x8f: {  	_ = 	snop  }
0x90: {  	(tm) =	ssettm $0x1  }
0x91: {  	s17 =	sld [smem:$0x3FFB];
	_ =	sdelay $0x3  }
0x92: {  	_ =	strace s17  }
0x93: {  	s2 =	sld [smem:$0x3FFC];
	_ =	sdelay $0x3  }
0x94: {  	_ =	strace s2  }
0x95: {  	s2 =	sld [smem:$0x3FFD];
	_ =	sdelay $0x3  }
0x96: {  	_ =	strace s2  }
0x97: {  	_ =	strace $0x8FFFFFFF  }
0x98: {  	s18 =	sld [smem:$0x3FDB];
	_ =	sdelay $0x1  }
0x99: {  	s19 =	simm.s32 $_scs_section_size  }
0x9a: {  	s4 =	simm.s32 $_size__tile_overlayer_lowered;
	s5 =	simm.s32 $_tile_overlayer_lowered  }
0x9b: {  	s22 =	simm.s32 $0x1BFF;
	s21 =	sshll.u32 s5, $0x1;
	s2 =	sadd.s32 s19, s18  }
0x9c: {  	s6 =	simm.s32 $0x0;
	s20 =	sshll.u32 s4, $0x1;
	s4 =	sadd.s32 s21, s2  }
0x9d: {  	[timem:s6], [sflag:s22] =	dma.local [hbm:s4], s20  }
0x9e: {  	_ =	swait.ge [sflag:s22], s20  }
0x9f: {  	s3 =	ssub.s32 $0x0, s20;
	[sflag:s22] =	ssyncset.done $0x0  }
0xa0: {  	[sflag:s22] =	ssyncadd.s32 s3;
	_ =	sdelay $0x1  }
0xa1: {  	s23 =	simm.s32 $0x1B8B  }
0xa2: {  	_ =	swait.ge [sflag:s23], $0x1  }
0xa3: {  	[sflag:s23] =	ssyncset.done $0x0  }
0xa4: {  	s25 =	simm.s32 $0x1B8E;
	s24 =	sld [smem:$0x3FFE];
	[sflag:s23] =	ssyncadd.s32 $0xFFFFFFFF  }
0xa5: {  	s26 =	simm.s32 $execute0_lowered;
	[smem:$0x3FD2] =	sst s25  }
0xa6: {  	s4 =	sshll.u32 s26, $0x1;
	_ =	strace $0x80000049;
	[dreg:$0x1] =	wrdreg $0xFFFFFFFF  }
0xa7: {  	s28 =	simm.s32 $_size_execute0_lowered;
	s2 =	sadd.s32 s2, s4;
	[dreg:$0x0] =	wrdreg $0x0  }
0xa8: {  	s4 =	sshll.u32 s28, $0x1;
	[dreg:$0x2] =	wrdreg s2  }
0xa9: {  	[dreg:$0x3] =	wrdreg s4  }
0xaa: {  	[dreg:$0x4] =	wrdreg $0xC0  }
0xab: {  	_ =	task [dreg:s6], $0x5FFFF  }
0xac: {  	[dreg:$0x1] =	wrdreg $0xFFFFFFFF  }
0xad: {  	[dreg:$0x0] =	wrdreg $0x60  }
0xae: {  	[dreg:$0x2] =	wrdreg s24  }
0xaf: {  	[dreg:$0x3] =	wrdreg $0x0  }
0xb0: {  	[dreg:$0x4] =	wrdreg $0x9  }
0xb1: {  	_ =	task.clear_ibuf [dreg:s6], $0x5FFFF;
	_ =	strace $0x90000049  }
0xb2: {  	s29 =	simm.s32 $0x9;
	_ =	strace $0x8000004B  }
0xb3: {  	_ =	swait.ge [sflag:s29], $0x1  }
0xb4: {  	[sflag:s29] =	ssyncadd.s32 $0xFFFFFFFF  }
0xb5: {  	_ =	strace $0x9000004B  }
0xb6: {  	_ =	sfence  }
0xb7: {  	s30 =	sld [smem:$0x0];
	_ =	sdelay $0x2  }
0xb8: {  	s31 =	sshll.u32 s1, $0xD;
	s1 =	sshrl.u32 s1, $0x2  }
0xb9: {  	s3 =	sand.u32 $0x4000, s31;
	s1 =	sadd.s32 s1, s30  }
0xba: {  	s0 =	sor.u32 s3, s0;
	s1 =	sshll.u32 s1, $0x11  }
0xbb: {  	s0 =	sor.u32 s1, s0  }
0xbc: {  	s0 =	sadd.s32 $0x8F2B, s0  }
0xbd: {  	[sflag:s0] =	ssyncadd.remote.s32 $0x1  }
0xbe: {  	_ =	sfence.sel $0xFFFF  }
0xbf: {  	[dreg:$0x0] =	wrdreg $0xFFFFFFFF;
	(pc) =	sbr.abs _section_cstart, $3  }
0xc0: {  	[dreg:$0x1] =	wrdreg $0xFFFFFFFF  }
0xc1: {  	_ =	task.clear_ibuf [dreg:s6], $0x2FFFF;
	_ =	strace $0x9FFFFFFF  }
0xc2: {  	(tm) =	ssettm $0x7FFFFFFF  }
0xc3: {  	_ =	shalt  }
tec
execute0_lowered:
.L_overlay_start_1:
0x0: {  	(tag) =	ssettag $0x1  }
0x1: {  	s0 =	rddreg [dreg:$0x0]  }
0x2: {  	s1 =	rddreg [dreg:$0x1];
	s2 =	srdreg.scid  }
0x3: {  	s3 =	simm.s32 $0x0;
	s11 =	stileid.u32;
	s28 =	simm.s32 $0x14180  }
0x4: {  	s29 =	simm.s32 $0x50;
	s30 =	simm.s32 $0x14080;
	s7 =	smul.u32 $0x14000, s11  }
0x5: {  	s31 =	simm.s32 $0x14200;
	s2 =	sand.u32 $0x1, s2;
	s25 =	smul.u32 $0x50000, s11  }
0x6: {  	[smem:$0x7FF] =	sst s3;
	s8 =	sshll.u32 s11, $0x1;
	s11 =	smul.u32 $0x4E20, s11  }
0x7: {  	s4 =	sadd.s32 $0x8EE00, s0;
	s5 =	sadd.s32 $0xD000, s0;
	s6 =	smul.u32 $0x140000, s2  }
0x8: {  	_ =	strace $0x8000004A;
	s22 =	sor.u32 s2, s8;
	s9 =	ssub.s32 $0x2, s2  }
0x9: {  	s2 =	smul.u32 $0x2710, s2;
	s24 =	sshrl.u32 s9, $0x1;
	s14 =	sshrl.u32 s25, $0x2  }
0xa: {  	s6 =	sadd.s32 s7, s6;
	s7 =	smul.u32 $0x2710, s22;
	s8 =	ssub.s32 s9, s24  }
0xb: {  	s16 =	sadd.s32 s2, s11;
	s9 =	simm.s32 $0x1;
	s11 =	simm.s32 $0x3  }
0xc: {  	s23 =	sshrl.u32 s6, $0x3;
	s6 =	sadd.s32 $0x3200, s0;
	s15 =	smax.u32 s8, $0x1  }
0xd: {  	s19 =	sadd.s32 $0x140, s16;
	s25 =	sadd.s32 $0xA0, s16;
	s7 =	sshrl.u32 s7, $0x3  }
0xe: {  	s0 =	sadd.s32 s23, s0;
	[dreg:$0xa] =	wrdreg s15;
	s10 =	sadd.s32 s5, s7  }
0xf: {  	s26 =	sadd.s32 $0xA, s7;
	s7 =	sadd.s32 s6, s7;
	[dreg:$0x5] =	wrdreg s10  }
0x10: {  	s2 =	sshrl.u32 s19, $0x3;
	s0 =	sadd.s32 $0xB6E00, s0;
	[dreg:$0x6] =	wrdreg s7  }
0x11: {  	s8 =	simm.s32 $0x19300;
	s24 =	sadd.s32 s2, s6;
	[dreg:$0x9] =	wrdreg s0  }
0x12: {  	s2 =	sadd.s32 s2, s5;
	s12 =	sadd.s32 s5, s26;
	[dreg:$0x3] =	wrdreg s24  }
0x13: {  	s13 =	sadd.s32 s6, s26;
	[dreg:$0x4] =	wrdreg s2;
	s26 =	sshrl.u32 s25, $0x3  }
0x14: {  	s24 =	simm.s32 $0x14300;
	[dreg:$0x7] =	wrdreg s12;
	s12 =	sadd.s32 s14, s1  }
0x15: {  	s25 =	simm.s32 $0x4;
	[dreg:$0x8] =	wrdreg s13;
	s17 =	sadd.s32 $0x2800, s12  }
0x16: {  	s0 =	simm.s32 $0x16B00;
	s18 =	sadd.s32 $0x5000, s12;
	[dreg:$0xb] =	wrdreg s17  }
0x17: {  	s2 =	simm.s32 $0x14100;
	s20 =	sadd.s32 $0x7800, s12;
	[dreg:$0xc] =	wrdreg s18  }
0x18: {  	s7 =	simm.s32 $0x14280;
	s21 =	sadd.s32 $0xA000, s12;
	[dreg:$0xd] =	wrdreg s20  }
0x19: {  	s10 =	simm.s32 $0x2;
	s22 =	sadd.s32 $0xC800, s12;
	[dreg:$0xe] =	wrdreg s21  }
0x1a: {  	s13 =	simm.s32 $0x0;
	s23 =	sadd.s32 $0xF000, s12;
	[dreg:$0xf] =	wrdreg s22  }
0x1b: {  	[dreg:$0x10] =	wrdreg s23;
	s20 =	sadd.s32 $0x11800, s12;
	s21 =	sadd.s32 $0xF0, s16  }
0x1c: {  	v0 =	vimm.f32 $0.0e+00;
	s22 =	sadd.s32 s26, s6;
	s23 =	sadd.s32 s26, s5;
	s26 =	simm.s32 $0x14000  }
.LBB2_1:
0x1d: {  	s14 =	simm.s32 $0x0;
	s15 =	simm.s32 $0x200  }
.LBB2_2:
0x1e: {  	p0 =	sne.s32 s15, $0x9E00;
	[tilespmem:s14+$0x14370] =	vst v0  }
0x1f: {  	[tilespmem:s14+$0x14300] =	vst v0  }
0x20: {  	[tilespmem:s14+$0x14310] =	vst v0  }
.Ltmp0:
0x21: {  	[tilespmem:s14+$0x14320] =	vst v0;
	(pc) =	sbr.rel @p0 .LBB2_2-.Ltmp0, $4  }
0x22: {  	[tilespmem:s14+$0x14330] =	vst v0  }
0x23: {  	[tilespmem:s14+$0x14340] =	vst v0  }
0x24: {  	[tilespmem:s14+$0x14350] =	vst v0  }
0x25: {  	[tilespmem:s14+$0x14360] =	vst v0;
	s14 =	sshra.s32 s15, $0x2;
	s15 =	sadd.s32 $0x200, s15  }
0x26: {  	[tilespmem:s14+$0x14370] =	vst v0  }
0x27: {  	[tilespmem:s14+$0x14300] =	vst v0  }
0x28: {  	[tilespmem:s14+$0x14310] =	vst v0  }
0x29: {  	[tilespmem:s14+$0x14320] =	vst v0  }
0x2a: {  	[tilespmem:s14+$0x14330] =	vst v0  }
0x2b: {  	[tilespmem:s14+$0x14340] =	vst v0  }
0x2c: {  	[tilespmem:s14+$0x14350] =	vst v0  }
0x2d: {  	[tilespmem:s14+$0x14360] =	vst v0  }
0x2e: {  	[spmem:s12] =	stream.linear.scatter [tilespmem:s24], [sflag:$0x4], $0x2800, $0x38;
	[tilespmem:$0x1BB00] =	vst v63  }
0x2f: {  	_ =	swait.ge [sflag:s25], $0x2800  }
0x30: {  	[sflag:s25] =	ssyncset.done $0x0  }
0x31: {  	s18 =	rddreg [dreg:$0xb];
	[sflag:s25] =	ssyncadd.s32 $0xFFFFD800  }
0x32: {  	[spmem:s18] =	stream.linear.scatter [tilespmem:s24], [sflag:$0x4], $0x2800, $0x38;
	[tilespmem:$0x1BB00] =	vst v63  }
0x33: {  	_ =	swait.ge [sflag:s25], $0x2800  }
0x34: {  	[sflag:s25] =	ssyncset.done $0x0  }
0x35: {  	s19 =	rddreg [dreg:$0xc];
	[sflag:s25] =	ssyncadd.s32 $0xFFFFD800  }
0x36: {  	[spmem:s19] =	stream.linear.scatter [tilespmem:s24], [sflag:$0x4], $0x2800, $0x38;
	[tilespmem:$0x1BB00] =	vst v63  }
0x37: {  	_ =	swait.ge [sflag:s25], $0x2800  }
0x38: {  	[sflag:s25] =	ssyncset.done $0x0  }
0x39: {  	s15 =	rddreg [dreg:$0xd];
	[sflag:s25] =	ssyncadd.s32 $0xFFFFD800  }
0x3a: {  	[spmem:s15] =	stream.linear.scatter [tilespmem:s24], [sflag:$0x4], $0x2800, $0x38;
	[tilespmem:$0x1BB00] =	vst v63  }
0x3b: {  	_ =	swait.ge [sflag:s25], $0x2800  }
0x3c: {  	[sflag:s25] =	ssyncset.done $0x0  }
0x3d: {  	s16 =	rddreg [dreg:$0xe];
	[sflag:s25] =	ssyncadd.s32 $0xFFFFD800  }
0x3e: {  	[spmem:s16] =	stream.linear.scatter [tilespmem:s24], [sflag:$0x4], $0x2800, $0x38;
	[tilespmem:$0x1BB00] =	vst v63  }
0x3f: {  	_ =	swait.ge [sflag:s25], $0x2800  }
0x40: {  	[sflag:s25] =	ssyncset.done $0x0  }
0x41: {  	s17 =	rddreg [dreg:$0xf];
	[sflag:s25] =	ssyncadd.s32 $0xFFFFD800  }
0x42: {  	[spmem:s17] =	stream.linear.scatter [tilespmem:s24], [sflag:$0x4], $0x2800, $0x38;
	[tilespmem:$0x1BB00] =	vst v63  }
0x43: {  	_ =	swait.ge [sflag:s25], $0x2800  }
0x44: {  	[sflag:s25] =	ssyncset.done $0x0  }
0x45: {  	s18 =	rddreg [dreg:$0x10];
	[sflag:s25] =	ssyncadd.s32 $0xFFFFD800  }
0x46: {  	[spmem:s18] =	stream.linear.scatter [tilespmem:s24], [sflag:$0x4], $0x2800, $0x38;
	[tilespmem:$0x1BB00] =	vst v63  }
0x47: {  	_ =	swait.ge [sflag:s25], $0x2800  }
0x48: {  	[sflag:s25] =	ssyncset.done $0x0  }
0x49: {  	[sflag:s25] =	ssyncadd.s32 $0xFFFFD800  }
0x4a: {  	[spmem:s20] =	stream.linear.scatter [tilespmem:s24], [sflag:$0x4], $0x2800, $0x38;
	[tilespmem:$0x1BB00] =	vst v63  }
0x4b: {  	_ =	swait.ge [sflag:s25], $0x2800  }
0x4c: {  	[sflag:s25] =	ssyncset.done $0x0  }
0x4d: {  	[sflag:s25] =	ssyncadd.s32 $0xFFFFD800  }
0x4e: {  	[bflag:$0x0] =	sbarrier.arrive $0xFFFF  }
0x4f: {  	s19 =	simm.s32 $0x0;
	s15 =	rddreg [dreg:$0x5]  }
0x50: {  	[tilespmem:s26], [sflag:$0x4] =	stream.linear.gather [hbm4b:s15+s19], $0x50, $0x38;
	[tilespmem:$0x1BB00] =	vst v63  }
0x51: {  	_ =	swait.ge [sflag:s25], $0x50  }
0x52: {  	[sflag:s25] =	ssyncset.done $0x0  }
0x53: {  	s16 =	rddreg [dreg:$0x6];
	[sflag:s25] =	ssyncadd.s32 $0xFFFFFFB0  }
0x54: {  	[tilespmem:s28], [sflag:$0x4] =	stream.linear.gather [hbm4b:s16+s19], $0x50, $0x38;
	[tilespmem:$0x1BB00] =	vst v63  }
0x55: {  	_ =	swait.ge [sflag:s25], $0x50  }
0x56: {  	[sflag:s25] =	ssyncset.done $0x0  }
0x57: {  	[sflag:s25] =	ssyncadd.s32 $0xFFFFFFB0  }
0x58: {  	[tilespmem:s24], [sflag:$0x1] =	stream.indirect.gather [hbm4b:s4+s29], $0x80, s26, s29, $0xb8;
	[tilespmem:$0x1BB00] =	vst v63  }
0x59: {  	s17 =	rddreg [dreg:$0x7]  }
0x5a: {  	[tilespmem:s30], [sflag:$0x4] =	stream.linear.gather [hbm4b:s17+s19], $0x50, $0x38;
	[tilespmem:$0x1BB00] =	vst v63  }
0x5b: {  	_ =	swait.ge [sflag:s25], $0x50  }
0x5c: {  	[sflag:s25] =	ssyncset.done $0x0  }
0x5d: {  	s18 =	rddreg [dreg:$0x8];
	[sflag:s25] =	ssyncadd.s32 $0xFFFFFFB0  }
0x5e: {  	[tilespmem:s31], [sflag:$0x4] =	stream.linear.gather [hbm4b:s18+s19], $0x50, $0x38;
	[tilespmem:$0x1BB00] =	vst v63  }
0x5f: {  	_ =	swait.ge [sflag:s25], $0x50  }
0x60: {  	[sflag:s25] =	ssyncset.done $0x0  }
0x61: {  	[sflag:s25] =	ssyncadd.s32 $0xFFFFFFB0  }
0x62: {  	[tilespmem:s0], [sflag:$0x2] =	stream.indirect.gather [hbm4b:s4+s29], $0x80, s30, s29, $0xb8;
	[tilespmem:$0x1BB00] =	vst v63  }
0x63: {  	s19 =	sadd.s32 $0x0, s23  }
0x64: {  	[tilespmem:s2], [sflag:$0x4] =	stream.linear.gather [hbm4b:s19+s3], $0x50, $0x38;
	[tilespmem:$0x1BB00] =	vst v63  }
0x65: {  	_ =	swait.ge [sflag:s25], $0x50  }
0x66: {  	[sflag:s25] =	ssyncset.done $0x0  }
0x67: {  	s15 =	sadd.s32 $0x0, s22;
	[sflag:s25] =	ssyncadd.s32 $0xFFFFFFB0  }
0x68: {  	[tilespmem:s7], [sflag:$0x4] =	stream.linear.gather [hbm4b:s15+s3], $0x50, $0x38;
	[tilespmem:$0x1BB00] =	vst v63  }
0x69: {  	_ =	swait.ge [sflag:s25], $0x50  }
0x6a: {  	[sflag:s25] =	ssyncset.done $0x0  }
0x6b: {  	[sflag:s25] =	ssyncadd.s32 $0xFFFFFFB0  }
0x6c: {  	[tilespmem:s8], [sflag:$0x3] =	stream.indirect.gather [hbm4b:s4+s29], $0x80, s2, s29, $0xb8;
	[tilespmem:$0x1BB00] =	vst v63  }
0x6d: {  	_ =	swait.ge [sflag:s9], $0x2800  }
0x6e: {  	[sflag:s9] =	ssyncset.done $0x0  }
0x6f: {  	[sflag:s9] =	ssyncadd.s32 $0xFFFFD800  }
0x70: {  	[spmem:s1] =	stream.indirect.scatter.add.f32 [tilespmem:s24], [sflag:$0x4], $0x80, s28, s29, $0xb8;
	[tilespmem:$0x1BB00] =	vst v63  }
0x71: {  	_ =	swait.ge [sflag:s25], $0x2800  }
0x72: {  	s16 =	sshrl.u32 s21, $0x3;
	[sflag:s25] =	ssyncset.done $0x0  }
0x73: {  	s17 =	sadd.s32 s5, s16;
	[sflag:s25] =	ssyncadd.s32 $0xFFFFD800  }
0x74: {  	[tilespmem:s26], [sflag:$0x4] =	stream.linear.gather [hbm4b:s17+s3], $0x50, $0x38;
	[tilespmem:$0x1BB00] =	vst v63  }
0x75: {  	_ =	swait.ge [sflag:s25], $0x50  }
0x76: {  	[sflag:s25] =	ssyncset.done $0x0  }
0x77: {  	s14 =	sadd.s32 s6, s16;
	[sflag:s25] =	ssyncadd.s32 $0xFFFFFFB0  }
0x78: {  	[tilespmem:s28], [sflag:$0x4] =	stream.linear.gather [hbm4b:s14+s3], $0x50, $0x38;
	[tilespmem:$0x1BB00] =	vst v63  }
0x79: {  	_ =	swait.ge [sflag:s25], $0x50  }
0x7a: {  	[sflag:s25] =	ssyncset.done $0x0  }
0x7b: {  	[sflag:s25] =	ssyncadd.s32 $0xFFFFFFB0  }
0x7c: {  	[tilespmem:s24], [sflag:$0x1] =	stream.indirect.gather [hbm4b:s4+s29], $0x80, s26, s29, $0xb8;
	[tilespmem:$0x1BB00] =	vst v63  }
0x7d: {  	_ =	swait.ge [sflag:s10], $0x2800  }
0x7e: {  	[sflag:s10] =	ssyncset.done $0x0  }
0x7f: {  	[sflag:s10] =	ssyncadd.s32 $0xFFFFD800  }
0x80: {  	[spmem:s1] =	stream.indirect.scatter.add.f32 [tilespmem:s0], [sflag:$0x4], $0x80, s31, s29, $0xb8;
	[tilespmem:$0x1BB00] =	vst v63  }
0x81: {  	_ =	swait.ge [sflag:s25], $0x2800  }
0x82: {  	s18 =	rddreg [dreg:$0x4];
	[sflag:s25] =	ssyncset.done $0x0  }
0x83: {  	[sflag:s25] =	ssyncadd.s32 $0xFFFFD800;
	s14 =	sadd.s32 $0x0, s18  }
0x84: {  	[tilespmem:s30], [sflag:$0x4] =	stream.linear.gather [hbm4b:s14+s3], $0x50, $0x38;
	[tilespmem:$0x1BB00] =	vst v63  }
0x85: {  	_ =	swait.ge [sflag:s25], $0x50  }
0x86: {  	s19 =	rddreg [dreg:$0x3];
	[sflag:s25] =	ssyncset.done $0x0  }
0x87: {  	[sflag:s25] =	ssyncadd.s32 $0xFFFFFFB0;
	s14 =	sadd.s32 $0x0, s19  }
0x88: {  	[tilespmem:s31], [sflag:$0x4] =	stream.linear.gather [hbm4b:s14+s3], $0x50, $0x38;
	[tilespmem:$0x1BB00] =	vst v63  }
0x89: {  	_ =	swait.ge [sflag:s25], $0x50  }
0x8a: {  	[sflag:s25] =	ssyncset.done $0x0  }
0x8b: {  	[sflag:s25] =	ssyncadd.s32 $0xFFFFFFB0  }
0x8c: {  	[tilespmem:s0], [sflag:$0x2] =	stream.indirect.gather [hbm4b:s4+s29], $0x80, s30, s29, $0xb8;
	[tilespmem:$0x1BB00] =	vst v63  }
0x8d: {  	_ =	swait.ge [sflag:s11], $0x2800  }
0x8e: {  	[sflag:s11] =	ssyncset.done $0x0  }
0x8f: {  	[sflag:s11] =	ssyncadd.s32 $0xFFFFD800  }
0x90: {  	[spmem:s1] =	stream.indirect.scatter.add.f32 [tilespmem:s8], [sflag:$0x4], $0x80, s7, s29, $0xb8;
	[tilespmem:$0x1BB00] =	vst v63  }
0x91: {  	s16 =	simm.s32 $0x3C;
	_ =	swait.ge [sflag:s25], $0x2800  }
0x92: {  	s15 =	sadd.s32 $0xF0, s21;
	s14 =	simm.s32 $0x1E;
	[sflag:s25] =	ssyncset.done $0x0  }
.LBB2_4:
0x93: {  	s19 =	sadd.s32 s14, s23;
	[sflag:s25] =	ssyncadd.s32 $0xFFFFD800  }
0x94: {  	[tilespmem:s2], [sflag:$0x4] =	stream.linear.gather [hbm4b:s19+s3], $0x50, $0x38;
	[tilespmem:$0x1BB00] =	vst v63  }
0x95: {  	_ =	swait.ge [sflag:s25], $0x50  }
0x96: {  	[sflag:s25] =	ssyncset.done $0x0  }
0x97: {  	s19 =	sadd.s32 s14, s22;
	[sflag:s25] =	ssyncadd.s32 $0xFFFFFFB0  }
0x98: {  	[tilespmem:s7], [sflag:$0x4] =	stream.linear.gather [hbm4b:s19+s3], $0x50, $0x38;
	[tilespmem:$0x1BB00] =	vst v63  }
0x99: {  	_ =	swait.ge [sflag:s25], $0x50  }
0x9a: {  	[sflag:s25] =	ssyncset.done $0x0  }
0x9b: {  	[sflag:s25] =	ssyncadd.s32 $0xFFFFFFB0  }
0x9c: {  	[tilespmem:s8], [sflag:$0x3] =	stream.indirect.gather [hbm4b:s4+s29], $0x80, s2, s29, $0xb8;
	[tilespmem:$0x1BB00] =	vst v63  }
0x9d: {  	_ =	swait.ge [sflag:s9], $0x2800  }
0x9e: {  	[sflag:s9] =	ssyncset.done $0x0  }
0x9f: {  	[sflag:s9] =	ssyncadd.s32 $0xFFFFD800  }
0xa0: {  	[spmem:s1] =	stream.indirect.scatter.add.f32 [tilespmem:s24], [sflag:$0x4], $0x80, s28, s29, $0xb8;
	[tilespmem:$0x1BB00] =	vst v63  }
0xa1: {  	s17 =	smov.u32 s16;
	s18 =	sadd.s32 $0x1E, s16;
	_ =	swait.ge [sflag:s25], $0x2800  }
0xa2: {  	p0 =	sne.s32 s16, $0x4B0;
	s16 =	sshrl.u32 s15, $0x3;
	[sflag:s25] =	ssyncset.done $0x0  }
0xa3: {  	s19 =	sadd.s32 s5, s16;
	[sflag:s25] =	ssyncadd.s32 $0xFFFFD800  }
0xa4: {  	[tilespmem:s26], [sflag:$0x4] =	stream.linear.gather [hbm4b:s19+s3], $0x50, $0x38;
	[tilespmem:$0x1BB00] =	vst v63  }
0xa5: {  	_ =	swait.ge [sflag:s25], $0x50  }
0xa6: {  	[sflag:s25] =	ssyncset.done $0x0  }
0xa7: {  	s16 =	sadd.s32 s6, s16;
	[sflag:s25] =	ssyncadd.s32 $0xFFFFFFB0  }
0xa8: {  	[tilespmem:s28], [sflag:$0x4] =	stream.linear.gather [hbm4b:s16+s3], $0x50, $0x38;
	[tilespmem:$0x1BB00] =	vst v63  }
0xa9: {  	_ =	swait.ge [sflag:s25], $0x50  }
0xaa: {  	[sflag:s25] =	ssyncset.done $0x0  }
0xab: {  	[sflag:s25] =	ssyncadd.s32 $0xFFFFFFB0  }
0xac: {  	[tilespmem:s24], [sflag:$0x1] =	stream.indirect.gather [hbm4b:s4+s29], $0x80, s26, s29, $0xb8;
	[tilespmem:$0x1BB00] =	vst v63  }
0xad: {  	_ =	swait.ge [sflag:s10], $0x2800  }
0xae: {  	[sflag:s10] =	ssyncset.done $0x0  }
0xaf: {  	[sflag:s10] =	ssyncadd.s32 $0xFFFFD800  }
0xb0: {  	[spmem:s1] =	stream.indirect.scatter.add.f32 [tilespmem:s0], [sflag:$0x4], $0x80, s31, s29, $0xb8;
	[tilespmem:$0x1BB00] =	vst v63  }
0xb1: {  	_ =	swait.ge [sflag:s25], $0x2800  }
0xb2: {  	s19 =	rddreg [dreg:$0x4];
	[sflag:s25] =	ssyncset.done $0x0  }
0xb3: {  	[sflag:s25] =	ssyncadd.s32 $0xFFFFD800;
	s16 =	sadd.s32 s14, s19  }
0xb4: {  	[tilespmem:s30], [sflag:$0x4] =	stream.linear.gather [hbm4b:s16+s3], $0x50, $0x38;
	[tilespmem:$0x1BB00] =	vst v63  }
0xb5: {  	_ =	swait.ge [sflag:s25], $0x50  }
0xb6: {  	s19 =	rddreg [dreg:$0x3];
	[sflag:s25] =	ssyncset.done $0x0  }
0xb7: {  	[sflag:s25] =	ssyncadd.s32 $0xFFFFFFB0;
	s16 =	sadd.s32 s14, s19  }
0xb8: {  	[tilespmem:s31], [sflag:$0x4] =	stream.linear.gather [hbm4b:s16+s3], $0x50, $0x38;
	[tilespmem:$0x1BB00] =	vst v63  }
0xb9: {  	_ =	swait.ge [sflag:s25], $0x50  }
0xba: {  	[sflag:s25] =	ssyncset.done $0x0  }
0xbb: {  	[sflag:s25] =	ssyncadd.s32 $0xFFFFFFB0  }
0xbc: {  	[tilespmem:s0], [sflag:$0x2] =	stream.indirect.gather [hbm4b:s4+s29], $0x80, s30, s29, $0xb8;
	[tilespmem:$0x1BB00] =	vst v63  }
0xbd: {  	_ =	swait.ge [sflag:s11], $0x2800  }
.Ltmp1:
0xbe: {  	[sflag:s11] =	ssyncset.done $0x0;
	(pc) =	sbr.rel @p0 .LBB2_4-.Ltmp1, $4  }
0xbf: {  	[sflag:s11] =	ssyncadd.s32 $0xFFFFD800  }
0xc0: {  	[spmem:s1] =	stream.indirect.scatter.add.f32 [tilespmem:s8], [sflag:$0x4], $0x80, s7, s29, $0xb8;
	[tilespmem:$0x1BB00] =	vst v63  }
0xc1: {  	s15 =	sadd.s32 $0xF0, s15;
	_ =	swait.ge [sflag:s25], $0x2800  }
0xc2: {  	s14 =	smov.u32 s17;
	s16 =	smov.u32 s18;
	[sflag:s25] =	ssyncset.done $0x0  }
0xc3: {  	s16 =	sadd.s32 s14, s23;
	[sflag:s25] =	ssyncadd.s32 $0xFFFFD800  }
0xc4: {  	[tilespmem:s2], [sflag:$0x4] =	stream.linear.gather [hbm4b:s16+s3], $0x50, $0x38;
	[tilespmem:$0x1BB00] =	vst v63  }
0xc5: {  	_ =	swait.ge [sflag:s25], $0x50  }
0xc6: {  	[sflag:s25] =	ssyncset.done $0x0  }
0xc7: {  	s19 =	sadd.s32 s14, s22;
	[sflag:s25] =	ssyncadd.s32 $0xFFFFFFB0  }
0xc8: {  	[tilespmem:s7], [sflag:$0x4] =	stream.linear.gather [hbm4b:s19+s3], $0x50, $0x38;
	[tilespmem:$0x1BB00] =	vst v63  }
0xc9: {  	_ =	swait.ge [sflag:s25], $0x50  }
0xca: {  	[sflag:s25] =	ssyncset.done $0x0  }
0xcb: {  	[sflag:s25] =	ssyncadd.s32 $0xFFFFFFB0  }
0xcc: {  	[tilespmem:s8], [sflag:$0x3] =	stream.indirect.gather [hbm4b:s4+s29], $0x80, s2, s29, $0xb8;
	[tilespmem:$0x1BB00] =	vst v63  }
0xcd: {  	_ =	swait.ge [sflag:s9], $0x2800  }
0xce: {  	[sflag:s9] =	ssyncset.done $0x0  }
0xcf: {  	[sflag:s9] =	ssyncadd.s32 $0xFFFFD800  }
0xd0: {  	[spmem:s1] =	stream.indirect.scatter.add.f32 [tilespmem:s24], [sflag:$0x4], $0x80, s28, s29, $0xb8;
	[tilespmem:$0x1BB00] =	vst v63  }
0xd1: {  	_ =	swait.ge [sflag:s25], $0x2800  }
0xd2: {  	s15 =	sshrl.u32 s15, $0x3;
	[sflag:s25] =	ssyncset.done $0x0  }
0xd3: {  	s17 =	sadd.s32 s5, s15;
	[sflag:s25] =	ssyncadd.s32 $0xFFFFD800  }
0xd4: {  	[tilespmem:s26], [sflag:$0x4] =	stream.linear.gather [hbm4b:s17+s3], $0x50, $0x38;
	[tilespmem:$0x1BB00] =	vst v63  }
0xd5: {  	_ =	swait.ge [sflag:s25], $0x50  }
0xd6: {  	[sflag:s25] =	ssyncset.done $0x0  }
0xd7: {  	s15 =	sadd.s32 s6, s15;
	[sflag:s25] =	ssyncadd.s32 $0xFFFFFFB0  }
0xd8: {  	[tilespmem:s28], [sflag:$0x4] =	stream.linear.gather [hbm4b:s15+s3], $0x50, $0x38;
	[tilespmem:$0x1BB00] =	vst v63  }
0xd9: {  	_ =	swait.ge [sflag:s25], $0x50  }
0xda: {  	[sflag:s25] =	ssyncset.done $0x0  }
0xdb: {  	[sflag:s25] =	ssyncadd.s32 $0xFFFFFFB0  }
0xdc: {  	[tilespmem:s24], [sflag:$0x1] =	stream.indirect.gather [hbm4b:s4+s29], $0x80, s26, s29, $0xb8;
	[tilespmem:$0x1BB00] =	vst v63  }
0xdd: {  	_ =	swait.ge [sflag:s10], $0x2800  }
0xde: {  	[sflag:s10] =	ssyncset.done $0x0  }
0xdf: {  	[sflag:s10] =	ssyncadd.s32 $0xFFFFD800  }
0xe0: {  	[spmem:s1] =	stream.indirect.scatter.add.f32 [tilespmem:s0], [sflag:$0x4], $0x80, s31, s29, $0xb8;
	[tilespmem:$0x1BB00] =	vst v63  }
0xe1: {  	_ =	swait.ge [sflag:s25], $0x2800  }
0xe2: {  	s18 =	rddreg [dreg:$0x4];
	[sflag:s25] =	ssyncset.done $0x0  }
0xe3: {  	[sflag:s25] =	ssyncadd.s32 $0xFFFFD800;
	s15 =	sadd.s32 s14, s18  }
0xe4: {  	[tilespmem:s30], [sflag:$0x4] =	stream.linear.gather [hbm4b:s15+s3], $0x50, $0x38;
	[tilespmem:$0x1BB00] =	vst v63  }
0xe5: {  	_ =	swait.ge [sflag:s25], $0x50  }
0xe6: {  	s19 =	rddreg [dreg:$0x3];
	[sflag:s25] =	ssyncset.done $0x0  }
0xe7: {  	[sflag:s25] =	ssyncadd.s32 $0xFFFFFFB0;
	s15 =	sadd.s32 s14, s19  }
0xe8: {  	[tilespmem:s31], [sflag:$0x4] =	stream.linear.gather [hbm4b:s15+s3], $0x50, $0x38;
	[tilespmem:$0x1BB00] =	vst v63  }
0xe9: {  	_ =	swait.ge [sflag:s25], $0x50  }
0xea: {  	[sflag:s25] =	ssyncset.done $0x0  }
0xeb: {  	[sflag:s25] =	ssyncadd.s32 $0xFFFFFFB0  }
0xec: {  	[tilespmem:s0], [sflag:$0x2] =	stream.indirect.gather [hbm4b:s4+s29], $0x80, s30, s29, $0xb8;
	[tilespmem:$0x1BB00] =	vst v63  }
0xed: {  	_ =	swait.ge [sflag:s11], $0x2800  }
0xee: {  	[sflag:s11] =	ssyncset.done $0x0  }
0xef: {  	[sflag:s11] =	ssyncadd.s32 $0xFFFFD800  }
0xf0: {  	[spmem:s1] =	stream.indirect.scatter.add.f32 [tilespmem:s8], [sflag:$0x4], $0x80, s7, s29, $0xb8;
	[tilespmem:$0x1BB00] =	vst v63  }
0xf1: {  	_ =	swait.ge [sflag:s25], $0x2800  }
0xf2: {  	[sflag:s25] =	ssyncset.done $0x0  }
0xf3: {  	[sflag:s25] =	ssyncadd.s32 $0xFFFFD800  }
0xf4: {  	_ =	swait.ge [sflag:s9], $0x2800  }
0xf5: {  	[sflag:s9] =	ssyncset.done $0x0  }
0xf6: {  	[sflag:s9] =	ssyncadd.s32 $0xFFFFD800  }
0xf7: {  	[spmem:s1] =	stream.indirect.scatter.add.f32 [tilespmem:s24], [sflag:$0x4], $0x80, s28, s29, $0xb8;
	[tilespmem:$0x1BB00] =	vst v63  }
0xf8: {  	_ =	swait.ge [sflag:s25], $0x2800  }
0xf9: {  	[sflag:s25] =	ssyncset.done $0x0  }
0xfa: {  	[sflag:s25] =	ssyncadd.s32 $0xFFFFD800  }
0xfb: {  	_ =	swait.ge [sflag:s10], $0x2800  }
0xfc: {  	[sflag:s10] =	ssyncset.done $0x0  }
0xfd: {  	[sflag:s10] =	ssyncadd.s32 $0xFFFFD800  }
0xfe: {  	[spmem:s1] =	stream.indirect.scatter.add.f32 [tilespmem:s0], [sflag:$0x4], $0x80, s31, s29, $0xb8;
	[tilespmem:$0x1BB00] =	vst v63  }
0xff: {  	_ =	swait.ge [sflag:s25], $0x2800  }
0x100: {  	[sflag:s25] =	ssyncset.done $0x0  }
0x101: {  	s16 =	stileid.u32;
	[sflag:s25] =	ssyncadd.s32 $0xFFFFD800  }
0x102: {  	s14 =	sshll.u32 s16, $0x6;
	[bflag:$0x0] =	sbarrier.arrive $0xFFFF  }
0x103: {  	s17 =	sshrl.u32 s12, $0x3;
	s14 =	sor.u32 $0x1C04, s14;
	s18 =	rddreg [dreg:$0x9]  }
0x104: {  	[hbm:s18], [sflag:s14] =	dma.local [spmem:s17], $0x2800  }
0x105: {  	_ =	swait.ge [sflag:s25], $0x2800  }
0x106: {  	s13 =	sadd.s32 $0x1, s13;
	s19 =	rddreg [dreg:$0xa]  }
0x107: {  	p0 =	sne.s32 s13, s19  }
.Ltmp2:
0x108: {  	_ = 	snop;
	(pc) =	sbr.rel @p0 .LBB2_1-.Ltmp2, $3  }
0x109: {  	_ =	sdelay $0x1  }
0x10a: {  	[sflag:s25] =	ssyncset.done $0x0  }
0x10b: {  	[sflag:s25] =	ssyncadd.s32 $0xFFFFD800  }
0x10c: {  	_ =	sfence.sel $0x180000  }
0x10d: {  	[bflag:$0x0] =	sbarrier.arrive $0xFFFF  }
0x10e: {  	_ =	strace $0x9000004A  }
0x10f: {  	s0 =	stileid.u32;
	[bflag:$0x2] =	sbarrier.arrive $0xFFFF  }
0x110: {  	p0 =	sne.s32 s0, $0x0;
	s0 =	rddreg [dreg:$0x2]  }
0x111: {  	s0 =	sadd.s32 @!p0 $0x100000, s0  }
0x112: {  	[sflag:s0] =	ssyncadd.tile.s32 @!p0 $0x1;
	_ =	shalt  }
.Lfunc_end2:
_tile_overlayer_lowered:
.L_overlay_start_2:
0x113: {  	(tag) =	ssettag $0x2  }
0x114: {  	s0 =	rddreg [dreg:$0x0];
	s2 =	stileid.u32  }
0x115: {  	s1 =	rddreg [dreg:$0x1];
	p0 =	sne.s32 s2, $0x0  }
0x116: {  	s3 =	rddreg [dreg:$0x2];
	[bflag:$0x3] =	sbarrier.arrive $0xFFFF;
	s2 =	simm.s32 @!p0 $0x1C04  }
0x117: {  	[timem:s3], [sflag:s2] =	dma.local @!p0 [hbm:s0], s1  }
0x118: {  	s0 =	simm.s32 @!p0 $0x4  }
0x119: {  	_ =	swait.ge @!p0 [sflag:s0], s1  }
0x11a: {  	s1 =	ssub.s32 @!p0 $0x0, s1;
	[sflag:s0] =	ssyncset.done @!p0 $0x0  }
0x11b: {  	[sflag:s0] =	ssyncadd.s32 @!p0 s1  }
0x11c: {  	[bflag:$0x3] =	sbarrier.arrive $0xFFFF  }
0x11d: {  	_ =	shalt  }

// kernel: kernel.17.cloned.1.call-start
scs
__scs_entry_jumppad:
0x0: {  	(pc) =	sbr.rel $0x88, $3  }
0x1: {  	(tag) =	ssettag $0x0;
	lr =	simm.s32 $0x1  }
0x2: {  	[smem:$0x3F95] =	sst lr;
	_ =	strace $0xD0000000  }
0x3: {  	_ = 	snop  }
0x4: {  	_ = 	snop  }
0x5: {  	_ = 	snop  }
0x6: {  	_ = 	snop  }
0x7: {  	_ = 	snop  }
__scs_overlays_trampoline_lowered:
0x8: {  	[smem:$0x3FA4] =	sst s0  }
0x9: {  	[smem:$0x3FA5] =	sst s1  }
0xa: {  	[smem:$0x3FA6] =	sst s2  }
0xb: {  	[smem:$0x3FA7] =	sst s3  }
0xc: {  	[smem:$0x3FA8] =	sst s4  }
0xd: {  	[smem:$0x3FA9] =	sst s5  }
0xe: {  	[smem:$0x3FAA] =	sst s6  }
0xf: {  	[smem:$0x3FAB] =	sst s7  }
0x10: {  	[smem:$0x3FAC] =	sst s8  }
0x11: {  	[smem:$0x3FAD] =	sst s9;
	s0 =	simm.s32 @!p0 $0x0  }
0x12: {  	s1 =	sld [smem:$0x3F93];
	s0 =	simm.s32 @p0 $0x1  }
0x13: {  	[smem:$0x3FAE] =	sst s0;
	s0 =	simm.s32 @!p1 $0x0  }
0x14: {  	s2 =	sld [smem:$0x3F92];
	s0 =	simm.s32 @p1 $0x1  }
0x15: {  	[smem:$0x3FAF] =	sst s0;
	s0 =	simm.s32 @!p2 $0x0  }
0x16: {  	s3 =	sld [smem:$0x3FDB];
	s0 =	simm.s32 @p2 $0x1  }
0x17: {  	s4 =	simm.s32 $0x1BF5;
	[smem:$0x3FB1] =	sst s0  }
0x18: {  	s0 =	sld [smem:$0x3F94];
	_ =	swait.ge [sflag:s4], $0x0  }
0x19: {  	s7 =	sld [smem:$0x3F95]  }
0x1a: {  	s8 =	sadd.s32 $0xFFFFE003, lr  }
0x1b: {  	s9 =	sadd.s32 $0xFFFFFEF7, lr;
	s5 =	simm.s32 $0xFFFFFFFF;
	p2 =	slt.u32 s8, $0xFFFFF086  }
0x1c: {  	p1 =	slt.u32 s9, $0xF7A;
	s5 =	simm.s32 @!p2 $0x0  }
0x1d: {  	s5 =	simm.s32 @p1 $0x1;
	p0 =	seq.s32 s7, s2  }
0x1e: {  	s7 =	smul.u32 @!p0 $0xF7A, s2;
	p2 =	seq.s32 @!p0 s5, $0x0  }
0x1f: {  	s9 =	smul.u32 $0xF7A, s1;
	s8 =	simm.s32 @!p0 $0x1BF5;
	p2 =	por !p2, p0  }
0x20: {  	[sflag:s8] =	ssyncset.s32 @!p0 $0xFFFFF086;
	s6 =	sadd.s32 @!p0 s3, s7;
	s7 =	simm.s32 @!p0 $0x108  }
0x21: {  	s3 =	sadd.s32 s3, s9;
	s6 =	sadd.s32 @!p0 $0x88, s6;
	s7 =	simm.s32 @p2 $0x1082  }
0x22: {  	[simem:s7], [sflag:s8] =	dma.local @!p0 [hbm:s6], $0xF7A  }
0x23: {  	s9 =	sor.u32 $0xD0000000, s2;
	s6 =	simm.s32 $0x108;
	_ =	swait.ge @!p0 [sflag:s8], $0x0  }
0x24: {  	s3 =	sadd.s32 $0x88, s3;
	s6 =	simm.s32 @!p1 $0x1082;
	[sflag:s4] =	ssyncset.s32 $0xFFFFF086  }
0x25: {  	[simem:s6], [sflag:s4] =	dma.local [hbm:s3], $0xF7A  }
0x26: {  	[smem:$0x3F95] =	sst s1;
	(tag) =	ssettag s2;
	_ =	strace s9  }
0x27: {  	s1 =	sld [smem:$0x3FA5]  }
0x28: {  	s2 =	sld [smem:$0x3FA6]  }
0x29: {  	s4 =	sld [smem:$0x3FA8]  }
0x2a: {  	p0 =	seq.s32 s5, $0x0;
	s5 =	sld [smem:$0x3FA9]  }
0x2b: {  	s6 =	sld [smem:$0x3FAA]  }
0x2c: {  	s7 =	sld [smem:$0x3FAB]  }
0x2d: {  	s3 =	simm.s32 $0x108;
	s8 =	sld [smem:$0x3FAC]  }
0x2e: {  	s3 =	simm.s32 @!p0 $0x1082;
	s9 =	sld [smem:$0x3FAD]  }
0x2f: {  	lr =	sadd.s32 s0, s3;
	s0 =	sld [smem:$0x3FA4]  }
0x30: {  	s3 =	sld [smem:$0x3FA7]  }
0x31: {  	[smem:$0x3FB0] =	sst s10  }
0x32: {  	s10 =	sld [smem:$0x3FAE];
	_ =	sdelay $0x3  }
0x33: {  	p0 =	seq.s32 s10, $0x1;
	s10 =	sld [smem:$0x3FB0];
	_ =	sdelay $0x3  }
0x34: {  	[smem:$0x3FB0] =	sst s10  }
0x35: {  	s10 =	sld [smem:$0x3FAF];
	_ =	sdelay $0x3  }
0x36: {  	p1 =	seq.s32 s10, $0x1;
	s10 =	sld [smem:$0x3FB0];
	_ =	sdelay $0x3  }
0x37: {  	[smem:$0x3FB0] =	sst s10  }
0x38: {  	s10 =	sld [smem:$0x3FB1]  }
0x39: {  	_ = 	snop;
	(pc) =	sbr.ind lr, $3  }
0x3a: {  	_ = 	snop  }
0x3b: {  	_ = 	snop  }
0x3c: {  	p2 =	seq.s32 s10, $0x1;
	s10 =	sld [smem:$0x3FB0]  }
0x3d: {  	_ =	shalt  }
0x3e: {  	_ =	shalt  }
0x3f: {  	_ =	shalt  }
0x40: {  	_ =	shalt  }
0x41: {  	_ =	shalt  }
0x42: {  	_ =	shalt  }
0x43: {  	_ =	shalt  }
0x44: {  	_ =	shalt  }
0x45: {  	_ =	shalt  }
0x46: {  	_ =	shalt  }
0x47: {  	_ =	shalt  }
0x48: {  	_ =	shalt  }
0x49: {  	_ =	shalt  }
0x4a: {  	_ =	shalt  }
0x4b: {  	_ =	shalt  }
0x4c: {  	_ =	shalt  }
0x4d: {  	_ =	shalt  }
0x4e: {  	_ =	shalt  }
0x4f: {  	_ =	shalt  }
0x50: {  	_ =	shalt  }
0x51: {  	_ =	shalt  }
0x52: {  	_ =	shalt  }
0x53: {  	_ =	shalt  }
0x54: {  	_ =	shalt  }
0x55: {  	_ =	shalt  }
0x56: {  	_ =	shalt  }
0x57: {  	_ =	shalt  }
0x58: {  	_ =	shalt  }
0x59: {  	_ =	shalt  }
0x5a: {  	_ =	shalt  }
0x5b: {  	_ =	shalt  }
0x5c: {  	_ =	shalt  }
0x5d: {  	_ =	shalt  }
0x5e: {  	_ =	shalt  }
0x5f: {  	_ =	shalt  }
0x60: {  	_ =	shalt  }
0x61: {  	_ =	shalt  }
0x62: {  	_ =	shalt  }
0x63: {  	_ =	shalt  }
0x64: {  	_ =	shalt  }
0x65: {  	_ =	shalt  }
0x66: {  	_ =	shalt  }
0x67: {  	_ =	shalt  }
0x68: {  	_ =	shalt  }
0x69: {  	_ =	shalt  }
0x6a: {  	_ =	shalt  }
0x6b: {  	_ =	shalt  }
0x6c: {  	_ =	shalt  }
0x6d: {  	_ =	shalt  }
0x6e: {  	_ =	shalt  }
0x6f: {  	_ =	shalt  }
0x70: {  	_ =	shalt  }
0x71: {  	_ =	shalt  }
0x72: {  	_ =	shalt  }
0x73: {  	_ =	shalt  }
0x74: {  	_ =	shalt  }
0x75: {  	_ =	shalt  }
0x76: {  	_ =	shalt  }
0x77: {  	_ =	shalt  }
0x78: {  	_ =	shalt  }
0x79: {  	_ =	shalt  }
0x7a: {  	_ =	shalt  }
0x7b: {  	_ =	shalt  }
0x7c: {  	_ =	shalt  }
0x7d: {  	_ =	shalt  }
0x7e: {  	_ =	shalt  }
0x7f: {  	_ =	shalt  }
0x80: {  	_ =	shalt  }
0x81: {  	_ =	shalt  }
0x82: {  	_ =	shalt  }
0x83: {  	_ =	shalt  }
0x84: {  	_ =	shalt  }
0x85: {  	_ =	shalt  }
0x86: {  	_ =	shalt  }
0x87: {  	_ =	shalt  }
.Lfunc_end0:
.L_simem_size_0:
called_computation.2_lowered:
.L_overlay_start_0:
0x88: {  	s2 =	sld [smem:$0x3FD9]  }
0x89: {  	s3 =	sld [smem:$0x3FFE];
	_ =	sdelay $0x1  }
0x8a: {  	s1 =	srdreg.scid  }
0x8b: {  	s0 =	sand.u32 $0x1, s1  }
0x8c: {  	s17 =	sshll.u32 s0, $0xA;
	s2 =	sadd.s32 s3, s2  }
0x8d: {  	s2 =	sadd.s32 s2, s17  }
0x8e: {  	[smem:$0x3FBC] =	sst s2  }
0x8f: {  	_ = 	snop  }
0x90: {  	s2 =	sld [smem:$0x3FBE]  }
0x91: {  	s18 =	sld [smem:$0x3FD0];
	(tm) =	ssettm $0x1  }
0x92: {  	s4 =	sld [smem:$0x3FFB];
	_ =	sdelay $0x3  }
0x93: {  	_ =	strace s4  }
0x94: {  	s4 =	sld [smem:$0x3FFC];
	_ =	sdelay $0x3  }
0x95: {  	_ =	strace s4  }
0x96: {  	s4 =	sld [smem:$0x3FFD];
	_ =	sdelay $0x3  }
0x97: {  	_ =	strace s4  }
0x98: {  	_ =	strace $0x8FFFFFFF  }
0x99: {  	s19 =	sld [smem:$0x3FDB];
	_ =	sdelay $0x1  }
0x9a: {  	s5 =	simm.s32 $_scs_section_size  }
0x9b: {  	s6 =	simm.s32 $_size__tile_overlayer_lowered;
	s7 =	simm.s32 $_tile_overlayer_lowered  }
0x9c: {  	s22 =	simm.s32 $0x1BFF;
	s21 =	sshll.u32 s7, $0x1;
	s4 =	sadd.s32 s5, s19  }
0x9d: {  	s8 =	simm.s32 $0x0;
	s20 =	sshll.u32 s6, $0x1;
	s6 =	sadd.s32 s21, s4  }
0x9e: {  	[timem:s8], [sflag:s22] =	dma.local [hbm:s6], s20  }
0x9f: {  	_ =	swait.ge [sflag:s22], s20  }
0xa0: {  	s5 =	ssub.s32 $0x0, s20;
	[sflag:s22] =	ssyncset.done $0x0  }
0xa1: {  	[sflag:s22] =	ssyncadd.s32 s5;
	_ =	sdelay $0x1  }
0xa2: {  	s23 =	simm.s32 $0x1B8B  }
0xa3: {  	_ =	swait.ge [sflag:s23], $0x1  }
0xa4: {  	[sflag:s23] =	ssyncset.done $0x0  }
0xa5: {  	s25 =	simm.s32 $0x1B8E;
	s24 =	sld [smem:$0x3FFE];
	[sflag:s23] =	ssyncadd.s32 $0xFFFFFFFF  }
0xa6: {  	s26 =	simm.s32 $execute0_lowered;
	[smem:$0x3FD2] =	sst s25  }
0xa7: {  	s6 =	sshll.u32 s26, $0x1;
	_ =	strace $0x8000004C;
	[dreg:$0x1] =	wrdreg $0xFFFFFFFF  }
0xa8: {  	s28 =	simm.s32 $_size_execute0_lowered;
	s4 =	sadd.s32 s4, s6;
	[dreg:$0x0] =	wrdreg $0x0  }
0xa9: {  	s6 =	sshll.u32 s28, $0x1;
	[dreg:$0x2] =	wrdreg s4  }
0xaa: {  	[dreg:$0x3] =	wrdreg s6  }
0xab: {  	[dreg:$0x4] =	wrdreg $0xC0  }
0xac: {  	_ =	task [dreg:s8], $0x5FFFF  }
0xad: {  	[dreg:$0x1] =	wrdreg $0xFFFFFFFF  }
0xae: {  	[dreg:$0x0] =	wrdreg $0x60  }
0xaf: {  	[dreg:$0x2] =	wrdreg s24  }
0xb0: {  	[dreg:$0x3] =	wrdreg s18  }
0xb1: {  	[dreg:$0x4] =	wrdreg s2  }
0xb2: {  	[dreg:$0x5] =	wrdreg $0x9  }
0xb3: {  	_ =	task.clear_ibuf [dreg:s8], $0x6FFFF;
	_ =	strace $0x9000004C  }
0xb4: {  	s29 =	simm.s32 $0x9;
	_ =	strace $0x8000004E  }
0xb5: {  	_ =	swait.ge [sflag:s29], $0x1  }
0xb6: {  	[sflag:s29] =	ssyncadd.s32 $0xFFFFFFFF  }
0xb7: {  	_ =	strace $0x9000004E  }
0xb8: {  	_ =	sfence  }
0xb9: {  	s30 =	sld [smem:$0x0];
	_ =	sdelay $0x2  }
0xba: {  	s31 =	sshll.u32 s1, $0xD;
	s1 =	sshrl.u32 s1, $0x2  }
0xbb: {  	s3 =	sand.u32 $0x4000, s31;
	s1 =	sadd.s32 s1, s30  }
0xbc: {  	s0 =	sor.u32 s3, s0;
	s1 =	sshll.u32 s1, $0x11  }
0xbd: {  	s0 =	sor.u32 s1, s0  }
0xbe: {  	s0 =	sadd.s32 $0x8F2B, s0  }
0xbf: {  	[sflag:s0] =	ssyncadd.remote.s32 $0x1  }
0xc0: {  	_ =	sfence.sel $0xFFFF  }
0xc1: {  	[dreg:$0x0] =	wrdreg $0xFFFFFFFF;
	(pc) =	sbr.abs _section_cstart, $3  }
0xc2: {  	[dreg:$0x1] =	wrdreg $0xFFFFFFFF  }
0xc3: {  	_ =	task.clear_ibuf [dreg:s8], $0x2FFFF;
	_ =	strace $0x9FFFFFFF  }
0xc4: {  	(tm) =	ssettm $0x7FFFFFFF  }
0xc5: {  	_ =	shalt  }
tec
execute0_lowered:
.L_overlay_start_1:
0x0: {  	(tag) =	ssettag $0x1  }
0x1: {  	s5 =	rddreg [dreg:$0x0]  }
0x2: {  	s6 =	rddreg [dreg:$0x1]  }
0x3: {  	s2 =	rddreg [dreg:$0x2]  }
0x4: {  	s0 =	rddreg [dreg:$0x3]  }
0x5: {  	s4 =	srdreg.scid;
	s3 =	simm.s32 $0x0;
	s1 =	stileid.u32  }
0x6: {  	s15 =	simm.s32 $0x10000;
	s16 =	simm.s32 $0x1;
	s17 =	simm.s32 $0x10200  }
0x7: {  	s18 =	simm.s32 $0x10400;
	s19 =	simm.s32 $0x10600;
	s20 =	simm.s32 $0x200  }
0x8: {  	s21 =	simm.s32 $0x10800;
	s22 =	simm.s32 $0x10A00;
	s23 =	simm.s32 $0x10C00  }
0x9: {  	s24 =	simm.s32 $0x10E00;
	s25 =	simm.s32 $0x11000;
	s26 =	simm.s32 $0x0  }
0xa: {  	s7 =	sand.u32 $0x1, s4;
	[smem:$0x7FF] =	sst s3;
	s31 =	sshll.u32 s1, $0xA  }
0xb: {  	s4 =	sadd.s32 $0x3200, s5;
	s8 =	sshll.u32 s7, $0x9;
	s7 =	ssub.s32 $0x2, s7  }
0xc: {  	_ =	strace $0x8000004D;
	s8 =	sor.u32 s8, s31;
	s11 =	sshrl.u32 s7, $0x1  }
0xd: {  	s9 =	sshrl.u32 s8, $0x3;
	s8 =	sshll.u32 s8, $0x4;
	s14 =	ssub.s32 s7, s11  }
0xe: {  	s10 =	sadd.s32 s9, s5;
	s13 =	sadd.s32 s8, s5;
	s6 =	sadd.s32 s6, s9  }
0xf: {  	s14 =	smax.u32 s14, $0x1;
	s5 =	sadd.s32 $0x106E00, s10;
	s7 =	sadd.s32 $0x107E00, s10  }
0x10: {  	s8 =	sadd.s32 $0x107600, s10;
	s9 =	sadd.s32 $0x2B200, s10;
	s10 =	sadd.s32 $0x2BA00, s13  }
0x11: {  	s11 =	sadd.s32 $0x6BA00, s13;
	s12 =	sadd.s32 $0xABA00, s13;
	s13 =	sadd.s32 $0x108600, s13  }
.LBB2_1:
0x12: {  	[tilespmem:s15], [sflag:$0x1] =	stream.linear.gather [hbm4b:s5+s3], $0x200, $0x38;
	[tilespmem:$0x11200] =	vst v63  }
0x13: {  	_ =	swait.ge [sflag:s16], $0x200  }
0x14: {  	[sflag:s16] =	ssyncset.done $0x0  }
0x15: {  	[sflag:s16] =	ssyncadd.s32 $0xFFFFFE00  }
0x16: {  	[tilespmem:s17], [sflag:$0x1] =	stream.linear.gather [hbm4b:s6+s3], $0x200, $0x38;
	[tilespmem:$0x11200] =	vst v63  }
0x17: {  	_ =	swait.ge [sflag:s16], $0x200  }
0x18: {  	[sflag:s16] =	ssyncset.done $0x0  }
0x19: {  	[sflag:s16] =	ssyncadd.s32 $0xFFFFFE00  }
0x1a: {  	[tilespmem:s18], [sflag:$0x1] =	stream.linear.gather [hbm4b:s7+s3], $0x200, $0x38;
	[tilespmem:$0x11200] =	vst v63  }
0x1b: {  	_ =	swait.ge [sflag:s16], $0x200  }
0x1c: {  	[sflag:s16] =	ssyncset.done $0x0  }
0x1d: {  	[sflag:s16] =	ssyncadd.s32 $0xFFFFFE00  }
0x1e: {  	[tilespmem:s19], [sflag:$0x1] =	stream.linear.gather [hbm4b:s8+s3], $0x200, $0x38;
	[tilespmem:$0x11200] =	vst v63  }
0x1f: {  	_ =	swait.ge [sflag:s16], $0x200  }
0x20: {  	[sflag:s16] =	ssyncset.done $0x0  }
0x21: {  	[sflag:s16] =	ssyncadd.s32 $0xFFFFFE00  }
0x22: {  	[tilespmem:s21], [sflag:$0x1] =	stream.indirect.gather [hbm4b:s2+s20], $0x1, s15, s20, $0xb8;
	[tilespmem:$0x11200] =	vst v63  }
0x23: {  	_ =	swait.ge [sflag:s16], $0x200  }
0x24: {  	[sflag:s16] =	ssyncset.done $0x0  }
0x25: {  	[sflag:s16] =	ssyncadd.s32 $0xFFFFFE00  }
0x26: {  	[tilespmem:s22], [sflag:$0x1] =	stream.indirect.gather [hbm4b:s2+s20], $0x1, s17, s20, $0xb8;
	[tilespmem:$0x11200] =	vst v63  }
0x27: {  	_ =	swait.ge [sflag:s16], $0x200  }
0x28: {  	[sflag:s16] =	ssyncset.done $0x0  }
0x29: {  	[sflag:s16] =	ssyncadd.s32 $0xFFFFFE00  }
0x2a: {  	[tilespmem:s23], [sflag:$0x1] =	stream.indirect.gather [hbm4b:s2+s20], $0x1, s18, s20, $0xb8;
	[tilespmem:$0x11200] =	vst v63  }
0x2b: {  	_ =	swait.ge [sflag:s16], $0x200  }
0x2c: {  	[sflag:s16] =	ssyncset.done $0x0  }
0x2d: {  	[sflag:s16] =	ssyncadd.s32 $0xFFFFFE00  }
0x2e: {  	[tilespmem:s24], [sflag:$0x1] =	stream.indirect.gather [hbm4b:s2+s20], $0x1, s19, s20, $0xb8;
	[tilespmem:$0x11200] =	vst v63  }
0x2f: {  	_ =	swait.ge [sflag:s16], $0x200  }
0x30: {  	[sflag:s16] =	ssyncset.done $0x0  }
0x31: {  	s28 =	simm.s32 $0x0;
	[sflag:s16] =	ssyncadd.s32 $0xFFFFFE00  }
0x32: {  	v0 =	vld [tilespmem:s28+$0x10C00]  }
0x33: {  	v1 =	vld [tilespmem:s28+$0x10E00];
	_ =	sdelay $0x1  }
0x34: {  	v2 =	vld [tilespmem:s28+$0x10800];
	_ =	sdelay $0x2  }
0x35: {  	s29 =	simm.s32 $0x10;
	v3 =	vld [tilespmem:s28+$0x10A00];
	v1 =	vadd.f32 v1, v0  }
0x36: {  	v0 =	vld [tilespmem:s29+$0x10C00]  }
0x37: {  	v4 =	vsub.f32 v1, v2;
	v2 =	vld [tilespmem:s29+$0x10E00];
	_ =	sdelay $0x1  }
0x38: {  	v1 =	vld [tilespmem:s29+$0x10800]  }
0x39: {  	s30 =	simm.s32 $0x80;
	v3 =	vsub.f32 v4, v3  }
.LBB2_2:
0x3a: {  	s31 =	sshra.s32 s30, $0x2;
	v4 =	vld [tilespmem:s29+$0x10A00];
	p0 =	sne.s32 s30, $0x7C0  }
.Ltmp0:
0x3b: {  	s30 =	sadd.s32 $0x40, s30;
	v5 =	vadd.f32 v2, v0;
	v0 =	vld [tilespmem:s31+$0x10C00];
	[tilespmem:s28+$0x11000] =	vst v3;
	(pc) =	sbr.rel @p0 .LBB2_2-.Ltmp0, $4  }
0x3c: {  	s28 =	smov.u32 s29;
	s29 =	smov.u32 s31;
	v2 =	vld [tilespmem:s31+$0x10E00]  }
0x3d: {  	v3 =	vsub.f32 v5, v1  }
0x3e: {  	v1 =	vld [tilespmem:s29+$0x10800]  }
0x3f: {  	v3 =	vsub.f32 v3, v4  }
0x40: {  	v4 =	vld [tilespmem:s29+$0x10A00]  }
0x41: {  	v0 =	vadd.f32 v2, v0;
	_ =	sdelay $0x1  }
0x42: {  	v0 =	vsub.f32 v0, v1;
	_ =	sdelay $0x1  }
0x43: {  	v0 =	vsub.f32 v0, v4  }
0x44: {  	[tilespmem:s28+$0x11000] =	vst v3  }
0x45: {  	[tilespmem:s29+$0x11000] =	vst v0  }
0x46: {  	[hbm4b:s9+s3] =	stream.linear.scatter [tilespmem:s25], [sflag:$0x1], $0x200, $0x38;
	[tilespmem:$0x11200] =	vst v63  }
0x47: {  	_ =	swait.ge [sflag:s16], $0x200  }
0x48: {  	[sflag:s16] =	ssyncset.done $0x0  }
0x49: {  	[sflag:s16] =	ssyncadd.s32 $0xFFFFFE00  }
0x4a: {  	[tilespmem:s3], [sflag:$0x1] =	stream.indirect.gather [hbm4b:s4+s20], $0x80, s15, s20, $0xb8;
	[tilespmem:$0x11200] =	vst v63  }
0x4b: {  	_ =	swait.ge [sflag:s16], $0x10000  }
0x4c: {  	[sflag:s16] =	ssyncset.done $0x0  }
0x4d: {  	[sflag:s16] =	ssyncadd.s32 $0xFFFF0000  }
0x4e: {  	[hbm4b:s10+s3] =	stream.linear.scatter [tilespmem:s3], [sflag:$0x1], $0x10000, $0x38;
	[tilespmem:$0x11200] =	vst v63  }
0x4f: {  	_ =	swait.ge [sflag:s16], $0x10000  }
0x50: {  	[sflag:s16] =	ssyncset.done $0x0  }
0x51: {  	[sflag:s16] =	ssyncadd.s32 $0xFFFF0000  }
0x52: {  	[tilespmem:s3], [sflag:$0x1] =	stream.indirect.gather [hbm4b:s4+s20], $0x80, s17, s20, $0xb8;
	[tilespmem:$0x11200] =	vst v63  }
0x53: {  	_ =	swait.ge [sflag:s16], $0x10000  }
0x54: {  	[sflag:s16] =	ssyncset.done $0x0  }
0x55: {  	[sflag:s16] =	ssyncadd.s32 $0xFFFF0000  }
0x56: {  	[hbm4b:s11+s3] =	stream.linear.scatter [tilespmem:s3], [sflag:$0x1], $0x10000, $0x38;
	[tilespmem:$0x11200] =	vst v63  }
0x57: {  	_ =	swait.ge [sflag:s16], $0x10000  }
0x58: {  	[sflag:s16] =	ssyncset.done $0x0  }
0x59: {  	[sflag:s16] =	ssyncadd.s32 $0xFFFF0000  }
0x5a: {  	[tilespmem:s3], [sflag:$0x1] =	stream.indirect.gather [hbm4b:s4+s20], $0x80, s18, s20, $0xb8;
	[tilespmem:$0x11200] =	vst v63  }
0x5b: {  	_ =	swait.ge [sflag:s16], $0x10000  }
0x5c: {  	[sflag:s16] =	ssyncset.done $0x0  }
0x5d: {  	[sflag:s16] =	ssyncadd.s32 $0xFFFF0000  }
0x5e: {  	[hbm4b:s12+s3] =	stream.linear.scatter [tilespmem:s3], [sflag:$0x1], $0x10000, $0x38;
	[tilespmem:$0x11200] =	vst v63  }
0x5f: {  	_ =	swait.ge [sflag:s16], $0x10000  }
0x60: {  	[sflag:s16] =	ssyncset.done $0x0  }
0x61: {  	[sflag:s16] =	ssyncadd.s32 $0xFFFF0000  }
0x62: {  	[tilespmem:s3], [sflag:$0x1] =	stream.indirect.gather [hbm4b:s4+s20], $0x80, s19, s20, $0xb8;
	[tilespmem:$0x11200] =	vst v63  }
0x63: {  	s26 =	sadd.s32 $0x1, s26;
	_ =	swait.ge [sflag:s16], $0x10000  }
0x64: {  	p0 =	sne.s32 s26, s14;
	[sflag:s16] =	ssyncset.done $0x0  }
.Ltmp1:
0x65: {  	[sflag:s16] =	ssyncadd.s32 $0xFFFF0000;
	(pc) =	sbr.rel @p0 .LBB2_1-.Ltmp1, $4  }
0x66: {  	[hbm4b:s13+s3] =	stream.linear.scatter [tilespmem:s3], [sflag:$0x1], $0x10000, $0x38;
	[tilespmem:$0x11200] =	vst v63  }
0x67: {  	_ =	swait.ge [sflag:s16], $0x10000  }
0x68: {  	[sflag:s16] =	ssyncset.done $0x0  }
0x69: {  	[sflag:s16] =	ssyncadd.s32 $0xFFFF0000  }
0x6a: {  	_ =	sfence.sel $0x180000  }
0x6b: {  	[bflag:$0x0] =	sbarrier.arrive $0xFFFF  }
0x6c: {  	p0 =	sne.s32 s1, $0x0;
	_ =	strace $0x9000004D  }
0x6d: {  	s0 =	sadd.s32 @!p0 $0x100000, s0;
	[bflag:$0x2] =	sbarrier.arrive $0xFFFF  }
0x6e: {  	[sflag:s0] =	ssyncadd.tile.s32 @!p0 $0x1;
	_ =	shalt  }
.Lfunc_end2:
_tile_overlayer_lowered:
.L_overlay_start_2:
0x6f: {  	(tag) =	ssettag $0x2  }
0x70: {  	s0 =	rddreg [dreg:$0x0];
	s2 =	stileid.u32  }
0x71: {  	s1 =	rddreg [dreg:$0x1];
	p0 =	sne.s32 s2, $0x0  }
0x72: {  	s3 =	rddreg [dreg:$0x2];
	[bflag:$0x3] =	sbarrier.arrive $0xFFFF;
	s2 =	simm.s32 @!p0 $0x1C01  }
0x73: {  	[timem:s3], [sflag:s2] =	dma.local @!p0 [hbm:s0], s1  }
0x74: {  	s0 =	simm.s32 @!p0 $0x1  }
0x75: {  	_ =	swait.ge @!p0 [sflag:s0], s1  }
0x76: {  	s1 =	ssub.s32 @!p0 $0x0, s1;
	[sflag:s0] =	ssyncset.done @!p0 $0x0  }
0x77: {  	[sflag:s0] =	ssyncadd.s32 @!p0 s1  }
0x78: {  	[bflag:$0x3] =	sbarrier.arrive $0xFFFF  }
0x79: {  	_ =	shalt  }

</sc_bundles>
